<compile_context>
chip_gen: v7x
topology: tpu7x:2x2x1
jax: 0.10.2.dev20260603
libtpu: 0.0.44.dev20260713+nightly
codegen_flags: <defaults>
</compile_context>

<pallas_src>
import jax
import jax.numpy as jnp
from jax import lax
from jax.experimental import pallas as pl
from jax.experimental.pallas import tpu as pltpu
from jax.experimental.pallas import tpu_sc as plsc

_NC = 1000
_SMOOTHING = 0.1
_CONF = 1.0 - _SMOOTHING
_EPS = _SMOOTHING / (_NC - 1)
_BLK = 2048
_N = 16384

_NWORK = 32
_SC_ROWS = 2048
_RPW = _SC_ROWS // _NWORK
_CHUNKS = _RPW // 8
_SC_STEPS = _SC_ROWS // _BLK
_CSPLIT = 992


def _sc_body(pred_hbm, out_hbm, buf_v, acc_v, sem):
    wid = lax.axis_index("s") * 2 + lax.axis_index("c")
    base = wid * _RPW

    def _chunk(ch, acc):
        row0 = pl.multiple_of(base + ch * 8, 8)
        pltpu.sync_copy(pred_hbm.at[pl.ds(row0, 8), :], buf_v)
        for r in range(8):
            for c in range(_CSPLIT // 16):
                acc = acc + buf_v[r, pl.ds(c * 16, 16)]
        return acc

    acc = lax.fori_loop(0, _CHUNKS, _chunk, jnp.zeros((16,), jnp.float32))
    acc_v[...] = acc
    pltpu.sync_copy(acc_v, out_hbm.at[wid])


def _loss_block(pred_ref, tgt_ref, out_ref):
    i = pl.program_id(0)
    ng = pl.num_programs(0)
    x = pred_ref[...]
    t = tgt_ref[...]
    m = jnp.max(x, axis=1, keepdims=True)
    s = jnp.sum(jnp.exp(x - m), axis=1, keepdims=True)
    lse = m + jnp.log(s)
    col = jax.lax.broadcasted_iota(jnp.int32, (1, _NC), 1)
    p_t = jnp.sum(jnp.where(col == t, x, 0.0), axis=1, keepdims=True)
    full_sum = jnp.sum(x)
    tail_sum = jnp.sum(jnp.where(col >= _CSPLIT, x, 0.0))
    region_sum = jnp.where(i < _SC_STEPS, tail_sum, full_sum)
    blk = (jnp.sum(lse - (_CONF - _EPS) * p_t)
           - _EPS * region_sum).reshape(1, 1)

    @pl.when(i == 0)
    def _init():
        out_ref[...] = jnp.zeros((1, 1), jnp.float32)

    out_ref[...] += blk

    @pl.when(i == ng - 1)
    def _final():
        out_ref[...] = out_ref[...] * (1.0 / _N)


def kernel(pred, target):
    n = target.shape[0]
    tgt2d = target.astype(jnp.int32).reshape(n, 1)

    mesh = plsc.VectorSubcoreMesh(core_axis_name="c", subcore_axis_name="s")
    sc_sums = pl.kernel(
        _sc_body,
        mesh=mesh,
        out_type=jax.ShapeDtypeStruct((_NWORK, 16), jnp.float32),
        scratch_types=[
            pltpu.VMEM((8, _NC), jnp.float32),
            pltpu.VMEM((16,), jnp.float32),
            pltpu.SemaphoreType.DMA,
        ],
    )(pred)

    grid = n // _BLK
    total = pl.pallas_call(
        _loss_block,
        grid=(grid,),
        in_specs=[
            pl.BlockSpec((_BLK, _NC), lambda i: (i, 0)),
            pl.BlockSpec((_BLK, 1), lambda i: (i, 0)),
        ],
        out_specs=pl.BlockSpec((1, 1), lambda i: (0, 0)),
        out_shape=jax.ShapeDtypeStruct((1, 1), jnp.float32),
    )(pred, tgt2d)

    return total[0, 0] - (_EPS / n) * jnp.sum(sc_sums)

# --- scband reference (transcript-rebuilt; emitter-appended) ---
"""Pipeline reference for scband-label-smoothing-loss-73778948211166 (READ-ONLY COPY).

The authoritative reference and input builder live on the scoring server;
editing this copy changes nothing except your own understanding.
"""

import jax, jax.numpy as jnp
import numpy as np

NUM_CLASSES = 1000
SMOOTHING = 0.1
CONFIDENCE = 1.0 - SMOOTHING


def setup_inputs(seed: int = 0) -> dict:
    key = jax.random.key(seed)
    k1, k2 = jax.random.split(key)
    pred = jax.random.normal(k1, (16384, NUM_CLASSES), dtype=jnp.float32)
    target = jax.random.randint(k2, (16384,), 0, NUM_CLASSES, dtype=jnp.int64 if jax.config.jax_enable_x64 else jnp.int32)
    return {"pred": pred, "target": target}


def reference(pred, target):
    n = target.shape[0]
    # true_dist filled with smoothing/(C-1), then scatter confidence at target index
    true_dist = jnp.full((n, NUM_CLASSES), SMOOTHING / (NUM_CLASSES - 1), dtype=pred.dtype)
    true_dist = true_dist.at[jnp.arange(n), target].set(CONFIDENCE)
    logp = jax.nn.log_softmax(pred, axis=-1)
    return jnp.mean(jnp.sum(-true_dist * logp, axis=-1))

if __name__ == "__main__":
    import jax
    _d = setup_inputs()
    print(jax.jit(kernel)(*tuple(_d.values())))

</pallas_src>

<mosaic_0001>
#map = affine_map<(d0, d1) -> (0, 0)>
module attributes {stable_mosaic.version = 14 : i64} {
  func.func @_sc_body(%arg0: i32, %arg1: i32, %arg2: memref<16384x1000xf32, #tpu.memory_space<hbm>>, %arg3: memref<32x16xf32, #tpu.memory_space<hbm>>, %arg4: memref<8x1000xf32, #tpu.memory_space<vmem>>, %arg5: memref<16xf32, #tpu.memory_space<vmem>>, %arg6: memref<!tpu.dma_semaphore, #tpu.memory_space<semaphore_mem>>) attributes {dimension_semantics = [#tpu.dimension_semantics<core_parallel>, #tpu.dimension_semantics<subcore_parallel>], iteration_bounds = array<i64: 2, 16>, scalar_prefetch = 0 : i64, scratch_operands = 3 : i64, tpu.core_type = #tpu.core_type<sc_vector_subcore>, window_params = [{transform_indices = #map}, {transform_indices = #map}]} {
    %mul3A = arith.constant 2 : i32
    %mul3A_0 = arith.muli %arg1, %mul3A : i32
    %add3A = arith.addi %mul3A_0, %arg0 : i32
    %mul3A_1 = arith.constant 64 : i32
    %mul3A_2 = arith.muli %add3A, %mul3A_1 : i32
    %broadcast_in_dim3A = arith.constant 0.000000e+00 : f32
    %broadcast_in_dim3A_3 = vector.broadcast %broadcast_in_dim3A : f32 to vector<16xf32>
    %scan3A = arith.constant 0 : i32
    %scan3A_4 = arith.constant 8 : i32
    %scan3A_5 = arith.addi %scan3A, %scan3A_4 : i32
    %scan3A_6 = arith.constant 1 : i32
    %scan3A_7 = scf.for %scan3A_12 = %scan3A to %scan3A_5 step %scan3A_6 iter_args(%scan3A_13 = %broadcast_in_dim3A_3) -> (vector<16xf32>)  : i32 {
      %mul3A_14 = arith.constant 8 : i32
      %mul3A_15 = arith.muli %scan3A_12, %mul3A_14 : i32
      %add3A_16 = arith.addi %mul3A_2, %mul3A_15 : i32
      %multiple_of3A = tpu.assume_multiple %add3A_16, 8 : i32
      "tpu.region"() ({
        %run_scoped3A = tpu.sem_alloc : memref<!tpu.dma_semaphore, #tpu.memory_space<semaphore_mem>>
        %dma_start3A = arith.constant 0 : i32
        %dma_start3A_2992 = tpu.memref_slice %arg2[%multiple_of3A, %dma_start3A] : memref<16384x1000xf32, #tpu.memory_space<hbm>> -> memref<8x1000xf32, #tpu.memory_space<hbm>>
        %dma_start3A_2993 = arith.constant 0 : i32
        %dma_start3A_2994 = tpu.memref_slice %arg2[%multiple_of3A, %dma_start3A_2993] : memref<16384x1000xf32, #tpu.memory_space<hbm>> -> memref<8x1000xf32, #tpu.memory_space<hbm>>
        tpu.enqueue_dma source(%dma_start3A_2994 : memref<8x1000xf32, #tpu.memory_space<hbm>>) target(%arg4 : memref<8x1000xf32, #tpu.memory_space<vmem>>) target_semaphore(%run_scoped3A : memref<!tpu.dma_semaphore, #tpu.memory_space<semaphore_mem>>)
        %dma_wait3A = arith.constant 0 : i32
        %dma_wait3A_2995 = tpu.memref_slice %arg2[%multiple_of3A, %dma_wait3A] : memref<16384x1000xf32, #tpu.memory_space<hbm>> -> memref<8x1000xf32, #tpu.memory_space<hbm>>
        %dma_wait3A_2996 = arith.constant 0 : i32
        %dma_wait3A_2997 = tpu.memref_slice %arg2[%multiple_of3A, %dma_wait3A_2996] : memref<16384x1000xf32, #tpu.memory_space<hbm>> -> memref<8x1000xf32, #tpu.memory_space<hbm>>
        tpu.wait_dma2 semaphore(%run_scoped3A : memref<!tpu.dma_semaphore, #tpu.memory_space<semaphore_mem>>) src(%dma_wait3A_2997 : memref<8x1000xf32, #tpu.memory_space<hbm>>) dst(%arg4 : memref<8x1000xf32, #tpu.memory_space<vmem>>)
        tpu.yield
      }) : () -> ()
      %get3A = arith.constant 0 : i32
      %get3A_17 = arith.index_cast %get3A : i32 to index
      %get3A_18 = arith.constant 0 : index
      %get3A_19 = tpu.vector_load %arg4[%get3A_17, %get3A_18] {strides = array<i32>} : memref<8x1000xf32, #tpu.memory_space<vmem>>, vector<1x16xf32>,
      %get3A_20 = vector.shape_cast %get3A_19 : vector<1x16xf32> to vector<16xf32>
      %add3A_21 = arith.addf %scan3A_13, %get3A_20 : vector<16xf32>
      %get3A_22 = arith.constant 0 : i32
      %get3A_23 = arith.index_cast %get3A_22 : i32 to index
      %get3A_24 = arith.constant 16 : index
      %get3A_25 = tpu.vector_load %arg4[%get3A_23, %get3A_24] {strides = array<i32>} : memref<8x1000xf32, #tpu.memory_space<vmem>>, vector<1x16xf32>,
      %get3A_26 = vector.shape_cast %get3A_25 : vector<1x16xf32> to vector<16xf32>
      %add3A_27 = arith.addf %add3A_21, %get3A_26 : vector<16xf32>
      %get3A_28 = arith.constant 0 : i32
      %get3A_29 = arith.index_cast %get3A_28 : i32 to index
      %get3A_30 = arith.constant 32 : index
      %get3A_31 = tpu.vector_load %arg4[%get3A_29, %get3A_30] {strides = array<i32>} : memref<8x1000xf32, #tpu.memory_space<vmem>>, vector<1x16xf32>,
      %get3A_32 = vector.shape_cast %get3A_31 : vector<1x16xf32> to vector<16xf32>
      %add3A_33 = arith.addf %add3A_27, %get3A_32 : vector<16xf32>
      %get3A_34 = arith.constant 0 : i32
      %get3A_35 = arith.index_cast %get3A_34 : i32 to index
      %get3A_36 = arith.constant 48 : index
      %get3A_37 = tpu.vector_load %arg4[%get3A_35, %get3A_36] {strides = array<i32>} : memref<8x1000xf32, #tpu.memory_space<vmem>>, vector<1x16xf32>,
      %get3A_38 = vector.shape_cast %get3A_37 : vector<1x16xf32> to vector<16xf32>
      %add3A_39 = arith.addf %add3A_33, %get3A_38 : vector<16xf32>
      %get3A_40 = arith.constant 0 : i32
      %get3A_41 = arith.index_cast %get3A_40 : i32 to index
      %get3A_42 = arith.constant 64 : index
      %get3A_43 = tpu.vector_load %arg4[%get3A_41, %get3A_42] {strides = array<i32>} : memref<8x1000xf32, #tpu.memory_space<vmem>>, vector<1x16xf32>,
      %get3A_44 = vector.shape_cast %get3A_43 : vector<1x16xf32> to vector<16xf32>
      %add3A_45 = arith.addf %add3A_39, %get3A_44 : vector<16xf32>
      %get3A_46 = arith.constant 0 : i32
      %get3A_47 = arith.index_cast %get3A_46 : i32 to index
      %get3A_48 = arith.constant 80 : index
      %get3A_49 = tpu.vector_load %arg4[%get3A_47, %get3A_48] {strides = array<i32>} : memref<8x1000xf32, #tpu.memory_space<vmem>>, vector<1x16xf32>,
      %get3A_50 = vector.shape_cast %get3A_49 : vector<1x16xf32> to vector<16xf32>
      %add3A_51 = arith.addf %add3A_45, %get3A_50 : vector<16xf32>
      %get3A_52 = arith.constant 0 : i32
      %get3A_53 = arith.index_cast %get3A_52 : i32 to index
      %get3A_54 = arith.constant 96 : index
      %get3A_55 = tpu.vector_load %arg4[%get3A_53, %get3A_54] {strides = array<i32>} : memref<8x1000xf32, #tpu.memory_space<vmem>>, vector<1x16xf32>,
      %get3A_56 = vector.shape_cast %get3A_55 : vector<1x16xf32> to vector<16xf32>
      %add3A_57 = arith.addf %add3A_51, %get3A_56 : vector<16xf32>
      %get3A_58 = arith.constant 0 : i32
      %get3A_59 = arith.index_cast %get3A_58 : i32 to index
      %get3A_60 = arith.constant 112 : index
      %get3A_61 = tpu.vector_load %arg4[%get3A_59, %get3A_60] {strides = array<i32>} : memref<8x1000xf32, #tpu.memory_space<vmem>>, vector<1x16xf32>,
      %get3A_62 = vector.shape_cast %get3A_61 : vector<1x16xf32> to vector<16xf32>
      %add3A_63 = arith.addf %add3A_57, %get3A_62 : vector<16xf32>
      %get3A_64 = arith.constant 0 : i32
      %get3A_65 = arith.index_cast %get3A_64 : i32 to index
      %get3A_66 = arith.constant 128 : index
      %get3A_67 = tpu.vector_load %arg4[%get3A_65, %get3A_66] {strides = array<i32>} : memref<8x1000xf32, #tpu.memory_space<vmem>>, vector<1x16xf32>,
      %get3A_68 = vector.shape_cast %get3A_67 : vector<1x16xf32> to vector<16xf32>
      %add3A_69 = arith.addf %add3A_63, %get3A_68 : vector<16xf32>
      %get3A_70 = arith.constant 0 : i32
      %get3A_71 = arith.index_cast %get3A_70 : i32 to index
      %get3A_72 = arith.constant 144 : index
      %get3A_73 = tpu.vector_load %arg4[%get3A_71, %get3A_72] {strides = array<i32>} : memref<8x1000xf32, #tpu.memory_space<vmem>>, vector<1x16xf32>,
      %get3A_74 = vector.shape_cast %get3A_73 : vector<1x16xf32> to vector<16xf32>
      %add3A_75 = arith.addf %add3A_69, %get3A_74 : vector<16xf32>
      %get3A_76 = arith.constant 0 : i32
      %get3A_77 = arith.index_cast %get3A_76 : i32 to index
      %get3A_78 = arith.constant 160 : index
      %get3A_79 = tpu.vector_load %arg4[%get3A_77, %get3A_78] {strides = array<i32>} : memref<8x1000xf32, #tpu.memory_space<vmem>>, vector<1x16xf32>,
      %get3A_80 = vector.shape_cast %get3A_79 : vector<1x16xf32> to vector<16xf32>
      %add3A_81 = arith.addf %add3A_75, %get3A_80 : vector<16xf32>
      %get3A_82 = arith.constant 0 : i32
      %get3A_83 = arith.index_cast %get3A_82 : i32 to index
      %get3A_84 = arith.constant 176 : index
      %get3A_85 = tpu.vector_load %arg4[%get3A_83, %get3A_84] {strides = array<i32>} : memref<8x1000xf32, #tpu.memory_space<vmem>>, vector<1x16xf32>,
      %get3A_86 = vector.shape_cast %get3A_85 : vector<1x16xf32> to vector<16xf32>
      %add3A_87 = arith.addf %add3A_81, %get3A_86 : vector<16xf32>
      %get3A_88 = arith.constant 0 : i32
      %get3A_89 = arith.index_cast %get3A_88 : i32 to index
      %get3A_90 = arith.constant 192 : index
      %get3A_91 = tpu.vector_load %arg4[%get3A_89, %get3A_90] {strides = array<i32>} : memref<8x1000xf32, #tpu.memory_space<vmem>>, vector<1x16xf32>,
      %get3A_92 = vector.shape_cast %get3A_91 : vector<1x16xf32> to vector<16xf32>
      %add3A_93 = arith.addf %add3A_87, %get3A_92 : vector<16xf32>
      %get3A_94 = arith.constant 0 : i32
      %get3A_95 = arith.index_cast %get3A_94 : i32 to index
      %get3A_96 = arith.constant 208 : index
      %get3A_97 = tpu.vector_load %arg4[%get3A_95, %get3A_96] {strides = array<i32>} : memref<8x1000xf32, #tpu.memory_space<vmem>>, vector<1x16xf32>,
      %get3A_98 = vector.shape_cast %get3A_97 : vector<1x16xf32> to vector<16xf32>
      %add3A_99 = arith.addf %add3A_93, %get3A_98 : vector<16xf32>
      %get3A_100 = arith.constant 0 : i32
      %get3A_101 = arith.index_cast %get3A_100 : i32 to index
      %get3A_102 = arith.constant 224 : index
      %get3A_103 = tpu.vector_load %arg4[%get3A_101, %get3A_102] {strides = array<i32>} : memref<8x1000xf32, #tpu.memory_space<vmem>>, vector<1x16xf32>,
      %get3A_104 = vector.shape_cast %get3A_103 : vector<1x16xf32> to vector<16xf32>
      %add3A_105 = arith.addf %add3A_99, %get3A_104 : vector<16xf32>
      %get3A_106 = arith.constant 0 : i32
      %get3A_107 = arith.index_cast %get3A_106 : i32 to index
      %get3A_108 = arith.constant 240 : index
      %get3A_109 = tpu.vector_load %arg4[%get3A_107, %get3A_108] {strides = array<i32>} : memref<8x1000xf32, #tpu.memory_space<vmem>>, vector<1x16xf32>,
      %get3A_110 = vector.shape_cast %get3A_109 : vector<1x16xf32> to vector<16xf32>
      %add3A_111 = arith.addf %add3A_105, %get3A_110 : vector<16xf32>
      %get3A_112 = arith.constant 0 : i32
      %get3A_113 = arith.index_cast %get3A_112 : i32 to index
      %get3A_114 = arith.constant 256 : index
      %get3A_115 = tpu.vector_load %arg4[%get3A_113, %get3A_114] {strides = array<i32>} : memref<8x1000xf32, #tpu.memory_space<vmem>>, vector<1x16xf32>,
      %get3A_116 = vector.shape_cast %get3A_115 : vector<1x16xf32> to vector<16xf32>
      %add3A_117 = arith.addf %add3A_111, %get3A_116 : vector<16xf32>
      %get3A_118 = arith.constant 0 : i32
      %get3A_119 = arith.index_cast %get3A_118 : i32 to index
      %get3A_120 = arith.constant 272 : index
      %get3A_121 = tpu.vector_load %arg4[%get3A_119, %get3A_120] {strides = array<i32>} : memref<8x1000xf32, #tpu.memory_space<vmem>>, vector<1x16xf32>,
      %get3A_122 = vector.shape_cast %get3A_121 : vector<1x16xf32> to vector<16xf32>
      %add3A_123 = arith.addf %add3A_117, %get3A_122 : vector<16xf32>
      %get3A_124 = arith.constant 0 : i32
      %get3A_125 = arith.index_cast %get3A_124 : i32 to index
      %get3A_126 = arith.constant 288 : index
      %get3A_127 = tpu.vector_load %arg4[%get3A_125, %get3A_126] {strides = array<i32>} : memref<8x1000xf32, #tpu.memory_space<vmem>>, vector<1x16xf32>,
      %get3A_128 = vector.shape_cast %get3A_127 : vector<1x16xf32> to vector<16xf32>
      %add3A_129 = arith.addf %add3A_123, %get3A_128 : vector<16xf32>
      %get3A_130 = arith.constant 0 : i32
      %get3A_131 = arith.index_cast %get3A_130 : i32 to index
      %get3A_132 = arith.constant 304 : index
      %get3A_133 = tpu.vector_load %arg4[%get3A_131, %get3A_132] {strides = array<i32>} : memref<8x1000xf32, #tpu.memory_space<vmem>>, vector<1x16xf32>,
      %get3A_134 = vector.shape_cast %get3A_133 : vector<1x16xf32> to vector<16xf32>
      %add3A_135 = arith.addf %add3A_129, %get3A_134 : vector<16xf32>
      %get3A_136 = arith.constant 0 : i32
      %get3A_137 = arith.index_cast %get3A_136 : i32 to index
      %get3A_138 = arith.constant 320 : index
      %get3A_139 = tpu.vector_load %arg4[%get3A_137, %get3A_138] {strides = array<i32>} : memref<8x1000xf32, #tpu.memory_space<vmem>>, vector<1x16xf32>,
      %get3A_140 = vector.shape_cast %get3A_139 : vector<1x16xf32> to vector<16xf32>
      %add3A_141 = arith.addf %add3A_135, %get3A_140 : vector<16xf32>
      %get3A_142 = arith.constant 0 : i32
      %get3A_143 = arith.index_cast %get3A_142 : i32 to index
      %get3A_144 = arith.constant 336 : index
      %get3A_145 = tpu.vector_load %arg4[%get3A_143, %get3A_144] {strides = array<i32>} : memref<8x1000xf32, #tpu.memory_space<vmem>>, vector<1x16xf32>,
      %get3A_146 = vector.shape_cast %get3A_145 : vector<1x16xf32> to vector<16xf32>
      %add3A_147 = arith.addf %add3A_141, %get3A_146 : vector<16xf32>
      %get3A_148 = arith.constant 0 : i32
      %get3A_149 = arith.index_cast %get3A_148 : i32 to index
      %get3A_150 = arith.constant 352 : index
      %get3A_151 = tpu.vector_load %arg4[%get3A_149, %get3A_150] {strides = array<i32>} : memref<8x1000xf32, #tpu.memory_space<vmem>>, vector<1x16xf32>,
      %get3A_152 = vector.shape_cast %get3A_151 : vector<1x16xf32> to vector<16xf32>
      %add3A_153 = arith.addf %add3A_147, %get3A_152 : vector<16xf32>
      %get3A_154 = arith.constant 0 : i32
      %get3A_155 = arith.index_cast %get3A_154 : i32 to index
      %get3A_156 = arith.constant 368 : index
      %get3A_157 = tpu.vector_load %arg4[%get3A_155, %get3A_156] {strides = array<i32>} : memref<8x1000xf32, #tpu.memory_space<vmem>>, vector<1x16xf32>,
      %get3A_158 = vector.shape_cast %get3A_157 : vector<1x16xf32> to vector<16xf32>
      %add3A_159 = arith.addf %add3A_153, %get3A_158 : vector<16xf32>
      %get3A_160 = arith.constant 0 : i32
      %get3A_161 = arith.index_cast %get3A_160 : i32 to index
      %get3A_162 = arith.constant 384 : index
      %get3A_163 = tpu.vector_load %arg4[%get3A_161, %get3A_162] {strides = array<i32>} : memref<8x1000xf32, #tpu.memory_space<vmem>>, vector<1x16xf32>,
      %get3A_164 = vector.shape_cast %get3A_163 : vector<1x16xf32> to vector<16xf32>
      %add3A_165 = arith.addf %add3A_159, %get3A_164 : vector<16xf32>
      %get3A_166 = arith.constant 0 : i32
      %get3A_167 = arith.index_cast %get3A_166 : i32 to index
      %get3A_168 = arith.constant 400 : index
      %get3A_169 = tpu.vector_load %arg4[%get3A_167, %get3A_168] {strides = array<i32>} : memref<8x1000xf32, #tpu.memory_space<vmem>>, vector<1x16xf32>,
      %get3A_170 = vector.shape_cast %get3A_169 : vector<1x16xf32> to vector<16xf32>
      %add3A_171 = arith.addf %add3A_165, %get3A_170 : vector<16xf32>
      %get3A_172 = arith.constant 0 : i32
      %get3A_173 = arith.index_cast %get3A_172 : i32 to index
      %get3A_174 = arith.constant 416 : index
      %get3A_175 = tpu.vector_load %arg4[%get3A_173, %get3A_174] {strides = array<i32>} : memref<8x1000xf32, #tpu.memory_space<vmem>>, vector<1x16xf32>,
      %get3A_176 = vector.shape_cast %get3A_175 : vector<1x16xf32> to vector<16xf32>
      %add3A_177 = arith.addf %add3A_171, %get3A_176 : vector<16xf32>
      %get3A_178 = arith.constant 0 : i32
      %get3A_179 = arith.index_cast %get3A_178 : i32 to index
      %get3A_180 = arith.constant 432 : index
      %get3A_181 = tpu.vector_load %arg4[%get3A_179, %get3A_180] {strides = array<i32>} : memref<8x1000xf32, #tpu.memory_space<vmem>>, vector<1x16xf32>,
      %get3A_182 = vector.shape_cast %get3A_181 : vector<1x16xf32> to vector<16xf32>
      %add3A_183 = arith.addf %add3A_177, %get3A_182 : vector<16xf32>
      %get3A_184 = arith.constant 0 : i32
      %get3A_185 = arith.index_cast %get3A_184 : i32 to index
      %get3A_186 = arith.constant 448 : index
      %get3A_187 = tpu.vector_load %arg4[%get3A_185, %get3A_186] {strides = array<i32>} : memref<8x1000xf32, #tpu.memory_space<vmem>>, vector<1x16xf32>,
      %get3A_188 = vector.shape_cast %get3A_187 : vector<1x16xf32> to vector<16xf32>
      %add3A_189 = arith.addf %add3A_183, %get3A_188 : vector<16xf32>
      %get3A_190 = arith.constant 0 : i32
      %get3A_191 = arith.index_cast %get3A_190 : i32 to index
      %get3A_192 = arith.constant 464 : index
      %get3A_193 = tpu.vector_load %arg4[%get3A_191, %get3A_192] {strides = array<i32>} : memref<8x1000xf32, #tpu.memory_space<vmem>>, vector<1x16xf32>,
      %get3A_194 = vector.shape_cast %get3A_193 : vector<1x16xf32> to vector<16xf32>
      %add3A_195 = arith.addf %add3A_189, %get3A_194 : vector<16xf32>
      %get3A_196 = arith.constant 0 : i32
      %get3A_197 = arith.index_cast %get3A_196 : i32 to index
      %get3A_198 = arith.constant 480 : index
      %get3A_199 = tpu.vector_load %arg4[%get3A_197, %get3A_198] {strides = array<i32>} : memref<8x1000xf32, #tpu.memory_space<vmem>>, vector<1x16xf32>,
      %get3A_200 = vector.shape_cast %get3A_199 : vector<1x16xf32> to vector<16xf32>
      %add3A_201 = arith.addf %add3A_195, %get3A_200 : vector<16xf32>
      %get3A_202 = arith.constant 0 : i32
      %get3A_203 = arith.index_cast %get3A_202 : i32 to index
      %get3A_204 = arith.constant 496 : index
      %get3A_205 = tpu.vector_load %arg4[%get3A_203, %get3A_204] {strides = array<i32>} : memref<8x1000xf32, #tpu.memory_space<vmem>>, vector<1x16xf32>,
      %get3A_206 = vector.shape_cast %get3A_205 : vector<1x16xf32> to vector<16xf32>
      %add3A_207 = arith.addf %add3A_201, %get3A_206 : vector<16xf32>
      %get3A_208 = arith.constant 0 : i32
      %get3A_209 = arith.index_cast %get3A_208 : i32 to index
      %get3A_210 = arith.constant 512 : index
      %get3A_211 = tpu.vector_load %arg4[%get3A_209, %get3A_210] {strides = array<i32>} : memref<8x1000xf32, #tpu.memory_space<vmem>>, vector<1x16xf32>,
      %get3A_212 = vector.shape_cast %get3A_211 : vector<1x16xf32> to vector<16xf32>
      %add3A_213 = arith.addf %add3A_207, %get3A_212 : vector<16xf32>
      %get3A_214 = arith.constant 0 : i32
      %get3A_215 = arith.index_cast %get3A_214 : i32 to index
      %get3A_216 = arith.constant 528 : index
      %get3A_217 = tpu.vector_load %arg4[%get3A_215, %get3A_216] {strides = array<i32>} : memref<8x1000xf32, #tpu.memory_space<vmem>>, vector<1x16xf32>,
      %get3A_218 = vector.shape_cast %get3A_217 : vector<1x16xf32> to vector<16xf32>
      %add3A_219 = arith.addf %add3A_213, %get3A_218 : vector<16xf32>
      %get3A_220 = arith.constant 0 : i32
      %get3A_221 = arith.index_cast %get3A_220 : i32 to index
      %get3A_222 = arith.constant 544 : index
      %get3A_223 = tpu.vector_load %arg4[%get3A_221, %get3A_222] {strides = array<i32>} : memref<8x1000xf32, #tpu.memory_space<vmem>>, vector<1x16xf32>,
      %get3A_224 = vector.shape_cast %get3A_223 : vector<1x16xf32> to vector<16xf32>
      %add3A_225 = arith.addf %add3A_219, %get3A_224 : vector<16xf32>
      %get3A_226 = arith.constant 0 : i32
      %get3A_227 = arith.index_cast %get3A_226 : i32 to index
      %get3A_228 = arith.constant 560 : index
      %get3A_229 = tpu.vector_load %arg4[%get3A_227, %get3A_228] {strides = array<i32>} : memref<8x1000xf32, #tpu.memory_space<vmem>>, vector<1x16xf32>,
      %get3A_230 = vector.shape_cast %get3A_229 : vector<1x16xf32> to vector<16xf32>
      %add3A_231 = arith.addf %add3A_225, %get3A_230 : vector<16xf32>
      %get3A_232 = arith.constant 0 : i32
      %get3A_233 = arith.index_cast %get3A_232 : i32 to index
      %get3A_234 = arith.constant 576 : index
      %get3A_235 = tpu.vector_load %arg4[%get3A_233, %get3A_234] {strides = array<i32>} : memref<8x1000xf32, #tpu.memory_space<vmem>>, vector<1x16xf32>,
      %get3A_236 = vector.shape_cast %get3A_235 : vector<1x16xf32> to vector<16xf32>
      %add3A_237 = arith.addf %add3A_231, %get3A_236 : vector<16xf32>
      %get3A_238 = arith.constant 0 : i32
      %get3A_239 = arith.index_cast %get3A_238 : i32 to index
      %get3A_240 = arith.constant 592 : index
      %get3A_241 = tpu.vector_load %arg4[%get3A_239, %get3A_240] {strides = array<i32>} : memref<8x1000xf32, #tpu.memory_space<vmem>>, vector<1x16xf32>,
      %get3A_242 = vector.shape_cast %get3A_241 : vector<1x16xf32> to vector<16xf32>
      %add3A_243 = arith.addf %add3A_237, %get3A_242 : vector<16xf32>
      %get3A_244 = arith.constant 0 : i32
      %get3A_245 = arith.index_cast %get3A_244 : i32 to index
      %get3A_246 = arith.constant 608 : index
      %get3A_247 = tpu.vector_load %arg4[%get3A_245, %get3A_246] {strides = array<i32>} : memref<8x1000xf32, #tpu.memory_space<vmem>>, vector<1x16xf32>,
      %get3A_248 = vector.shape_cast %get3A_247 : vector<1x16xf32> to vector<16xf32>
      %add3A_249 = arith.addf %add3A_243, %get3A_248 : vector<16xf32>
      %get3A_250 = arith.constant 0 : i32
      %get3A_251 = arith.index_cast %get3A_250 : i32 to index
      %get3A_252 = arith.constant 624 : index
      %get3A_253 = tpu.vector_load %arg4[%get3A_251, %get3A_252] {strides = array<i32>} : memref<8x1000xf32, #tpu.memory_space<vmem>>, vector<1x16xf32>,
      %get3A_254 = vector.shape_cast %get3A_253 : vector<1x16xf32> to vector<16xf32>
      %add3A_255 = arith.addf %add3A_249, %get3A_254 : vector<16xf32>
      %get3A_256 = arith.constant 0 : i32
      %get3A_257 = arith.index_cast %get3A_256 : i32 to index
      %get3A_258 = arith.constant 640 : index
      %get3A_259 = tpu.vector_load %arg4[%get3A_257, %get3A_258] {strides = array<i32>} : memref<8x1000xf32, #tpu.memory_space<vmem>>, vector<1x16xf32>,
      %get3A_260 = vector.shape_cast %get3A_259 : vector<1x16xf32> to vector<16xf32>
      %add3A_261 = arith.addf %add3A_255, %get3A_260 : vector<16xf32>
      %get3A_262 = arith.constant 0 : i32
      %get3A_263 = arith.index_cast %get3A_262 : i32 to index
      %get3A_264 = arith.constant 656 : index
      %get3A_265 = tpu.vector_load %arg4[%get3A_263, %get3A_264] {strides = array<i32>} : memref<8x1000xf32, #tpu.memory_space<vmem>>, vector<1x16xf32>,
      %get3A_266 = vector.shape_cast %get3A_265 : vector<1x16xf32> to vector<16xf32>
      %add3A_267 = arith.addf %add3A_261, %get3A_266 : vector<16xf32>
      %get3A_268 = arith.constant 0 : i32
      %get3A_269 = arith.index_cast %get3A_268 : i32 to index
      %get3A_270 = arith.constant 672 : index
      %get3A_271 = tpu.vector_load %arg4[%get3A_269, %get3A_270] {strides = array<i32>} : memref<8x1000xf32, #tpu.memory_space<vmem>>, vector<1x16xf32>,
      %get3A_272 = vector.shape_cast %get3A_271 : vector<1x16xf32> to vector<16xf32>
      %add3A_273 = arith.addf %add3A_267, %get3A_272 : vector<16xf32>
      %get3A_274 = arith.constant 0 : i32
      %get3A_275 = arith.index_cast %get3A_274 : i32 to index
      %get3A_276 = arith.constant 688 : index
      %get3A_277 = tpu.vector_load %arg4[%get3A_275, %get3A_276] {strides = array<i32>} : memref<8x1000xf32, #tpu.memory_space<vmem>>, vector<1x16xf32>,
      %get3A_278 = vector.shape_cast %get3A_277 : vector<1x16xf32> to vector<16xf32>
      %add3A_279 = arith.addf %add3A_273, %get3A_278 : vector<16xf32>
      %get3A_280 = arith.constant 0 : i32
      %get3A_281 = arith.index_cast %get3A_280 : i32 to index
      %get3A_282 = arith.constant 704 : index
      %get3A_283 = tpu.vector_load %arg4[%get3A_281, %get3A_282] {strides = array<i32>} : memref<8x1000xf32, #tpu.memory_space<vmem>>, vector<1x16xf32>,
      %get3A_284 = vector.shape_cast %get3A_283 : vector<1x16xf32> to vector<16xf32>
      %add3A_285 = arith.addf %add3A_279, %get3A_284 : vector<16xf32>
      %get3A_286 = arith.constant 0 : i32
      %get3A_287 = arith.index_cast %get3A_286 : i32 to index
      %get3A_288 = arith.constant 720 : index
      %get3A_289 = tpu.vector_load %arg4[%get3A_287, %get3A_288] {strides = array<i32>} : memref<8x1000xf32, #tpu.memory_space<vmem>>, vector<1x16xf32>,
      %get3A_290 = vector.shape_cast %get3A_289 : vector<1x16xf32> to vector<16xf32>
      %add3A_291 = arith.addf %add3A_285, %get3A_290 : vector<16xf32>
      %get3A_292 = arith.constant 0 : i32
      %get3A_293 = arith.index_cast %get3A_292 : i32 to index
      %get3A_294 = arith.constant 736 : index
      %get3A_295 = tpu.vector_load %arg4[%get3A_293, %get3A_294] {strides = array<i32>} : memref<8x1000xf32, #tpu.memory_space<vmem>>, vector<1x16xf32>,
      %get3A_296 = vector.shape_cast %get3A_295 : vector<1x16xf32> to vector<16xf32>
      %add3A_297 = arith.addf %add3A_291, %get3A_296 : vector<16xf32>
      %get3A_298 = arith.constant 0 : i32
      %get3A_299 = arith.index_cast %get3A_298 : i32 to index
      %get3A_300 = arith.constant 752 : index
      %get3A_301 = tpu.vector_load %arg4[%get3A_299, %get3A_300] {strides = array<i32>} : memref<8x1000xf32, #tpu.memory_space<vmem>>, vector<1x16xf32>,
      %get3A_302 = vector.shape_cast %get3A_301 : vector<1x16xf32> to vector<16xf32>
      %add3A_303 = arith.addf %add3A_297, %get3A_302 : vector<16xf32>
      %get3A_304 = arith.constant 0 : i32
      %get3A_305 = arith.index_cast %get3A_304 : i32 to index
      %get3A_306 = arith.constant 768 : index
      %get3A_307 = tpu.vector_load %arg4[%get3A_305, %get3A_306] {strides = array<i32>} : memref<8x1000xf32, #tpu.memory_space<vmem>>, vector<1x16xf32>,
      %get3A_308 = vector.shape_cast %get3A_307 : vector<1x16xf32> to vector<16xf32>
      %add3A_309 = arith.addf %add3A_303, %get3A_308 : vector<16xf32>
      %get3A_310 = arith.constant 0 : i32
      %get3A_311 = arith.index_cast %get3A_310 : i32 to index
      %get3A_312 = arith.constant 784 : index
      %get3A_313 = tpu.vector_load %arg4[%get3A_311, %get3A_312] {strides = array<i32>} : memref<8x1000xf32, #tpu.memory_space<vmem>>, vector<1x16xf32>,
      %get3A_314 = vector.shape_cast %get3A_313 : vector<1x16xf32> to vector<16xf32>
      %add3A_315 = arith.addf %add3A_309, %get3A_314 : vector<16xf32>
      %get3A_316 = arith.constant 0 : i32
      %get3A_317 = arith.index_cast %get3A_316 : i32 to index
      %get3A_318 = arith.constant 800 : index
      %get3A_319 = tpu.vector_load %arg4[%get3A_317, %get3A_318] {strides = array<i32>} : memref<8x1000xf32, #tpu.memory_space<vmem>>, vector<1x16xf32>,
      %get3A_320 = vector.shape_cast %get3A_319 : vector<1x16xf32> to vector<16xf32>
      %add3A_321 = arith.addf %add3A_315, %get3A_320 : vector<16xf32>
      %get3A_322 = arith.constant 0 : i32
      %get3A_323 = arith.index_cast %get3A_322 : i32 to index
      %get3A_324 = arith.constant 816 : index
      %get3A_325 = tpu.vector_load %arg4[%get3A_323, %get3A_324] {strides = array<i32>} : memref<8x1000xf32, #tpu.memory_space<vmem>>, vector<1x16xf32>,
      %get3A_326 = vector.shape_cast %get3A_325 : vector<1x16xf32> to vector<16xf32>
      %add3A_327 = arith.addf %add3A_321, %get3A_326 : vector<16xf32>
      %get3A_328 = arith.constant 0 : i32
      %get3A_329 = arith.index_cast %get3A_328 : i32 to index
      %get3A_330 = arith.constant 832 : index
      %get3A_331 = tpu.vector_load %arg4[%get3A_329, %get3A_330] {strides = array<i32>} : memref<8x1000xf32, #tpu.memory_space<vmem>>, vector<1x16xf32>,
      %get3A_332 = vector.shape_cast %get3A_331 : vector<1x16xf32> to vector<16xf32>
      %add3A_333 = arith.addf %add3A_327, %get3A_332 : vector<16xf32>
      %get3A_334 = arith.constant 0 : i32
      %get3A_335 = arith.index_cast %get3A_334 : i32 to index
      %get3A_336 = arith.constant 848 : index
      %get3A_337 = tpu.vector_load %arg4[%get3A_335, %get3A_336] {strides = array<i32>} : memref<8x1000xf32, #tpu.memory_space<vmem>>, vector<1x16xf32>,
      %get3A_338 = vector.shape_cast %get3A_337 : vector<1x16xf32> to vector<16xf32>
      %add3A_339 = arith.addf %add3A_333, %get3A_338 : vector<16xf32>
      %get3A_340 = arith.constant 0 : i32
      %get3A_341 = arith.index_cast %get3A_340 : i32 to index
      %get3A_342 = arith.constant 864 : index
      %get3A_343 = tpu.vector_load %arg4[%get3A_341, %get3A_342] {strides = array<i32>} : memref<8x1000xf32, #tpu.memory_space<vmem>>, vector<1x16xf32>,
      %get3A_344 = vector.shape_cast %get3A_343 : vector<1x16xf32> to vector<16xf32>
      %add3A_345 = arith.addf %add3A_339, %get3A_344 : vector<16xf32>
      %get3A_346 = arith.constant 0 : i32
      %get3A_347 = arith.index_cast %get3A_346 : i32 to index
      %get3A_348 = arith.constant 880 : index
      %get3A_349 = tpu.vector_load %arg4[%get3A_347, %get3A_348] {strides = array<i32>} : memref<8x1000xf32, #tpu.memory_space<vmem>>, vector<1x16xf32>,
      %get3A_350 = vector.shape_cast %get3A_349 : vector<1x16xf32> to vector<16xf32>
      %add3A_351 = arith.addf %add3A_345, %get3A_350 : vector<16xf32>
      %get3A_352 = arith.constant 0 : i32
      %get3A_353 = arith.index_cast %get3A_352 : i32 to index
      %get3A_354 = arith.constant 896 : index
      %get3A_355 = tpu.vector_load %arg4[%get3A_353, %get3A_354] {strides = array<i32>} : memref<8x1000xf32, #tpu.memory_space<vmem>>, vector<1x16xf32>,
      %get3A_356 = vector.shape_cast %get3A_355 : vector<1x16xf32> to vector<16xf32>
      %add3A_357 = arith.addf %add3A_351, %get3A_356 : vector<16xf32>
      %get3A_358 = arith.constant 0 : i32
      %get3A_359 = arith.index_cast %get3A_358 : i32 to index
      %get3A_360 = arith.constant 912 : index
      %get3A_361 = tpu.vector_load %arg4[%get3A_359, %get3A_360] {strides = array<i32>} : memref<8x1000xf32, #tpu.memory_space<vmem>>, vector<1x16xf32>,
      %get3A_362 = vector.shape_cast %get3A_361 : vector<1x16xf32> to vector<16xf32>
      %add3A_363 = arith.addf %add3A_357, %get3A_362 : vector<16xf32>
      %get3A_364 = arith.constant 0 : i32
      %get3A_365 = arith.index_cast %get3A_364 : i32 to index
      %get3A_366 = arith.constant 928 : index
      %get3A_367 = tpu.vector_load %arg4[%get3A_365, %get3A_366] {strides = array<i32>} : memref<8x1000xf32, #tpu.memory_space<vmem>>, vector<1x16xf32>,
      %get3A_368 = vector.shape_cast %get3A_367 : vector<1x16xf32> to vector<16xf32>
      %add3A_369 = arith.addf %add3A_363, %get3A_368 : vector<16xf32>
      %get3A_370 = arith.constant 0 : i32
      %get3A_371 = arith.index_cast %get3A_370 : i32 to index
      %get3A_372 = arith.constant 944 : index
      %get3A_373 = tpu.vector_load %arg4[%get3A_371, %get3A_372] {strides = array<i32>} : memref<8x1000xf32, #tpu.memory_space<vmem>>, vector<1x16xf32>,
      %get3A_374 = vector.shape_cast %get3A_373 : vector<1x16xf32> to vector<16xf32>
      %add3A_375 = arith.addf %add3A_369, %get3A_374 : vector<16xf32>
      %get3A_376 = arith.constant 0 : i32
      %get3A_377 = arith.index_cast %get3A_376 : i32 to index
      %get3A_378 = arith.constant 960 : index
      %get3A_379 = tpu.vector_load %arg4[%get3A_377, %get3A_378] {strides = array<i32>} : memref<8x1000xf32, #tpu.memory_space<vmem>>, vector<1x16xf32>,
      %get3A_380 = vector.shape_cast %get3A_379 : vector<1x16xf32> to vector<16xf32>
      %add3A_381 = arith.addf %add3A_375, %get3A_380 : vector<16xf32>
      %get3A_382 = arith.constant 0 : i32
      %get3A_383 = arith.index_cast %get3A_382 : i32 to index
      %get3A_384 = arith.constant 976 : index
      %get3A_385 = tpu.vector_load %arg4[%get3A_383, %get3A_384] {strides = array<i32>} : memref<8x1000xf32, #tpu.memory_space<vmem>>, vector<1x16xf32>,
      %get3A_386 = vector.shape_cast %get3A_385 : vector<1x16xf32> to vector<16xf32>
      %add3A_387 = arith.addf %add3A_381, %get3A_386 : vector<16xf32>
      %get3A_388 = arith.constant 1 : i32
      %get3A_389 = arith.index_cast %get3A_388 : i32 to index
      %get3A_390 = arith.constant 0 : index
      %get3A_391 = tpu.vector_load %arg4[%get3A_389, %get3A_390] {strides = array<i32>} : memref<8x1000xf32, #tpu.memory_space<vmem>>, vector<1x16xf32>,
      %get3A_392 = vector.shape_cast %get3A_391 : vector<1x16xf32> to vector<16xf32>
      %add3A_393 = arith.addf %add3A_387, %get3A_392 : vector<16xf32>
      %get3A_394 = arith.constant 1 : i32
      %get3A_395 = arith.index_cast %get3A_394 : i32 to index
      %get3A_396 = arith.constant 16 : index
      %get3A_397 = tpu.vector_load %arg4[%get3A_395, %get3A_396] {strides = array<i32>} : memref<8x1000xf32, #tpu.memory_space<vmem>>, vector<1x16xf32>,
      %get3A_398 = vector.shape_cast %get3A_397 : vector<1x16xf32> to vector<16xf32>
      %add3A_399 = arith.addf %add3A_393, %get3A_398 : vector<16xf32>
      %get3A_400 = arith.constant 1 : i32
      %get3A_401 = arith.index_cast %get3A_400 : i32 to index
      %get3A_402 = arith.constant 32 : index
      %get3A_403 = tpu.vector_load %arg4[%get3A_401, %get3A_402] {strides = array<i32>} : memref<8x1000xf32, #tpu.memory_space<vmem>>, vector<1x16xf32>,
      %get3A_404 = vector.shape_cast %get3A_403 : vector<1x16xf32> to vector<16xf32>
      %add3A_405 = arith.addf %add3A_399, %get3A_404 : vector<16xf32>
      %get3A_406 = arith.constant 1 : i32
      %get3A_407 = arith.index_cast %get3A_406 : i32 to index
      %get3A_408 = arith.constant 48 : index
      %get3A_409 = tpu.vector_load %arg4[%get3A_407, %get3A_408] {strides = array<i32>} : memref<8x1000xf32, #tpu.memory_space<vmem>>, vector<1x16xf32>,
      %get3A_410 = vector.shape_cast %get3A_409 : vector<1x16xf32> to vector<16xf32>
      %add3A_411 = arith.addf %add3A_405, %get3A_410 : vector<16xf32>
      %get3A_412 = arith.constant 1 : i32
      %get3A_413 = arith.index_cast %get3A_412 : i32 to index
      %get3A_414 = arith.constant 64 : index
      %get3A_415 = tpu.vector_load %arg4[%get3A_413, %get3A_414] {strides = array<i32>} : memref<8x1000xf32, #tpu.memory_space<vmem>>, vector<1x16xf32>,
      %get3A_416 = vector.shape_cast %get3A_415 : vector<1x16xf32> to vector<16xf32>
      %add3A_417 = arith.addf %add3A_411, %get3A_416 : vector<16xf32>
      %get3A_418 = arith.constant 1 : i32
      %get3A_419 = arith.index_cast %get3A_418 : i32 to index
      %get3A_420 = arith.constant 80 : index
      %get3A_421 = tpu.vector_load %arg4[%get3A_419, %get3A_420] {strides = array<i32>} : memref<8x1000xf32, #tpu.memory_space<vmem>>, vector<1x16xf32>,
      %get3A_422 = vector.shape_cast %get3A_421 : vector<1x16xf32> to vector<16xf32>
      %add3A_423 = arith.addf %add3A_417, %get3A_422 : vector<16xf32>
      %get3A_424 = arith.constant 1 : i32
      %get3A_425 = arith.index_cast %get3A_424 : i32 to index
      %get3A_426 = arith.constant 96 : index
      %get3A_427 = tpu.vector_load %arg4[%get3A_425, %get3A_426] {strides = array<i32>} : memref<8x1000xf32, #tpu.memory_space<vmem>>, vector<1x16xf32>,
      %get3A_428 = vector.shape_cast %get3A_427 : vector<1x16xf32> to vector<16xf32>
      %add3A_429 = arith.addf %add3A_423, %get3A_428 : vector<16xf32>
      %get3A_430 = arith.constant 1 : i32
      %get3A_431 = arith.index_cast %get3A_430 : i32 to index
      %get3A_432 = arith.constant 112 : index
      %get3A_433 = tpu.vector_load %arg4[%get3A_431, %get3A_432] {strides = array<i32>} : memref<8x1000xf32, #tpu.memory_space<vmem>>, vector<1x16xf32>,
      %get3A_434 = vector.shape_cast %get3A_433 : vector<1x16xf32> to vector<16xf32>
      %add3A_435 = arith.addf %add3A_429, %get3A_434 : vector<16xf32>
      %get3A_436 = arith.constant 1 : i32
      %get3A_437 = arith.index_cast %get3A_436 : i32 to index
      %get3A_438 = arith.constant 128 : index
      %get3A_439 = tpu.vector_load %arg4[%get3A_437, %get3A_438] {strides = array<i32>} : memref<8x1000xf32, #tpu.memory_space<vmem>>, vector<1x16xf32>,
      %get3A_440 = vector.shape_cast %get3A_439 : vector<1x16xf32> to vector<16xf32>
      %add3A_441 = arith.addf %add3A_435, %get3A_440 : vector<16xf32>
      %get3A_442 = arith.constant 1 : i32
      %get3A_443 = arith.index_cast %get3A_442 : i32 to index
      %get3A_444 = arith.constant 144 : index
      %get3A_445 = tpu.vector_load %arg4[%get3A_443, %get3A_444] {strides = array<i32>} : memref<8x1000xf32, #tpu.memory_space<vmem>>, vector<1x16xf32>,
      %get3A_446 = vector.shape_cast %get3A_445 : vector<1x16xf32> to vector<16xf32>
      %add3A_447 = arith.addf %add3A_441, %get3A_446 : vector<16xf32>
      %get3A_448 = arith.constant 1 : i32
      %get3A_449 = arith.index_cast %get3A_448 : i32 to index
      %get3A_450 = arith.constant 160 : index
      %get3A_451 = tpu.vector_load %arg4[%get3A_449, %get3A_450] {strides = array<i32>} : memref<8x1000xf32, #tpu.memory_space<vmem>>, vector<1x16xf32>,
      %get3A_452 = vector.shape_cast %get3A_451 : vector<1x16xf32> to vector<16xf32>
      %add3A_453 = arith.addf %add3A_447, %get3A_452 : vector<16xf32>
      %get3A_454 = arith.constant 1 : i32
      %get3A_455 = arith.index_cast %get3A_454 : i32 to index
      %get3A_456 = arith.constant 176 : index
      %get3A_457 = tpu.vector_load %arg4[%get3A_455, %get3A_456] {strides = array<i32>} : memref<8x1000xf32, #tpu.memory_space<vmem>>, vector<1x16xf32>,
      %get3A_458 = vector.shape_cast %get3A_457 : vector<1x16xf32> to vector<16xf32>
      %add3A_459 = arith.addf %add3A_453, %get3A_458 : vector<16xf32>
      %get3A_460 = arith.constant 1 : i32
      %get3A_461 = arith.index_cast %get3A_460 : i32 to index
      %get3A_462 = arith.constant 192 : index
      %get3A_463 = tpu.vector_load %arg4[%get3A_461, %get3A_462] {strides = array<i32>} : memref<8x1000xf32, #tpu.memory_space<vmem>>, vector<1x16xf32>,
      %get3A_464 = vector.shape_cast %get3A_463 : vector<1x16xf32> to vector<16xf32>
      %add3A_465 = arith.addf %add3A_459, %get3A_464 : vector<16xf32>
      %get3A_466 = arith.constant 1 : i32
      %get3A_467 = arith.index_cast %get3A_466 : i32 to index
      %get3A_468 = arith.constant 208 : index
      %get3A_469 = tpu.vector_load %arg4[%get3A_467, %get3A_468] {strides = array<i32>} : memref<8x1000xf32, #tpu.memory_space<vmem>>, vector<1x16xf32>,
      %get3A_470 = vector.shape_cast %get3A_469 : vector<1x16xf32> to vector<16xf32>
      %add3A_471 = arith.addf %add3A_465, %get3A_470 : vector<16xf32>
      %get3A_472 = arith.constant 1 : i32
      %get3A_473 = arith.index_cast %get3A_472 : i32 to index
      %get3A_474 = arith.constant 224 : index
      %get3A_475 = tpu.vector_load %arg4[%get3A_473, %get3A_474] {strides = array<i32>} : memref<8x1000xf32, #tpu.memory_space<vmem>>, vector<1x16xf32>,
      %get3A_476 = vector.shape_cast %get3A_475 : vector<1x16xf32> to vector<16xf32>
      %add3A_477 = arith.addf %add3A_471, %get3A_476 : vector<16xf32>
      %get3A_478 = arith.constant 1 : i32
      %get3A_479 = arith.index_cast %get3A_478 : i32 to index
      %get3A_480 = arith.constant 240 : index
      %get3A_481 = tpu.vector_load %arg4[%get3A_479, %get3A_480] {strides = array<i32>} : memref<8x1000xf32, #tpu.memory_space<vmem>>, vector<1x16xf32>,
      %get3A_482 = vector.shape_cast %get3A_481 : vector<1x16xf32> to vector<16xf32>
      %add3A_483 = arith.addf %add3A_477, %get3A_482 : vector<16xf32>
      %get3A_484 = arith.constant 1 : i32
      %get3A_485 = arith.index_cast %get3A_484 : i32 to index
      %get3A_486 = arith.constant 256 : index
      %get3A_487 = tpu.vector_load %arg4[%get3A_485, %get3A_486] {strides = array<i32>} : memref<8x1000xf32, #tpu.memory_space<vmem>>, vector<1x16xf32>,
      %get3A_488 = vector.shape_cast %get3A_487 : vector<1x16xf32> to vector<16xf32>
      %add3A_489 = arith.addf %add3A_483, %get3A_488 : vector<16xf32>
      %get3A_490 = arith.constant 1 : i32
      %get3A_491 = arith.index_cast %get3A_490 : i32 to index
      %get3A_492 = arith.constant 272 : index
      %get3A_493 = tpu.vector_load %arg4[%get3A_491, %get3A_492] {strides = array<i32>} : memref<8x1000xf32, #tpu.memory_space<vmem>>, vector<1x16xf32>,
      %get3A_494 = vector.shape_cast %get3A_493 : vector<1x16xf32> to vector<16xf32>
      %add3A_495 = arith.addf %add3A_489, %get3A_494 : vector<16xf32>
      %get3A_496 = arith.constant 1 : i32
      %get3A_497 = arith.index_cast %get3A_496 : i32 to index
      %get3A_498 = arith.constant 288 : index
      %get3A_499 = tpu.vector_load %arg4[%get3A_497, %get3A_498] {strides = array<i32>} : memref<8x1000xf32, #tpu.memory_space<vmem>>, vector<1x16xf32>,
      %get3A_500 = vector.shape_cast %get3A_499 : vector<1x16xf32> to vector<16xf32>
      %add3A_501 = arith.addf %add3A_495, %get3A_500 : vector<16xf32>
      %get3A_502 = arith.constant 1 : i32
      %get3A_503 = arith.index_cast %get3A_502 : i32 to index
      %get3A_504 = arith.constant 304 : index
      %get3A_505 = tpu.vector_load %arg4[%get3A_503, %get3A_504] {strides = array<i32>} : memref<8x1000xf32, #tpu.memory_space<vmem>>, vector<1x16xf32>,
      %get3A_506 = vector.shape_cast %get3A_505 : vector<1x16xf32> to vector<16xf32>
      %add3A_507 = arith.addf %add3A_501, %get3A_506 : vector<16xf32>
      %get3A_508 = arith.constant 1 : i32
      %get3A_509 = arith.index_cast %get3A_508 : i32 to index
      %get3A_510 = arith.constant 320 : index
      %get3A_511 = tpu.vector_load %arg4[%get3A_509, %get3A_510] {strides = array<i32>} : memref<8x1000xf32, #tpu.memory_space<vmem>>, vector<1x16xf32>,
      %get3A_512 = vector.shape_cast %get3A_511 : vector<1x16xf32> to vector<16xf32>
      %add3A_513 = arith.addf %add3A_507, %get3A_512 : vector<16xf32>
      %get3A_514 = arith.constant 1 : i32
      %get3A_515 = arith.index_cast %get3A_514 : i32 to index
      %get3A_516 = arith.constant 336 : index
      %get3A_517 = tpu.vector_load %arg4[%get3A_515, %get3A_516] {strides = array<i32>} : memref<8x1000xf32, #tpu.memory_space<vmem>>, vector<1x16xf32>,
      %get3A_518 = vector.shape_cast %get3A_517 : vector<1x16xf32> to vector<16xf32>
      %add3A_519 = arith.addf %add3A_513, %get3A_518 : vector<16xf32>
      %get3A_520 = arith.constant 1 : i32
      %get3A_521 = arith.index_cast %get3A_520 : i32 to index
      %get3A_522 = arith.constant 352 : index
      %get3A_523 = tpu.vector_load %arg4[%get3A_521, %get3A_522] {strides = array<i32>} : memref<8x1000xf32, #tpu.memory_space<vmem>>, vector<1x16xf32>,
      %get3A_524 = vector.shape_cast %get3A_523 : vector<1x16xf32> to vector<16xf32>
      %add3A_525 = arith.addf %add3A_519, %get3A_524 : vector<16xf32>
      %get3A_526 = arith.constant 1 : i32
      %get3A_527 = arith.index_cast %get3A_526 : i32 to index
      %get3A_528 = arith.constant 368 : index
      %get3A_529 = tpu.vector_load %arg4[%get3A_527, %get3A_528] {strides = array<i32>} : memref<8x1000xf32, #tpu.memory_space<vmem>>, vector<1x16xf32>,
      %get3A_530 = vector.shape_cast %get3A_529 : vector<1x16xf32> to vector<16xf32>
      %add3A_531 = arith.addf %add3A_525, %get3A_530 : vector<16xf32>
      %get3A_532 = arith.constant 1 : i32
      %get3A_533 = arith.index_cast %get3A_532 : i32 to index
      %get3A_534 = arith.constant 384 : index
      %get3A_535 = tpu.vector_load %arg4[%get3A_533, %get3A_534] {strides = array<i32>} : memref<8x1000xf32, #tpu.memory_space<vmem>>, vector<1x16xf32>,
      %get3A_536 = vector.shape_cast %get3A_535 : vector<1x16xf32> to vector<16xf32>
      %add3A_537 = arith.addf %add3A_531, %get3A_536 : vector<16xf32>
      %get3A_538 = arith.constant 1 : i32
      %get3A_539 = arith.index_cast %get3A_538 : i32 to index
      %get3A_540 = arith.constant 400 : index
      %get3A_541 = tpu.vector_load %arg4[%get3A_539, %get3A_540] {strides = array<i32>} : memref<8x1000xf32, #tpu.memory_space<vmem>>, vector<1x16xf32>,
      %get3A_542 = vector.shape_cast %get3A_541 : vector<1x16xf32> to vector<16xf32>
      %add3A_543 = arith.addf %add3A_537, %get3A_542 : vector<16xf32>
      %get3A_544 = arith.constant 1 : i32
      %get3A_545 = arith.index_cast %get3A_544 : i32 to index
      %get3A_546 = arith.constant 416 : index
      %get3A_547 = tpu.vector_load %arg4[%get3A_545, %get3A_546] {strides = array<i32>} : memref<8x1000xf32, #tpu.memory_space<vmem>>, vector<1x16xf32>,
      %get3A_548 = vector.shape_cast %get3A_547 : vector<1x16xf32> to vector<16xf32>
      %add3A_549 = arith.addf %add3A_543, %get3A_548 : vector<16xf32>
      %get3A_550 = arith.constant 1 : i32
      %get3A_551 = arith.index_cast %get3A_550 : i32 to index
      %get3A_552 = arith.constant 432 : index
      %get3A_553 = tpu.vector_load %arg4[%get3A_551, %get3A_552] {strides = array<i32>} : memref<8x1000xf32, #tpu.memory_space<vmem>>, vector<1x16xf32>,
      %get3A_554 = vector.shape_cast %get3A_553 : vector<1x16xf32> to vector<16xf32>
      %add3A_555 = arith.addf %add3A_549, %get3A_554 : vector<16xf32>
      %get3A_556 = arith.constant 1 : i32
      %get3A_557 = arith.index_cast %get3A_556 : i32 to index
      %get3A_558 = arith.constant 448 : index
      %get3A_559 = tpu.vector_load %arg4[%get3A_557, %get3A_558] {strides = array<i32>} : memref<8x1000xf32, #tpu.memory_space<vmem>>, vector<1x16xf32>,
      %get3A_560 = vector.shape_cast %get3A_559 : vector<1x16xf32> to vector<16xf32>
      %add3A_561 = arith.addf %add3A_555, %get3A_560 : vector<16xf32>
      %get3A_562 = arith.constant 1 : i32
      %get3A_563 = arith.index_cast %get3A_562 : i32 to index
      %get3A_564 = arith.constant 464 : index
      %get3A_565 = tpu.vector_load %arg4[%get3A_563, %get3A_564] {strides = array<i32>} : memref<8x1000xf32, #tpu.memory_space<vmem>>, vector<1x16xf32>,
      %get3A_566 = vector.shape_cast %get3A_565 : vector<1x16xf32> to vector<16xf32>
      %add3A_567 = arith.addf %add3A_561, %get3A_566 : vector<16xf32>
      %get3A_568 = arith.constant 1 : i32
      %get3A_569 = arith.index_cast %get3A_568 : i32 to index
      %get3A_570 = arith.constant 480 : index
      %get3A_571 = tpu.vector_load %arg4[%get3A_569, %get3A_570] {strides = array<i32>} : memref<8x1000xf32, #tpu.memory_space<vmem>>, vector<1x16xf32>,
      %get3A_572 = vector.shape_cast %get3A_571 : vector<1x16xf32> to vector<16xf32>
      %add3A_573 = arith.addf %add3A_567, %get3A_572 : vector<16xf32>
      %get3A_574 = arith.constant 1 : i32
      %get3A_575 = arith.index_cast %get3A_574 : i32 to index
      %get3A_576 = arith.constant 496 : index
      %get3A_577 = tpu.vector_load %arg4[%get3A_575, %get3A_576] {strides = array<i32>} : memref<8x1000xf32, #tpu.memory_space<vmem>>, vector<1x16xf32>,
      %get3A_578 = vector.shape_cast %get3A_577 : vector<1x16xf32> to vector<16xf32>
      %add3A_579 = arith.addf %add3A_573, %get3A_578 : vector<16xf32>
      %get3A_580 = arith.constant 1 : i32
      %get3A_581 = arith.index_cast %get3A_580 : i32 to index
      %get3A_582 = arith.constant 512 : index
      %get3A_583 = tpu.vector_load %arg4[%get3A_581, %get3A_582] {strides = array<i32>} : memref<8x1000xf32, #tpu.memory_space<vmem>>, vector<1x16xf32>,
      %get3A_584 = vector.shape_cast %get3A_583 : vector<1x16xf32> to vector<16xf32>
      %add3A_585 = arith.addf %add3A_579, %get3A_584 : vector<16xf32>
      %get3A_586 = arith.constant 1 : i32
      %get3A_587 = arith.index_cast %get3A_586 : i32 to index
      %get3A_588 = arith.constant 528 : index
      %get3A_589 = tpu.vector_load %arg4[%get3A_587, %get3A_588] {strides = array<i32>} : memref<8x1000xf32, #tpu.memory_space<vmem>>, vector<1x16xf32>,
      %get3A_590 = vector.shape_cast %get3A_589 : vector<1x16xf32> to vector<16xf32>
      %add3A_591 = arith.addf %add3A_585, %get3A_590 : vector<16xf32>
      %get3A_592 = arith.constant 1 : i32
      %get3A_593 = arith.index_cast %get3A_592 : i32 to index
      %get3A_594 = arith.constant 544 : index
      %get3A_595 = tpu.vector_load %arg4[%get3A_593, %get3A_594] {strides = array<i32>} : memref<8x1000xf32, #tpu.memory_space<vmem>>, vector<1x16xf32>,
      %get3A_596 = vector.shape_cast %get3A_595 : vector<1x16xf32> to vector<16xf32>
      %add3A_597 = arith.addf %add3A_591, %get3A_596 : vector<16xf32>
      %get3A_598 = arith.constant 1 : i32
      %get3A_599 = arith.index_cast %get3A_598 : i32 to index
      %get3A_600 = arith.constant 560 : index
      %get3A_601 = tpu.vector_load %arg4[%get3A_599, %get3A_600] {strides = array<i32>} : memref<8x1000xf32, #tpu.memory_space<vmem>>, vector<1x16xf32>,
      %get3A_602 = vector.shape_cast %get3A_601 : vector<1x16xf32> to vector<16xf32>
      %add3A_603 = arith.addf %add3A_597, %get3A_602 : vector<16xf32>
      %get3A_604 = arith.constant 1 : i32
      %get3A_605 = arith.index_cast %get3A_604 : i32 to index
      %get3A_606 = arith.constant 576 : index
      %get3A_607 = tpu.vector_load %arg4[%get3A_605, %get3A_606] {strides = array<i32>} : memref<8x1000xf32, #tpu.memory_space<vmem>>, vector<1x16xf32>,
      %get3A_608 = vector.shape_cast %get3A_607 : vector<1x16xf32> to vector<16xf32>
      %add3A_609 = arith.addf %add3A_603, %get3A_608 : vector<16xf32>
      %get3A_610 = arith.constant 1 : i32
      %get3A_611 = arith.index_cast %get3A_610 : i32 to index
      %get3A_612 = arith.constant 592 : index
      %get3A_613 = tpu.vector_load %arg4[%get3A_611, %get3A_612] {strides = array<i32>} : memref<8x1000xf32, #tpu.memory_space<vmem>>, vector<1x16xf32>,
      %get3A_614 = vector.shape_cast %get3A_613 : vector<1x16xf32> to vector<16xf32>
      %add3A_615 = arith.addf %add3A_609, %get3A_614 : vector<16xf32>
      %get3A_616 = arith.constant 1 : i32
      %get3A_617 = arith.index_cast %get3A_616 : i32 to index
      %get3A_618 = arith.constant 608 : index
      %get3A_619 = tpu.vector_load %arg4[%get3A_617, %get3A_618] {strides = array<i32>} : memref<8x1000xf32, #tpu.memory_space<vmem>>, vector<1x16xf32>,
      %get3A_620 = vector.shape_cast %get3A_619 : vector<1x16xf32> to vector<16xf32>
      %add3A_621 = arith.addf %add3A_615, %get3A_620 : vector<16xf32>
      %get3A_622 = arith.constant 1 : i32
      %get3A_623 = arith.index_cast %get3A_622 : i32 to index
      %get3A_624 = arith.constant 624 : index
      %get3A_625 = tpu.vector_load %arg4[%get3A_623, %get3A_624] {strides = array<i32>} : memref<8x1000xf32, #tpu.memory_space<vmem>>, vector<1x16xf32>,
      %get3A_626 = vector.shape_cast %get3A_625 : vector<1x16xf32> to vector<16xf32>
      %add3A_627 = arith.addf %add3A_621, %get3A_626 : vector<16xf32>
      %get3A_628 = arith.constant 1 : i32
      %get3A_629 = arith.index_cast %get3A_628 : i32 to index
      %get3A_630 = arith.constant 640 : index
      %get3A_631 = tpu.vector_load %arg4[%get3A_629, %get3A_630] {strides = array<i32>} : memref<8x1000xf32, #tpu.memory_space<vmem>>, vector<1x16xf32>,
      %get3A_632 = vector.shape_cast %get3A_631 : vector<1x16xf32> to vector<16xf32>
      %add3A_633 = arith.addf %add3A_627, %get3A_632 : vector<16xf32>
      %get3A_634 = arith.constant 1 : i32
      %get3A_635 = arith.index_cast %get3A_634 : i32 to index
      %get3A_636 = arith.constant 656 : index
      %get3A_637 = tpu.vector_load %arg4[%get3A_635, %get3A_636] {strides = array<i32>} : memref<8x1000xf32, #tpu.memory_space<vmem>>, vector<1x16xf32>,
      %get3A_638 = vector.shape_cast %get3A_637 : vector<1x16xf32> to vector<16xf32>
      %add3A_639 = arith.addf %add3A_633, %get3A_638 : vector<16xf32>
      %get3A_640 = arith.constant 1 : i32
      %get3A_641 = arith.index_cast %get3A_640 : i32 to index
      %get3A_642 = arith.constant 672 : index
      %get3A_643 = tpu.vector_load %arg4[%get3A_641, %get3A_642] {strides = array<i32>} : memref<8x1000xf32, #tpu.memory_space<vmem>>, vector<1x16xf32>,
      %get3A_644 = vector.shape_cast %get3A_643 : vector<1x16xf32> to vector<16xf32>
      %add3A_645 = arith.addf %add3A_639, %get3A_644 : vector<16xf32>
      %get3A_646 = arith.constant 1 : i32
      %get3A_647 = arith.index_cast %get3A_646 : i32 to index
      %get3A_648 = arith.constant 688 : index
      %get3A_649 = tpu.vector_load %arg4[%get3A_647, %get3A_648] {strides = array<i32>} : memref<8x1000xf32, #tpu.memory_space<vmem>>, vector<1x16xf32>,
      %get3A_650 = vector.shape_cast %get3A_649 : vector<1x16xf32> to vector<16xf32>
      %add3A_651 = arith.addf %add3A_645, %get3A_650 : vector<16xf32>
      %get3A_652 = arith.constant 1 : i32
      %get3A_653 = arith.index_cast %get3A_652 : i32 to index
      %get3A_654 = arith.constant 704 : index
      %get3A_655 = tpu.vector_load %arg4[%get3A_653, %get3A_654] {strides = array<i32>} : memref<8x1000xf32, #tpu.memory_space<vmem>>, vector<1x16xf32>,
      %get3A_656 = vector.shape_cast %get3A_655 : vector<1x16xf32> to vector<16xf32>
      %add3A_657 = arith.addf %add3A_651, %get3A_656 : vector<16xf32>
      %get3A_658 = arith.constant 1 : i32
      %get3A_659 = arith.index_cast %get3A_658 : i32 to index
      %get3A_660 = arith.constant 720 : index
      %get3A_661 = tpu.vector_load %arg4[%get3A_659, %get3A_660] {strides = array<i32>} : memref<8x1000xf32, #tpu.memory_space<vmem>>, vector<1x16xf32>,
      %get3A_662 = vector.shape_cast %get3A_661 : vector<1x16xf32> to vector<16xf32>
      %add3A_663 = arith.addf %add3A_657, %get3A_662 : vector<16xf32>
      %get3A_664 = arith.constant 1 : i32
      %get3A_665 = arith.index_cast %get3A_664 : i32 to index
      %get3A_666 = arith.constant 736 : index
      %get3A_667 = tpu.vector_load %arg4[%get3A_665, %get3A_666] {strides = array<i32>} : memref<8x1000xf32, #tpu.memory_space<vmem>>, vector<1x16xf32>,
      %get3A_668 = vector.shape_cast %get3A_667 : vector<1x16xf32> to vector<16xf32>
      %add3A_669 = arith.addf %add3A_663, %get3A_668 : vector<16xf32>
      %get3A_670 = arith.constant 1 : i32
      %get3A_671 = arith.index_cast %get3A_670 : i32 to index
      %get3A_672 = arith.constant 752 : index
      %get3A_673 = tpu.vector_load %arg4[%get3A_671, %get3A_672] {strides = array<i32>} : memref<8x1000xf32, #tpu.memory_space<vmem>>, vector<1x16xf32>,
      %get3A_674 = vector.shape_cast %get3A_673 : vector<1x16xf32> to vector<16xf32>
      %add3A_675 = arith.addf %add3A_669, %get3A_674 : vector<16xf32>
      %get3A_676 = arith.constant 1 : i32
      %get3A_677 = arith.index_cast %get3A_676 : i32 to index
      %get3A_678 = arith.constant 768 : index
      %get3A_679 = tpu.vector_load %arg4[%get3A_677, %get3A_678] {strides = array<i32>} : memref<8x1000xf32, #tpu.memory_space<vmem>>, vector<1x16xf32>,
      %get3A_680 = vector.shape_cast %get3A_679 : vector<1x16xf32> to vector<16xf32>
      %add3A_681 = arith.addf %add3A_675, %get3A_680 : vector<16xf32>
      %get3A_682 = arith.constant 1 : i32
      %get3A_683 = arith.index_cast %get3A_682 : i32 to index
      %get3A_684 = arith.constant 784 : index
      %get3A_685 = tpu.vector_load %arg4[%get3A_683, %get3A_684] {strides = array<i32>} : memref<8x1000xf32, #tpu.memory_space<vmem>>, vector<1x16xf32>,
      %get3A_686 = vector.shape_cast %get3A_685 : vector<1x16xf32> to vector<16xf32>
      %add3A_687 = arith.addf %add3A_681, %get3A_686 : vector<16xf32>
      %get3A_688 = arith.constant 1 : i32
      %get3A_689 = arith.index_cast %get3A_688 : i32 to index
      %get3A_690 = arith.constant 800 : index
      %get3A_691 = tpu.vector_load %arg4[%get3A_689, %get3A_690] {strides = array<i32>} : memref<8x1000xf32, #tpu.memory_space<vmem>>, vector<1x16xf32>,
      %get3A_692 = vector.shape_cast %get3A_691 : vector<1x16xf32> to vector<16xf32>
      %add3A_693 = arith.addf %add3A_687, %get3A_692 : vector<16xf32>
      %get3A_694 = arith.constant 1 : i32
      %get3A_695 = arith.index_cast %get3A_694 : i32 to index
      %get3A_696 = arith.constant 816 : index
      %get3A_697 = tpu.vector_load %arg4[%get3A_695, %get3A_696] {strides = array<i32>} : memref<8x1000xf32, #tpu.memory_space<vmem>>, vector<1x16xf32>,
      %get3A_698 = vector.shape_cast %get3A_697 : vector<1x16xf32> to vector<16xf32>
      %add3A_699 = arith.addf %add3A_693, %get3A_698 : vector<16xf32>
      %get3A_700 = arith.constant 1 : i32
      %get3A_701 = arith.index_cast %get3A_700 : i32 to index
      %get3A_702 = arith.constant 832 : index
      %get3A_703 = tpu.vector_load %arg4[%get3A_701, %get3A_702] {strides = array<i32>} : memref<8x1000xf32, #tpu.memory_space<vmem>>, vector<1x16xf32>,
      %get3A_704 = vector.shape_cast %get3A_703 : vector<1x16xf32> to vector<16xf32>
      %add3A_705 = arith.addf %add3A_699, %get3A_704 : vector<16xf32>
      %get3A_706 = arith.constant 1 : i32
      %get3A_707 = arith.index_cast %get3A_706 : i32 to index
      %get3A_708 = arith.constant 848 : index
      %get3A_709 = tpu.vector_load %arg4[%get3A_707, %get3A_708] {strides = array<i32>} : memref<8x1000xf32, #tpu.memory_space<vmem>>, vector<1x16xf32>,
      %get3A_710 = vector.shape_cast %get3A_709 : vector<1x16xf32> to vector<16xf32>
      %add3A_711 = arith.addf %add3A_705, %get3A_710 : vector<16xf32>
      %get3A_712 = arith.constant 1 : i32
      %get3A_713 = arith.index_cast %get3A_712 : i32 to index
      %get3A_714 = arith.constant 864 : index
      %get3A_715 = tpu.vector_load %arg4[%get3A_713, %get3A_714] {strides = array<i32>} : memref<8x1000xf32, #tpu.memory_space<vmem>>, vector<1x16xf32>,
      %get3A_716 = vector.shape_cast %get3A_715 : vector<1x16xf32> to vector<16xf32>
      %add3A_717 = arith.addf %add3A_711, %get3A_716 : vector<16xf32>
      %get3A_718 = arith.constant 1 : i32
      %get3A_719 = arith.index_cast %get3A_718 : i32 to index
      %get3A_720 = arith.constant 880 : index
      %get3A_721 = tpu.vector_load %arg4[%get3A_719, %get3A_720] {strides = array<i32>} : memref<8x1000xf32, #tpu.memory_space<vmem>>, vector<1x16xf32>,
      %get3A_722 = vector.shape_cast %get3A_721 : vector<1x16xf32> to vector<16xf32>
      %add3A_723 = arith.addf %add3A_717, %get3A_722 : vector<16xf32>
      %get3A_724 = arith.constant 1 : i32
      %get3A_725 = arith.index_cast %get3A_724 : i32 to index
      %get3A_726 = arith.constant 896 : index
      %get3A_727 = tpu.vector_load %arg4[%get3A_725, %get3A_726] {strides = array<i32>} : memref<8x1000xf32, #tpu.memory_space<vmem>>, vector<1x16xf32>,
      %get3A_728 = vector.shape_cast %get3A_727 : vector<1x16xf32> to vector<16xf32>
      %add3A_729 = arith.addf %add3A_723, %get3A_728 : vector<16xf32>
      %get3A_730 = arith.constant 1 : i32
      %get3A_731 = arith.index_cast %get3A_730 : i32 to index
      %get3A_732 = arith.constant 912 : index
      %get3A_733 = tpu.vector_load %arg4[%get3A_731, %get3A_732] {strides = array<i32>} : memref<8x1000xf32, #tpu.memory_space<vmem>>, vector<1x16xf32>,
      %get3A_734 = vector.shape_cast %get3A_733 : vector<1x16xf32> to vector<16xf32>
      %add3A_735 = arith.addf %add3A_729, %get3A_734 : vector<16xf32>
      %get3A_736 = arith.constant 1 : i32
      %get3A_737 = arith.index_cast %get3A_736 : i32 to index
      %get3A_738 = arith.constant 928 : index
      %get3A_739 = tpu.vector_load %arg4[%get3A_737, %get3A_738] {strides = array<i32>} : memref<8x1000xf32, #tpu.memory_space<vmem>>, vector<1x16xf32>,
      %get3A_740 = vector.shape_cast %get3A_739 : vector<1x16xf32> to vector<16xf32>
      %add3A_741 = arith.addf %add3A_735, %get3A_740 : vector<16xf32>
      %get3A_742 = arith.constant 1 : i32
      %get3A_743 = arith.index_cast %get3A_742 : i32 to index
      %get3A_744 = arith.constant 944 : index
      %get3A_745 = tpu.vector_load %arg4[%get3A_743, %get3A_744] {strides = array<i32>} : memref<8x1000xf32, #tpu.memory_space<vmem>>, vector<1x16xf32>,
      %get3A_746 = vector.shape_cast %get3A_745 : vector<1x16xf32> to vector<16xf32>
      %add3A_747 = arith.addf %add3A_741, %get3A_746 : vector<16xf32>
      %get3A_748 = arith.constant 1 : i32
      %get3A_749 = arith.index_cast %get3A_748 : i32 to index
      %get3A_750 = arith.constant 960 : index
      %get3A_751 = tpu.vector_load %arg4[%get3A_749, %get3A_750] {strides = array<i32>} : memref<8x1000xf32, #tpu.memory_space<vmem>>, vector<1x16xf32>,
      %get3A_752 = vector.shape_cast %get3A_751 : vector<1x16xf32> to vector<16xf32>
      %add3A_753 = arith.addf %add3A_747, %get3A_752 : vector<16xf32>
      %get3A_754 = arith.constant 1 : i32
      %get3A_755 = arith.index_cast %get3A_754 : i32 to index
      %get3A_756 = arith.constant 976 : index
      %get3A_757 = tpu.vector_load %arg4[%get3A_755, %get3A_756] {strides = array<i32>} : memref<8x1000xf32, #tpu.memory_space<vmem>>, vector<1x16xf32>,
      %get3A_758 = vector.shape_cast %get3A_757 : vector<1x16xf32> to vector<16xf32>
      %add3A_759 = arith.addf %add3A_753, %get3A_758 : vector<16xf32>
      %get3A_760 = arith.constant 2 : i32
      %get3A_761 = arith.index_cast %get3A_760 : i32 to index
      %get3A_762 = arith.constant 0 : index
      %get3A_763 = tpu.vector_load %arg4[%get3A_761, %get3A_762] {strides = array<i32>} : memref<8x1000xf32, #tpu.memory_space<vmem>>, vector<1x16xf32>,
      %get3A_764 = vector.shape_cast %get3A_763 : vector<1x16xf32> to vector<16xf32>
      %add3A_765 = arith.addf %add3A_759, %get3A_764 : vector<16xf32>
      %get3A_766 = arith.constant 2 : i32
      %get3A_767 = arith.index_cast %get3A_766 : i32 to index
      %get3A_768 = arith.constant 16 : index
      %get3A_769 = tpu.vector_load %arg4[%get3A_767, %get3A_768] {strides = array<i32>} : memref<8x1000xf32, #tpu.memory_space<vmem>>, vector<1x16xf32>,
      %get3A_770 = vector.shape_cast %get3A_769 : vector<1x16xf32> to vector<16xf32>
      %add3A_771 = arith.addf %add3A_765, %get3A_770 : vector<16xf32>
      %get3A_772 = arith.constant 2 : i32
      %get3A_773 = arith.index_cast %get3A_772 : i32 to index
      %get3A_774 = arith.constant 32 : index
      %get3A_775 = tpu.vector_load %arg4[%get3A_773, %get3A_774] {strides = array<i32>} : memref<8x1000xf32, #tpu.memory_space<vmem>>, vector<1x16xf32>,
      %get3A_776 = vector.shape_cast %get3A_775 : vector<1x16xf32> to vector<16xf32>
      %add3A_777 = arith.addf %add3A_771, %get3A_776 : vector<16xf32>
      %get3A_778 = arith.constant 2 : i32
      %get3A_779 = arith.index_cast %get3A_778 : i32 to index
      %get3A_780 = arith.constant 48 : index
      %get3A_781 = tpu.vector_load %arg4[%get3A_779, %get3A_780] {strides = array<i32>} : memref<8x1000xf32, #tpu.memory_space<vmem>>, vector<1x16xf32>,
      %get3A_782 = vector.shape_cast %get3A_781 : vector<1x16xf32> to vector<16xf32>
      %add3A_783 = arith.addf %add3A_777, %get3A_782 : vector<16xf32>
      %get3A_784 = arith.constant 2 : i32
      %get3A_785 = arith.index_cast %get3A_784 : i32 to index
      %get3A_786 = arith.constant 64 : index
      %get3A_787 = tpu.vector_load %arg4[%get3A_785, %get3A_786] {strides = array<i32>} : memref<8x1000xf32, #tpu.memory_space<vmem>>, vector<1x16xf32>,
      %get3A_788 = vector.shape_cast %get3A_787 : vector<1x16xf32> to vector<16xf32>
      %add3A_789 = arith.addf %add3A_783, %get3A_788 : vector<16xf32>
      %get3A_790 = arith.constant 2 : i32
      %get3A_791 = arith.index_cast %get3A_790 : i32 to index
      %get3A_792 = arith.constant 80 : index
      %get3A_793 = tpu.vector_load %arg4[%get3A_791, %get3A_792] {strides = array<i32>} : memref<8x1000xf32, #tpu.memory_space<vmem>>, vector<1x16xf32>,
      %get3A_794 = vector.shape_cast %get3A_793 : vector<1x16xf32> to vector<16xf32>
      %add3A_795 = arith.addf %add3A_789, %get3A_794 : vector<16xf32>
      %get3A_796 = arith.constant 2 : i32
      %get3A_797 = arith.index_cast %get3A_796 : i32 to index
      %get3A_798 = arith.constant 96 : index
      %get3A_799 = tpu.vector_load %arg4[%get3A_797, %get3A_798] {strides = array<i32>} : memref<8x1000xf32, #tpu.memory_space<vmem>>, vector<1x16xf32>,
      %get3A_800 = vector.shape_cast %get3A_799 : vector<1x16xf32> to vector<16xf32>
      %add3A_801 = arith.addf %add3A_795, %get3A_800 : vector<16xf32>
      %get3A_802 = arith.constant 2 : i32
      %get3A_803 = arith.index_cast %get3A_802 : i32 to index
      %get3A_804 = arith.constant 112 : index
      %get3A_805 = tpu.vector_load %arg4[%get3A_803, %get3A_804] {strides = array<i32>} : memref<8x1000xf32, #tpu.memory_space<vmem>>, vector<1x16xf32>,
      %get3A_806 = vector.shape_cast %get3A_805 : vector<1x16xf32> to vector<16xf32>
      %add3A_807 = arith.addf %add3A_801, %get3A_806 : vector<16xf32>
      %get3A_808 = arith.constant 2 : i32
      %get3A_809 = arith.index_cast %get3A_808 : i32 to index
      %get3A_810 = arith.constant 128 : index
      %get3A_811 = tpu.vector_load %arg4[%get3A_809, %get3A_810] {strides = array<i32>} : memref<8x1000xf32, #tpu.memory_space<vmem>>, vector<1x16xf32>,
      %get3A_812 = vector.shape_cast %get3A_811 : vector<1x16xf32> to vector<16xf32>
      %add3A_813 = arith.addf %add3A_807, %get3A_812 : vector<16xf32>
      %get3A_814 = arith.constant 2 : i32
      %get3A_815 = arith.index_cast %get3A_814 : i32 to index
      %get3A_816 = arith.constant 144 : index
      %get3A_817 = tpu.vector_load %arg4[%get3A_815, %get3A_816] {strides = array<i32>} : memref<8x1000xf32, #tpu.memory_space<vmem>>, vector<1x16xf32>,
      %get3A_818 = vector.shape_cast %get3A_817 : vector<1x16xf32> to vector<16xf32>
      %add3A_819 = arith.addf %add3A_813, %get3A_818 : vector<16xf32>
      %get3A_820 = arith.constant 2 : i32
      %get3A_821 = arith.index_cast %get3A_820 : i32 to index
      %get3A_822 = arith.constant 160 : index
      %get3A_823 = tpu.vector_load %arg4[%get3A_821, %get3A_822] {strides = array<i32>} : memref<8x1000xf32, #tpu.memory_space<vmem>>, vector<1x16xf32>,
      %get3A_824 = vector.shape_cast %get3A_823 : vector<1x16xf32> to vector<16xf32>
      %add3A_825 = arith.addf %add3A_819, %get3A_824 : vector<16xf32>
      %get3A_826 = arith.constant 2 : i32
      %get3A_827 = arith.index_cast %get3A_826 : i32 to index
      %get3A_828 = arith.constant 176 : index
      %get3A_829 = tpu.vector_load %arg4[%get3A_827, %get3A_828] {strides = array<i32>} : memref<8x1000xf32, #tpu.memory_space<vmem>>, vector<1x16xf32>,
      %get3A_830 = vector.shape_cast %get3A_829 : vector<1x16xf32> to vector<16xf32>
      %add3A_831 = arith.addf %add3A_825, %get3A_830 : vector<16xf32>
      %get3A_832 = arith.constant 2 : i32
      %get3A_833 = arith.index_cast %get3A_832 : i32 to index
      %get3A_834 = arith.constant 192 : index
      %get3A_835 = tpu.vector_load %arg4[%get3A_833, %get3A_834] {strides = array<i32>} : memref<8x1000xf32, #tpu.memory_space<vmem>>, vector<1x16xf32>,
      %get3A_836 = vector.shape_cast %get3A_835 : vector<1x16xf32> to vector<16xf32>
      %add3A_837 = arith.addf %add3A_831, %get3A_836 : vector<16xf32>
      %get3A_838 = arith.constant 2 : i32
      %get3A_839 = arith.index_cast %get3A_838 : i32 to index
      %get3A_840 = arith.constant 208 : index
      %get3A_841 = tpu.vector_load %arg4[%get3A_839, %get3A_840] {strides = array<i32>} : memref<8x1000xf32, #tpu.memory_space<vmem>>, vector<1x16xf32>,
      %get3A_842 = vector.shape_cast %get3A_841 : vector<1x16xf32> to vector<16xf32>
      %add3A_843 = arith.addf %add3A_837, %get3A_842 : vector<16xf32>
      %get3A_844 = arith.constant 2 : i32
      %get3A_845 = arith.index_cast %get3A_844 : i32 to index
      %get3A_846 = arith.constant 224 : index
      %get3A_847 = tpu.vector_load %arg4[%get3A_845, %get3A_846] {strides = array<i32>} : memref<8x1000xf32, #tpu.memory_space<vmem>>, vector<1x16xf32>,
      %get3A_848 = vector.shape_cast %get3A_847 : vector<1x16xf32> to vector<16xf32>
      %add3A_849 = arith.addf %add3A_843, %get3A_848 : vector<16xf32>
      %get3A_850 = arith.constant 2 : i32
      %get3A_851 = arith.index_cast %get3A_850 : i32 to index
      %get3A_852 = arith.constant 240 : index
      %get3A_853 = tpu.vector_load %arg4[%get3A_851, %get3A_852] {strides = array<i32>} : memref<8x1000xf32, #tpu.memory_space<vmem>>, vector<1x16xf32>,
      %get3A_854 = vector.shape_cast %get3A_853 : vector<1x16xf32> to vector<16xf32>
      %add3A_855 = arith.addf %add3A_849, %get3A_854 : vector<16xf32>
      %get3A_856 = arith.constant 2 : i32
      %get3A_857 = arith.index_cast %get3A_856 : i32 to index
      %get3A_858 = arith.constant 256 : index
      %get3A_859 = tpu.vector_load %arg4[%get3A_857, %get3A_858] {strides = array<i32>} : memref<8x1000xf32, #tpu.memory_space<vmem>>, vector<1x16xf32>,
      %get3A_860 = vector.shape_cast %get3A_859 : vector<1x16xf32> to vector<16xf32>
      %add3A_861 = arith.addf %add3A_855, %get3A_860 : vector<16xf32>
      %get3A_862 = arith.constant 2 : i32
      %get3A_863 = arith.index_cast %get3A_862 : i32 to index
      %get3A_864 = arith.constant 272 : index
      %get3A_865 = tpu.vector_load %arg4[%get3A_863, %get3A_864] {strides = array<i32>} : memref<8x1000xf32, #tpu.memory_space<vmem>>, vector<1x16xf32>,
      %get3A_866 = vector.shape_cast %get3A_865 : vector<1x16xf32> to vector<16xf32>
      %add3A_867 = arith.addf %add3A_861, %get3A_866 : vector<16xf32>
      %get3A_868 = arith.constant 2 : i32
      %get3A_869 = arith.index_cast %get3A_868 : i32 to index
      %get3A_870 = arith.constant 288 : index
      %get3A_871 = tpu.vector_load %arg4[%get3A_869, %get3A_870] {strides = array<i32>} : memref<8x1000xf32, #tpu.memory_space<vmem>>, vector<1x16xf32>,
      %get3A_872 = vector.shape_cast %get3A_871 : vector<1x16xf32> to vector<16xf32>
      %add3A_873 = arith.addf %add3A_867, %get3A_872 : vector<16xf32>
      %get3A_874 = arith.constant 2 : i32
      %get3A_875 = arith.index_cast %get3A_874 : i32 to index
      %get3A_876 = arith.constant 304 : index
      %get3A_877 = tpu.vector_load %arg4[%get3A_875, %get3A_876] {strides = array<i32>} : memref<8x1000xf32, #tpu.memory_space<vmem>>, vector<1x16xf32>,
      %get3A_878 = vector.shape_cast %get3A_877 : vector<1x16xf32> to vector<16xf32>
      %add3A_879 = arith.addf %add3A_873, %get3A_878 : vector<16xf32>
      %get3A_880 = arith.constant 2 : i32
      %get3A_881 = arith.index_cast %get3A_880 : i32 to index
      %get3A_882 = arith.constant 320 : index
      %get3A_883 = tpu.vector_load %arg4[%get3A_881, %get3A_882] {strides = array<i32>} : memref<8x1000xf32, #tpu.memory_space<vmem>>, vector<1x16xf32>,
      %get3A_884 = vector.shape_cast %get3A_883 : vector<1x16xf32> to vector<16xf32>
      %add3A_885 = arith.addf %add3A_879, %get3A_884 : vector<16xf32>
      %get3A_886 = arith.constant 2 : i32
      %get3A_887 = arith.index_cast %get3A_886 : i32 to index
      %get3A_888 = arith.constant 336 : index
      %get3A_889 = tpu.vector_load %arg4[%get3A_887, %get3A_888] {strides = array<i32>} : memref<8x1000xf32, #tpu.memory_space<vmem>>, vector<1x16xf32>,
      %get3A_890 = vector.shape_cast %get3A_889 : vector<1x16xf32> to vector<16xf32>
      %add3A_891 = arith.addf %add3A_885, %get3A_890 : vector<16xf32>
      %get3A_892 = arith.constant 2 : i32
      %get3A_893 = arith.index_cast %get3A_892 : i32 to index
      %get3A_894 = arith.constant 352 : index
      %get3A_895 = tpu.vector_load %arg4[%get3A_893, %get3A_894] {strides = array<i32>} : memref<8x1000xf32, #tpu.memory_space<vmem>>, vector<1x16xf32>,
      %get3A_896 = vector.shape_cast %get3A_895 : vector<1x16xf32> to vector<16xf32>
      %add3A_897 = arith.addf %add3A_891, %get3A_896 : vector<16xf32>
      %get3A_898 = arith.constant 2 : i32
      %get3A_899 = arith.index_cast %get3A_898 : i32 to index
      %get3A_900 = arith.constant 368 : index
      %get3A_901 = tpu.vector_load %arg4[%get3A_899, %get3A_900] {strides = array<i32>} : memref<8x1000xf32, #tpu.memory_space<vmem>>, vector<1x16xf32>,
      %get3A_902 = vector.shape_cast %get3A_901 : vector<1x16xf32> to vector<16xf32>
      %add3A_903 = arith.addf %add3A_897, %get3A_902 : vector<16xf32>
      %get3A_904 = arith.constant 2 : i32
      %get3A_905 = arith.index_cast %get3A_904 : i32 to index
      %get3A_906 = arith.constant 384 : index
      %get3A_907 = tpu.vector_load %arg4[%get3A_905, %get3A_906] {strides = array<i32>} : memref<8x1000xf32, #tpu.memory_space<vmem>>, vector<1x16xf32>,
      %get3A_908 = vector.shape_cast %get3A_907 : vector<1x16xf32> to vector<16xf32>
      %add3A_909 = arith.addf %add3A_903, %get3A_908 : vector<16xf32>
      %get3A_910 = arith.constant 2 : i32
      %get3A_911 = arith.index_cast %get3A_910 : i32 to index
      %get3A_912 = arith.constant 400 : index
      %get3A_913 = tpu.vector_load %arg4[%get3A_911, %get3A_912] {strides = array<i32>} : memref<8x1000xf32, #tpu.memory_space<vmem>>, vector<1x16xf32>,
      %get3A_914 = vector.shape_cast %get3A_913 : vector<1x16xf32> to vector<16xf32>
      %add3A_915 = arith.addf %add3A_909, %get3A_914 : vector<16xf32>
      %get3A_916 = arith.constant 2 : i32
      %get3A_917 = arith.index_cast %get3A_916 : i32 to index
      %get3A_918 = arith.constant 416 : index
      %get3A_919 = tpu.vector_load %arg4[%get3A_917, %get3A_918] {strides = array<i32>} : memref<8x1000xf32, #tpu.memory_space<vmem>>, vector<1x16xf32>,
      %get3A_920 = vector.shape_cast %get3A_919 : vector<1x16xf32> to vector<16xf32>
      %add3A_921 = arith.addf %add3A_915, %get3A_920 : vector<16xf32>
      %get3A_922 = arith.constant 2 : i32
      %get3A_923 = arith.index_cast %get3A_922 : i32 to index
      %get3A_924 = arith.constant 432 : index
      %get3A_925 = tpu.vector_load %arg4[%get3A_923, %get3A_924] {strides = array<i32>} : memref<8x1000xf32, #tpu.memory_space<vmem>>, vector<1x16xf32>,
      %get3A_926 = vector.shape_cast %get3A_925 : vector<1x16xf32> to vector<16xf32>
      %add3A_927 = arith.addf %add3A_921, %get3A_926 : vector<16xf32>
      %get3A_928 = arith.constant 2 : i32
      %get3A_929 = arith.index_cast %get3A_928 : i32 to index
      %get3A_930 = arith.constant 448 : index
      %get3A_931 = tpu.vector_load %arg4[%get3A_929, %get3A_930] {strides = array<i32>} : memref<8x1000xf32, #tpu.memory_space<vmem>>, vector<1x16xf32>,
      %get3A_932 = vector.shape_cast %get3A_931 : vector<1x16xf32> to vector<16xf32>
      %add3A_933 = arith.addf %add3A_927, %get3A_932 : vector<16xf32>
      %get3A_934 = arith.constant 2 : i32
      %get3A_935 = arith.index_cast %get3A_934 : i32 to index
      %get3A_936 = arith.constant 464 : index
      %get3A_937 = tpu.vector_load %arg4[%get3A_935, %get3A_936] {strides = array<i32>} : memref<8x1000xf32, #tpu.memory_space<vmem>>, vector<1x16xf32>,
      %get3A_938 = vector.shape_cast %get3A_937 : vector<1x16xf32> to vector<16xf32>
      %add3A_939 = arith.addf %add3A_933, %get3A_938 : vector<16xf32>
      %get3A_940 = arith.constant 2 : i32
      %get3A_941 = arith.index_cast %get3A_940 : i32 to index
      %get3A_942 = arith.constant 480 : index
      %get3A_943 = tpu.vector_load %arg4[%get3A_941, %get3A_942] {strides = array<i32>} : memref<8x1000xf32, #tpu.memory_space<vmem>>, vector<1x16xf32>,
      %get3A_944 = vector.shape_cast %get3A_943 : vector<1x16xf32> to vector<16xf32>
      %add3A_945 = arith.addf %add3A_939, %get3A_944 : vector<16xf32>
      %get3A_946 = arith.constant 2 : i32
      %get3A_947 = arith.index_cast %get3A_946 : i32 to index
      %get3A_948 = arith.constant 496 : index
      %get3A_949 = tpu.vector_load %arg4[%get3A_947, %get3A_948] {strides = array<i32>} : memref<8x1000xf32, #tpu.memory_space<vmem>>, vector<1x16xf32>,
      %get3A_950 = vector.shape_cast %get3A_949 : vector<1x16xf32> to vector<16xf32>
      %add3A_951 = arith.addf %add3A_945, %get3A_950 : vector<16xf32>
      %get3A_952 = arith.constant 2 : i32
      %get3A_953 = arith.index_cast %get3A_952 : i32 to index
      %get3A_954 = arith.constant 512 : index
      %get3A_955 = tpu.vector_load %arg4[%get3A_953, %get3A_954] {strides = array<i32>} : memref<8x1000xf32, #tpu.memory_space<vmem>>, vector<1x16xf32>,
      %get3A_956 = vector.shape_cast %get3A_955 : vector<1x16xf32> to vector<16xf32>
      %add3A_957 = arith.addf %add3A_951, %get3A_956 : vector<16xf32>
      %get3A_958 = arith.constant 2 : i32
      %get3A_959 = arith.index_cast %get3A_958 : i32 to index
      %get3A_960 = arith.constant 528 : index
      %get3A_961 = tpu.vector_load %arg4[%get3A_959, %get3A_960] {strides = array<i32>} : memref<8x1000xf32, #tpu.memory_space<vmem>>, vector<1x16xf32>,
      %get3A_962 = vector.shape_cast %get3A_961 : vector<1x16xf32> to vector<16xf32>
      %add3A_963 = arith.addf %add3A_957, %get3A_962 : vector<16xf32>
      %get3A_964 = arith.constant 2 : i32
      %get3A_965 = arith.index_cast %get3A_964 : i32 to index
      %get3A_966 = arith.constant 544 : index
      %get3A_967 = tpu.vector_load %arg4[%get3A_965, %get3A_966] {strides = array<i32>} : memref<8x1000xf32, #tpu.memory_space<vmem>>, vector<1x16xf32>,
      %get3A_968 = vector.shape_cast %get3A_967 : vector<1x16xf32> to vector<16xf32>
      %add3A_969 = arith.addf %add3A_963, %get3A_968 : vector<16xf32>
      %get3A_970 = arith.constant 2 : i32
      %get3A_971 = arith.index_cast %get3A_970 : i32 to index
      %get3A_972 = arith.constant 560 : index
      %get3A_973 = tpu.vector_load %arg4[%get3A_971, %get3A_972] {strides = array<i32>} : memref<8x1000xf32, #tpu.memory_space<vmem>>, vector<1x16xf32>,
      %get3A_974 = vector.shape_cast %get3A_973 : vector<1x16xf32> to vector<16xf32>
      %add3A_975 = arith.addf %add3A_969, %get3A_974 : vector<16xf32>
      %get3A_976 = arith.constant 2 : i32
      %get3A_977 = arith.index_cast %get3A_976 : i32 to index
      %get3A_978 = arith.constant 576 : index
      %get3A_979 = tpu.vector_load %arg4[%get3A_977, %get3A_978] {strides = array<i32>} : memref<8x1000xf32, #tpu.memory_space<vmem>>, vector<1x16xf32>,
      %get3A_980 = vector.shape_cast %get3A_979 : vector<1x16xf32> to vector<16xf32>
      %add3A_981 = arith.addf %add3A_975, %get3A_980 : vector<16xf32>
      %get3A_982 = arith.constant 2 : i32
      %get3A_983 = arith.index_cast %get3A_982 : i32 to index
      %get3A_984 = arith.constant 592 : index
      %get3A_985 = tpu.vector_load %arg4[%get3A_983, %get3A_984] {strides = array<i32>} : memref<8x1000xf32, #tpu.memory_space<vmem>>, vector<1x16xf32>,
      %get3A_986 = vector.shape_cast %get3A_985 : vector<1x16xf32> to vector<16xf32>
      %add3A_987 = arith.addf %add3A_981, %get3A_986 : vector<16xf32>
      %get3A_988 = arith.constant 2 : i32
      %get3A_989 = arith.index_cast %get3A_988 : i32 to index
      %get3A_990 = arith.constant 608 : index
      %get3A_991 = tpu.vector_load %arg4[%get3A_989, %get3A_990] {strides = array<i32>} : memref<8x1000xf32, #tpu.memory_space<vmem>>, vector<1x16xf32>,
      %get3A_992 = vector.shape_cast %get3A_991 : vector<1x16xf32> to vector<16xf32>
      %add3A_993 = arith.addf %add3A_987, %get3A_992 : vector<16xf32>
      %get3A_994 = arith.constant 2 : i32
      %get3A_995 = arith.index_cast %get3A_994 : i32 to index
      %get3A_996 = arith.constant 624 : index
      %get3A_997 = tpu.vector_load %arg4[%get3A_995, %get3A_996] {strides = array<i32>} : memref<8x1000xf32, #tpu.memory_space<vmem>>, vector<1x16xf32>,
      %get3A_998 = vector.shape_cast %get3A_997 : vector<1x16xf32> to vector<16xf32>
      %add3A_999 = arith.addf %add3A_993, %get3A_998 : vector<16xf32>
      %get3A_1000 = arith.constant 2 : i32
      %get3A_1001 = arith.index_cast %get3A_1000 : i32 to index
      %get3A_1002 = arith.constant 640 : index
      %get3A_1003 = tpu.vector_load %arg4[%get3A_1001, %get3A_1002] {strides = array<i32>} : memref<8x1000xf32, #tpu.memory_space<vmem>>, vector<1x16xf32>,
      %get3A_1004 = vector.shape_cast %get3A_1003 : vector<1x16xf32> to vector<16xf32>
      %add3A_1005 = arith.addf %add3A_999, %get3A_1004 : vector<16xf32>
      %get3A_1006 = arith.constant 2 : i32
      %get3A_1007 = arith.index_cast %get3A_1006 : i32 to index
      %get3A_1008 = arith.constant 656 : index
      %get3A_1009 = tpu.vector_load %arg4[%get3A_1007, %get3A_1008] {strides = array<i32>} : memref<8x1000xf32, #tpu.memory_space<vmem>>, vector<1x16xf32>,
      %get3A_1010 = vector.shape_cast %get3A_1009 : vector<1x16xf32> to vector<16xf32>
      %add3A_1011 = arith.addf %add3A_1005, %get3A_1010 : vector<16xf32>
      %get3A_1012 = arith.constant 2 : i32
      %get3A_1013 = arith.index_cast %get3A_1012 : i32 to index
      %get3A_1014 = arith.constant 672 : index
      %get3A_1015 = tpu.vector_load %arg4[%get3A_1013, %get3A_1014] {strides = array<i32>} : memref<8x1000xf32, #tpu.memory_space<vmem>>, vector<1x16xf32>,
      %get3A_1016 = vector.shape_cast %get3A_1015 : vector<1x16xf32> to vector<16xf32>
      %add3A_1017 = arith.addf %add3A_1011, %get3A_1016 : vector<16xf32>
      %get3A_1018 = arith.constant 2 : i32
      %get3A_1019 = arith.index_cast %get3A_1018 : i32 to index
      %get3A_1020 = arith.constant 688 : index
      %get3A_1021 = tpu.vector_load %arg4[%get3A_1019, %get3A_1020] {strides = array<i32>} : memref<8x1000xf32, #tpu.memory_space<vmem>>, vector<1x16xf32>,
      %get3A_1022 = vector.shape_cast %get3A_1021 : vector<1x16xf32> to vector<16xf32>
      %add3A_1023 = arith.addf %add3A_1017, %get3A_1022 : vector<16xf32>
      %get3A_1024 = arith.constant 2 : i32
      %get3A_1025 = arith.index_cast %get3A_1024 : i32 to index
      %get3A_1026 = arith.constant 704 : index
      %get3A_1027 = tpu.vector_load %arg4[%get3A_1025, %get3A_1026] {strides = array<i32>} : memref<8x1000xf32, #tpu.memory_space<vmem>>, vector<1x16xf32>,
      %get3A_1028 = vector.shape_cast %get3A_1027 : vector<1x16xf32> to vector<16xf32>
      %add3A_1029 = arith.addf %add3A_1023, %get3A_1028 : vector<16xf32>
      %get3A_1030 = arith.constant 2 : i32
      %get3A_1031 = arith.index_cast %get3A_1030 : i32 to index
      %get3A_1032 = arith.constant 720 : index
      %get3A_1033 = tpu.vector_load %arg4[%get3A_1031, %get3A_1032] {strides = array<i32>} : memref<8x1000xf32, #tpu.memory_space<vmem>>, vector<1x16xf32>,
      %get3A_1034 = vector.shape_cast %get3A_1033 : vector<1x16xf32> to vector<16xf32>
      %add3A_1035 = arith.addf %add3A_1029, %get3A_1034 : vector<16xf32>
      %get3A_1036 = arith.constant 2 : i32
      %get3A_1037 = arith.index_cast %get3A_1036 : i32 to index
      %get3A_1038 = arith.constant 736 : index
      %get3A_1039 = tpu.vector_load %arg4[%get3A_1037, %get3A_1038] {strides = array<i32>} : memref<8x1000xf32, #tpu.memory_space<vmem>>, vector<1x16xf32>,
      %get3A_1040 = vector.shape_cast %get3A_1039 : vector<1x16xf32> to vector<16xf32>
      %add3A_1041 = arith.addf %add3A_1035, %get3A_1040 : vector<16xf32>
      %get3A_1042 = arith.constant 2 : i32
      %get3A_1043 = arith.index_cast %get3A_1042 : i32 to index
      %get3A_1044 = arith.constant 752 : index
      %get3A_1045 = tpu.vector_load %arg4[%get3A_1043, %get3A_1044] {strides = array<i32>} : memref<8x1000xf32, #tpu.memory_space<vmem>>, vector<1x16xf32>,
      %get3A_1046 = vector.shape_cast %get3A_1045 : vector<1x16xf32> to vector<16xf32>
      %add3A_1047 = arith.addf %add3A_1041, %get3A_1046 : vector<16xf32>
      %get3A_1048 = arith.constant 2 : i32
      %get3A_1049 = arith.index_cast %get3A_1048 : i32 to index
      %get3A_1050 = arith.constant 768 : index
      %get3A_1051 = tpu.vector_load %arg4[%get3A_1049, %get3A_1050] {strides = array<i32>} : memref<8x1000xf32, #tpu.memory_space<vmem>>, vector<1x16xf32>,
      %get3A_1052 = vector.shape_cast %get3A_1051 : vector<1x16xf32> to vector<16xf32>
      %add3A_1053 = arith.addf %add3A_1047, %get3A_1052 : vector<16xf32>
      %get3A_1054 = arith.constant 2 : i32
      %get3A_1055 = arith.index_cast %get3A_1054 : i32 to index
      %get3A_1056 = arith.constant 784 : index
      %get3A_1057 = tpu.vector_load %arg4[%get3A_1055, %get3A_1056] {strides = array<i32>} : memref<8x1000xf32, #tpu.memory_space<vmem>>, vector<1x16xf32>,
      %get3A_1058 = vector.shape_cast %get3A_1057 : vector<1x16xf32> to vector<16xf32>
      %add3A_1059 = arith.addf %add3A_1053, %get3A_1058 : vector<16xf32>
      %get3A_1060 = arith.constant 2 : i32
      %get3A_1061 = arith.index_cast %get3A_1060 : i32 to index
      %get3A_1062 = arith.constant 800 : index
      %get3A_1063 = tpu.vector_load %arg4[%get3A_1061, %get3A_1062] {strides = array<i32>} : memref<8x1000xf32, #tpu.memory_space<vmem>>, vector<1x16xf32>,
      %get3A_1064 = vector.shape_cast %get3A_1063 : vector<1x16xf32> to vector<16xf32>
      %add3A_1065 = arith.addf %add3A_1059, %get3A_1064 : vector<16xf32>
      %get3A_1066 = arith.constant 2 : i32
      %get3A_1067 = arith.index_cast %get3A_1066 : i32 to index
      %get3A_1068 = arith.constant 816 : index
      %get3A_1069 = tpu.vector_load %arg4[%get3A_1067, %get3A_1068] {strides = array<i32>} : memref<8x1000xf32, #tpu.memory_space<vmem>>, vector<1x16xf32>,
      %get3A_1070 = vector.shape_cast %get3A_1069 : vector<1x16xf32> to vector<16xf32>
      %add3A_1071 = arith.addf %add3A_1065, %get3A_1070 : vector<16xf32>
      %get3A_1072 = arith.constant 2 : i32
      %get3A_1073 = arith.index_cast %get3A_1072 : i32 to index
      %get3A_1074 = arith.constant 832 : index
      %get3A_1075 = tpu.vector_load %arg4[%get3A_1073, %get3A_1074] {strides = array<i32>} : memref<8x1000xf32, #tpu.memory_space<vmem>>, vector<1x16xf32>,
      %get3A_1076 = vector.shape_cast %get3A_1075 : vector<1x16xf32> to vector<16xf32>
      %add3A_1077 = arith.addf %add3A_1071, %get3A_1076 : vector<16xf32>
      %get3A_1078 = arith.constant 2 : i32
      %get3A_1079 = arith.index_cast %get3A_1078 : i32 to index
      %get3A_1080 = arith.constant 848 : index
      %get3A_1081 = tpu.vector_load %arg4[%get3A_1079, %get3A_1080] {strides = array<i32>} : memref<8x1000xf32, #tpu.memory_space<vmem>>, vector<1x16xf32>,
      %get3A_1082 = vector.shape_cast %get3A_1081 : vector<1x16xf32> to vector<16xf32>
      %add3A_1083 = arith.addf %add3A_1077, %get3A_1082 : vector<16xf32>
      %get3A_1084 = arith.constant 2 : i32
      %get3A_1085 = arith.index_cast %get3A_1084 : i32 to index
      %get3A_1086 = arith.constant 864 : index
      %get3A_1087 = tpu.vector_load %arg4[%get3A_1085, %get3A_1086] {strides = array<i32>} : memref<8x1000xf32, #tpu.memory_space<vmem>>, vector<1x16xf32>,
      %get3A_1088 = vector.shape_cast %get3A_1087 : vector<1x16xf32> to vector<16xf32>
      %add3A_1089 = arith.addf %add3A_1083, %get3A_1088 : vector<16xf32>
      %get3A_1090 = arith.constant 2 : i32
      %get3A_1091 = arith.index_cast %get3A_1090 : i32 to index
      %get3A_1092 = arith.constant 880 : index
      %get3A_1093 = tpu.vector_load %arg4[%get3A_1091, %get3A_1092] {strides = array<i32>} : memref<8x1000xf32, #tpu.memory_space<vmem>>, vector<1x16xf32>,
      %get3A_1094 = vector.shape_cast %get3A_1093 : vector<1x16xf32> to vector<16xf32>
      %add3A_1095 = arith.addf %add3A_1089, %get3A_1094 : vector<16xf32>
      %get3A_1096 = arith.constant 2 : i32
      %get3A_1097 = arith.index_cast %get3A_1096 : i32 to index
      %get3A_1098 = arith.constant 896 : index
      %get3A_1099 = tpu.vector_load %arg4[%get3A_1097, %get3A_1098] {strides = array<i32>} : memref<8x1000xf32, #tpu.memory_space<vmem>>, vector<1x16xf32>,
      %get3A_1100 = vector.shape_cast %get3A_1099 : vector<1x16xf32> to vector<16xf32>
      %add3A_1101 = arith.addf %add3A_1095, %get3A_1100 : vector<16xf32>
      %get3A_1102 = arith.constant 2 : i32
      %get3A_1103 = arith.index_cast %get3A_1102 : i32 to index
      %get3A_1104 = arith.constant 912 : index
      %get3A_1105 = tpu.vector_load %arg4[%get3A_1103, %get3A_1104] {strides = array<i32>} : memref<8x1000xf32, #tpu.memory_space<vmem>>, vector<1x16xf32>,
      %get3A_1106 = vector.shape_cast %get3A_1105 : vector<1x16xf32> to vector<16xf32>
      %add3A_1107 = arith.addf %add3A_1101, %get3A_1106 : vector<16xf32>
      %get3A_1108 = arith.constant 2 : i32
      %get3A_1109 = arith.index_cast %get3A_1108 : i32 to index
      %get3A_1110 = arith.constant 928 : index
      %get3A_1111 = tpu.vector_load %arg4[%get3A_1109, %get3A_1110] {strides = array<i32>} : memref<8x1000xf32, #tpu.memory_space<vmem>>, vector<1x16xf32>,
      %get3A_1112 = vector.shape_cast %get3A_1111 : vector<1x16xf32> to vector<16xf32>
      %add3A_1113 = arith.addf %add3A_1107, %get3A_1112 : vector<16xf32>
      %get3A_1114 = arith.constant 2 : i32
      %get3A_1115 = arith.index_cast %get3A_1114 : i32 to index
      %get3A_1116 = arith.constant 944 : index
      %get3A_1117 = tpu.vector_load %arg4[%get3A_1115, %get3A_1116] {strides = array<i32>} : memref<8x1000xf32, #tpu.memory_space<vmem>>, vector<1x16xf32>,
      %get3A_1118 = vector.shape_cast %get3A_1117 : vector<1x16xf32> to vector<16xf32>
      %add3A_1119 = arith.addf %add3A_1113, %get3A_1118 : vector<16xf32>
      %get3A_1120 = arith.constant 2 : i32
      %get3A_1121 = arith.index_cast %get3A_1120 : i32 to index
      %get3A_1122 = arith.constant 960 : index
      %get3A_1123 = tpu.vector_load %arg4[%get3A_1121, %get3A_1122] {strides = array<i32>} : memref<8x1000xf32, #tpu.memory_space<vmem>>, vector<1x16xf32>,
      %get3A_1124 = vector.shape_cast %get3A_1123 : vector<1x16xf32> to vector<16xf32>
      %add3A_1125 = arith.addf %add3A_1119, %get3A_1124 : vector<16xf32>
      %get3A_1126 = arith.constant 2 : i32
      %get3A_1127 = arith.index_cast %get3A_1126 : i32 to index
      %get3A_1128 = arith.constant 976 : index
      %get3A_1129 = tpu.vector_load %arg4[%get3A_1127, %get3A_1128] {strides = array<i32>} : memref<8x1000xf32, #tpu.memory_space<vmem>>, vector<1x16xf32>,
      %get3A_1130 = vector.shape_cast %get3A_1129 : vector<1x16xf32> to vector<16xf32>
      %add3A_1131 = arith.addf %add3A_1125, %get3A_1130 : vector<16xf32>
      %get3A_1132 = arith.constant 3 : i32
      %get3A_1133 = arith.index_cast %get3A_1132 : i32 to index
      %get3A_1134 = arith.constant 0 : index
      %get3A_1135 = tpu.vector_load %arg4[%get3A_1133, %get3A_1134] {strides = array<i32>} : memref<8x1000xf32, #tpu.memory_space<vmem>>, vector<1x16xf32>,
      %get3A_1136 = vector.shape_cast %get3A_1135 : vector<1x16xf32> to vector<16xf32>
      %add3A_1137 = arith.addf %add3A_1131, %get3A_1136 : vector<16xf32>
      %get3A_1138 = arith.constant 3 : i32
      %get3A_1139 = arith.index_cast %get3A_1138 : i32 to index
      %get3A_1140 = arith.constant 16 : index
      %get3A_1141 = tpu.vector_load %arg4[%get3A_1139, %get3A_1140] {strides = array<i32>} : memref<8x1000xf32, #tpu.memory_space<vmem>>, vector<1x16xf32>,
      %get3A_1142 = vector.shape_cast %get3A_1141 : vector<1x16xf32> to vector<16xf32>
      %add3A_1143 = arith.addf %add3A_1137, %get3A_1142 : vector<16xf32>
      %get3A_1144 = arith.constant 3 : i32
      %get3A_1145 = arith.index_cast %get3A_1144 : i32 to index
      %get3A_1146 = arith.constant 32 : index
      %get3A_1147 = tpu.vector_load %arg4[%get3A_1145, %get3A_1146] {strides = array<i32>} : memref<8x1000xf32, #tpu.memory_space<vmem>>, vector<1x16xf32>,
      %get3A_1148 = vector.shape_cast %get3A_1147 : vector<1x16xf32> to vector<16xf32>
      %add3A_1149 = arith.addf %add3A_1143, %get3A_1148 : vector<16xf32>
      %get3A_1150 = arith.constant 3 : i32
      %get3A_1151 = arith.index_cast %get3A_1150 : i32 to index
      %get3A_1152 = arith.constant 48 : index
      %get3A_1153 = tpu.vector_load %arg4[%get3A_1151, %get3A_1152] {strides = array<i32>} : memref<8x1000xf32, #tpu.memory_space<vmem>>, vector<1x16xf32>,
      %get3A_1154 = vector.shape_cast %get3A_1153 : vector<1x16xf32> to vector<16xf32>
      %add3A_1155 = arith.addf %add3A_1149, %get3A_1154 : vector<16xf32>
      %get3A_1156 = arith.constant 3 : i32
      %get3A_1157 = arith.index_cast %get3A_1156 : i32 to index
      %get3A_1158 = arith.constant 64 : index
      %get3A_1159 = tpu.vector_load %arg4[%get3A_1157, %get3A_1158] {strides = array<i32>} : memref<8x1000xf32, #tpu.memory_space<vmem>>, vector<1x16xf32>,
      %get3A_1160 = vector.shape_cast %get3A_1159 : vector<1x16xf32> to vector<16xf32>
      %add3A_1161 = arith.addf %add3A_1155, %get3A_1160 : vector<16xf32>
      %get3A_1162 = arith.constant 3 : i32
      %get3A_1163 = arith.index_cast %get3A_1162 : i32 to index
      %get3A_1164 = arith.constant 80 : index
      %get3A_1165 = tpu.vector_load %arg4[%get3A_1163, %get3A_1164] {strides = array<i32>} : memref<8x1000xf32, #tpu.memory_space<vmem>>, vector<1x16xf32>,
      %get3A_1166 = vector.shape_cast %get3A_1165 : vector<1x16xf32> to vector<16xf32>
      %add3A_1167 = arith.addf %add3A_1161, %get3A_1166 : vector<16xf32>
      %get3A_1168 = arith.constant 3 : i32
      %get3A_1169 = arith.index_cast %get3A_1168 : i32 to index
      %get3A_1170 = arith.constant 96 : index
      %get3A_1171 = tpu.vector_load %arg4[%get3A_1169, %get3A_1170] {strides = array<i32>} : memref<8x1000xf32, #tpu.memory_space<vmem>>, vector<1x16xf32>,
      %get3A_1172 = vector.shape_cast %get3A_1171 : vector<1x16xf32> to vector<16xf32>
      %add3A_1173 = arith.addf %add3A_1167, %get3A_1172 : vector<16xf32>
      %get3A_1174 = arith.constant 3 : i32
      %get3A_1175 = arith.index_cast %get3A_1174 : i32 to index
      %get3A_1176 = arith.constant 112 : index
      %get3A_1177 = tpu.vector_load %arg4[%get3A_1175, %get3A_1176] {strides = array<i32>} : memref<8x1000xf32, #tpu.memory_space<vmem>>, vector<1x16xf32>,
      %get3A_1178 = vector.shape_cast %get3A_1177 : vector<1x16xf32> to vector<16xf32>
      %add3A_1179 = arith.addf %add3A_1173, %get3A_1178 : vector<16xf32>
      %get3A_1180 = arith.constant 3 : i32
      %get3A_1181 = arith.index_cast %get3A_1180 : i32 to index
      %get3A_1182 = arith.constant 128 : index
      %get3A_1183 = tpu.vector_load %arg4[%get3A_1181, %get3A_1182] {strides = array<i32>} : memref<8x1000xf32, #tpu.memory_space<vmem>>, vector<1x16xf32>,
      %get3A_1184 = vector.shape_cast %get3A_1183 : vector<1x16xf32> to vector<16xf32>
      %add3A_1185 = arith.addf %add3A_1179, %get3A_1184 : vector<16xf32>
      %get3A_1186 = arith.constant 3 : i32
      %get3A_1187 = arith.index_cast %get3A_1186 : i32 to index
      %get3A_1188 = arith.constant 144 : index
      %get3A_1189 = tpu.vector_load %arg4[%get3A_1187, %get3A_1188] {strides = array<i32>} : memref<8x1000xf32, #tpu.memory_space<vmem>>, vector<1x16xf32>,
      %get3A_1190 = vector.shape_cast %get3A_1189 : vector<1x16xf32> to vector<16xf32>
      %add3A_1191 = arith.addf %add3A_1185, %get3A_1190 : vector<16xf32>
      %get3A_1192 = arith.constant 3 : i32
      %get3A_1193 = arith.index_cast %get3A_1192 : i32 to index
      %get3A_1194 = arith.constant 160 : index
      %get3A_1195 = tpu.vector_load %arg4[%get3A_1193, %get3A_1194] {strides = array<i32>} : memref<8x1000xf32, #tpu.memory_space<vmem>>, vector<1x16xf32>,
      %get3A_1196 = vector.shape_cast %get3A_1195 : vector<1x16xf32> to vector<16xf32>
      %add3A_1197 = arith.addf %add3A_1191, %get3A_1196 : vector<16xf32>
      %get3A_1198 = arith.constant 3 : i32
      %get3A_1199 = arith.index_cast %get3A_1198 : i32 to index
      %get3A_1200 = arith.constant 176 : index
      %get3A_1201 = tpu.vector_load %arg4[%get3A_1199, %get3A_1200] {strides = array<i32>} : memref<8x1000xf32, #tpu.memory_space<vmem>>, vector<1x16xf32>,
      %get3A_1202 = vector.shape_cast %get3A_1201 : vector<1x16xf32> to vector<16xf32>
      %add3A_1203 = arith.addf %add3A_1197, %get3A_1202 : vector<16xf32>
      %get3A_1204 = arith.constant 3 : i32
      %get3A_1205 = arith.index_cast %get3A_1204 : i32 to index
      %get3A_1206 = arith.constant 192 : index
      %get3A_1207 = tpu.vector_load %arg4[%get3A_1205, %get3A_1206] {strides = array<i32>} : memref<8x1000xf32, #tpu.memory_space<vmem>>, vector<1x16xf32>,
      %get3A_1208 = vector.shape_cast %get3A_1207 : vector<1x16xf32> to vector<16xf32>
      %add3A_1209 = arith.addf %add3A_1203, %get3A_1208 : vector<16xf32>
      %get3A_1210 = arith.constant 3 : i32
      %get3A_1211 = arith.index_cast %get3A_1210 : i32 to index
      %get3A_1212 = arith.constant 208 : index
      %get3A_1213 = tpu.vector_load %arg4[%get3A_1211, %get3A_1212] {strides = array<i32>} : memref<8x1000xf32, #tpu.memory_space<vmem>>, vector<1x16xf32>,
      %get3A_1214 = vector.shape_cast %get3A_1213 : vector<1x16xf32> to vector<16xf32>
      %add3A_1215 = arith.addf %add3A_1209, %get3A_1214 : vector<16xf32>
      %get3A_1216 = arith.constant 3 : i32
      %get3A_1217 = arith.index_cast %get3A_1216 : i32 to index
      %get3A_1218 = arith.constant 224 : index
      %get3A_1219 = tpu.vector_load %arg4[%get3A_1217, %get3A_1218] {strides = array<i32>} : memref<8x1000xf32, #tpu.memory_space<vmem>>, vector<1x16xf32>,
      %get3A_1220 = vector.shape_cast %get3A_1219 : vector<1x16xf32> to vector<16xf32>
      %add3A_1221 = arith.addf %add3A_1215, %get3A_1220 : vector<16xf32>
      %get3A_1222 = arith.constant 3 : i32
      %get3A_1223 = arith.index_cast %get3A_1222 : i32 to index
      %get3A_1224 = arith.constant 240 : index
      %get3A_1225 = tpu.vector_load %arg4[%get3A_1223, %get3A_1224] {strides = array<i32>} : memref<8x1000xf32, #tpu.memory_space<vmem>>, vector<1x16xf32>,
      %get3A_1226 = vector.shape_cast %get3A_1225 : vector<1x16xf32> to vector<16xf32>
      %add3A_1227 = arith.addf %add3A_1221, %get3A_1226 : vector<16xf32>
      %get3A_1228 = arith.constant 3 : i32
      %get3A_1229 = arith.index_cast %get3A_1228 : i32 to index
      %get3A_1230 = arith.constant 256 : index
      %get3A_1231 = tpu.vector_load %arg4[%get3A_1229, %get3A_1230] {strides = array<i32>} : memref<8x1000xf32, #tpu.memory_space<vmem>>, vector<1x16xf32>,
      %get3A_1232 = vector.shape_cast %get3A_1231 : vector<1x16xf32> to vector<16xf32>
      %add3A_1233 = arith.addf %add3A_1227, %get3A_1232 : vector<16xf32>
      %get3A_1234 = arith.constant 3 : i32
      %get3A_1235 = arith.index_cast %get3A_1234 : i32 to index
      %get3A_1236 = arith.constant 272 : index
      %get3A_1237 = tpu.vector_load %arg4[%get3A_1235, %get3A_1236] {strides = array<i32>} : memref<8x1000xf32, #tpu.memory_space<vmem>>, vector<1x16xf32>,
      %get3A_1238 = vector.shape_cast %get3A_1237 : vector<1x16xf32> to vector<16xf32>
      %add3A_1239 = arith.addf %add3A_1233, %get3A_1238 : vector<16xf32>
      %get3A_1240 = arith.constant 3 : i32
      %get3A_1241 = arith.index_cast %get3A_1240 : i32 to index
      %get3A_1242 = arith.constant 288 : index
      %get3A_1243 = tpu.vector_load %arg4[%get3A_1241, %get3A_1242] {strides = array<i32>} : memref<8x1000xf32, #tpu.memory_space<vmem>>, vector<1x16xf32>,
      %get3A_1244 = vector.shape_cast %get3A_1243 : vector<1x16xf32> to vector<16xf32>
      %add3A_1245 = arith.addf %add3A_1239, %get3A_1244 : vector<16xf32>
      %get3A_1246 = arith.constant 3 : i32
      %get3A_1247 = arith.index_cast %get3A_1246 : i32 to index
      %get3A_1248 = arith.constant 304 : index
      %get3A_1249 = tpu.vector_load %arg4[%get3A_1247, %get3A_1248] {strides = array<i32>} : memref<8x1000xf32, #tpu.memory_space<vmem>>, vector<1x16xf32>,
      %get3A_1250 = vector.shape_cast %get3A_1249 : vector<1x16xf32> to vector<16xf32>
      %add3A_1251 = arith.addf %add3A_1245, %get3A_1250 : vector<16xf32>
      %get3A_1252 = arith.constant 3 : i32
      %get3A_1253 = arith.index_cast %get3A_1252 : i32 to index
      %get3A_1254 = arith.constant 320 : index
      %get3A_1255 = tpu.vector_load %arg4[%get3A_1253, %get3A_1254] {strides = array<i32>} : memref<8x1000xf32, #tpu.memory_space<vmem>>, vector<1x16xf32>,
      %get3A_1256 = vector.shape_cast %get3A_1255 : vector<1x16xf32> to vector<16xf32>
      %add3A_1257 = arith.addf %add3A_1251, %get3A_1256 : vector<16xf32>
      %get3A_1258 = arith.constant 3 : i32
      %get3A_1259 = arith.index_cast %get3A_1258 : i32 to index
      %get3A_1260 = arith.constant 336 : index
      %get3A_1261 = tpu.vector_load %arg4[%get3A_1259, %get3A_1260] {strides = array<i32>} : memref<8x1000xf32, #tpu.memory_space<vmem>>, vector<1x16xf32>,
      %get3A_1262 = vector.shape_cast %get3A_1261 : vector<1x16xf32> to vector<16xf32>
      %add3A_1263 = arith.addf %add3A_1257, %get3A_1262 : vector<16xf32>
      %get3A_1264 = arith.constant 3 : i32
      %get3A_1265 = arith.index_cast %get3A_1264 : i32 to index
      %get3A_1266 = arith.constant 352 : index
      %get3A_1267 = tpu.vector_load %arg4[%get3A_1265, %get3A_1266] {strides = array<i32>} : memref<8x1000xf32, #tpu.memory_space<vmem>>, vector<1x16xf32>,
      %get3A_1268 = vector.shape_cast %get3A_1267 : vector<1x16xf32> to vector<16xf32>
      %add3A_1269 = arith.addf %add3A_1263, %get3A_1268 : vector<16xf32>
      %get3A_1270 = arith.constant 3 : i32
      %get3A_1271 = arith.index_cast %get3A_1270 : i32 to index
      %get3A_1272 = arith.constant 368 : index
      %get3A_1273 = tpu.vector_load %arg4[%get3A_1271, %get3A_1272] {strides = array<i32>} : memref<8x1000xf32, #tpu.memory_space<vmem>>, vector<1x16xf32>,
      %get3A_1274 = vector.shape_cast %get3A_1273 : vector<1x16xf32> to vector<16xf32>
      %add3A_1275 = arith.addf %add3A_1269, %get3A_1274 : vector<16xf32>
      %get3A_1276 = arith.constant 3 : i32
      %get3A_1277 = arith.index_cast %get3A_1276 : i32 to index
      %get3A_1278 = arith.constant 384 : index
      %get3A_1279 = tpu.vector_load %arg4[%get3A_1277, %get3A_1278] {strides = array<i32>} : memref<8x1000xf32, #tpu.memory_space<vmem>>, vector<1x16xf32>,
      %get3A_1280 = vector.shape_cast %get3A_1279 : vector<1x16xf32> to vector<16xf32>
      %add3A_1281 = arith.addf %add3A_1275, %get3A_1280 : vector<16xf32>
      %get3A_1282 = arith.constant 3 : i32
      %get3A_1283 = arith.index_cast %get3A_1282 : i32 to index
      %get3A_1284 = arith.constant 400 : index
      %get3A_1285 = tpu.vector_load %arg4[%get3A_1283, %get3A_1284] {strides = array<i32>} : memref<8x1000xf32, #tpu.memory_space<vmem>>, vector<1x16xf32>,
      %get3A_1286 = vector.shape_cast %get3A_1285 : vector<1x16xf32> to vector<16xf32>
      %add3A_1287 = arith.addf %add3A_1281, %get3A_1286 : vector<16xf32>
      %get3A_1288 = arith.constant 3 : i32
      %get3A_1289 = arith.index_cast %get3A_1288 : i32 to index
      %get3A_1290 = arith.constant 416 : index
      %get3A_1291 = tpu.vector_load %arg4[%get3A_1289, %get3A_1290] {strides = array<i32>} : memref<8x1000xf32, #tpu.memory_space<vmem>>, vector<1x16xf32>,
      %get3A_1292 = vector.shape_cast %get3A_1291 : vector<1x16xf32> to vector<16xf32>
      %add3A_1293 = arith.addf %add3A_1287, %get3A_1292 : vector<16xf32>
      %get3A_1294 = arith.constant 3 : i32
      %get3A_1295 = arith.index_cast %get3A_1294 : i32 to index
      %get3A_1296 = arith.constant 432 : index
      %get3A_1297 = tpu.vector_load %arg4[%get3A_1295, %get3A_1296] {strides = array<i32>} : memref<8x1000xf32, #tpu.memory_space<vmem>>, vector<1x16xf32>,
      %get3A_1298 = vector.shape_cast %get3A_1297 : vector<1x16xf32> to vector<16xf32>
      %add3A_1299 = arith.addf %add3A_1293, %get3A_1298 : vector<16xf32>
      %get3A_1300 = arith.constant 3 : i32
      %get3A_1301 = arith.index_cast %get3A_1300 : i32 to index
      %get3A_1302 = arith.constant 448 : index
      %get3A_1303 = tpu.vector_load %arg4[%get3A_1301, %get3A_1302] {strides = array<i32>} : memref<8x1000xf32, #tpu.memory_space<vmem>>, vector<1x16xf32>,
      %get3A_1304 = vector.shape_cast %get3A_1303 : vector<1x16xf32> to vector<16xf32>
      %add3A_1305 = arith.addf %add3A_1299, %get3A_1304 : vector<16xf32>
      %get3A_1306 = arith.constant 3 : i32
      %get3A_1307 = arith.index_cast %get3A_1306 : i32 to index
      %get3A_1308 = arith.constant 464 : index
      %get3A_1309 = tpu.vector_load %arg4[%get3A_1307, %get3A_1308] {strides = array<i32>} : memref<8x1000xf32, #tpu.memory_space<vmem>>, vector<1x16xf32>,
      %get3A_1310 = vector.shape_cast %get3A_1309 : vector<1x16xf32> to vector<16xf32>
      %add3A_1311 = arith.addf %add3A_1305, %get3A_1310 : vector<16xf32>
      %get3A_1312 = arith.constant 3 : i32
      %get3A_1313 = arith.index_cast %get3A_1312 : i32 to index
      %get3A_1314 = arith.constant 480 : index
      %get3A_1315 = tpu.vector_load %arg4[%get3A_1313, %get3A_1314] {strides = array<i32>} : memref<8x1000xf32, #tpu.memory_space<vmem>>, vector<1x16xf32>,
      %get3A_1316 = vector.shape_cast %get3A_1315 : vector<1x16xf32> to vector<16xf32>
      %add3A_1317 = arith.addf %add3A_1311, %get3A_1316 : vector<16xf32>
      %get3A_1318 = arith.constant 3 : i32
      %get3A_1319 = arith.index_cast %get3A_1318 : i32 to index
      %get3A_1320 = arith.constant 496 : index
      %get3A_1321 = tpu.vector_load %arg4[%get3A_1319, %get3A_1320] {strides = array<i32>} : memref<8x1000xf32, #tpu.memory_space<vmem>>, vector<1x16xf32>,
      %get3A_1322 = vector.shape_cast %get3A_1321 : vector<1x16xf32> to vector<16xf32>
      %add3A_1323 = arith.addf %add3A_1317, %get3A_1322 : vector<16xf32>
      %get3A_1324 = arith.constant 3 : i32
      %get3A_1325 = arith.index_cast %get3A_1324 : i32 to index
      %get3A_1326 = arith.constant 512 : index
      %get3A_1327 = tpu.vector_load %arg4[%get3A_1325, %get3A_1326] {strides = array<i32>} : memref<8x1000xf32, #tpu.memory_space<vmem>>, vector<1x16xf32>,
      %get3A_1328 = vector.shape_cast %get3A_1327 : vector<1x16xf32> to vector<16xf32>
      %add3A_1329 = arith.addf %add3A_1323, %get3A_1328 : vector<16xf32>
      %get3A_1330 = arith.constant 3 : i32
      %get3A_1331 = arith.index_cast %get3A_1330 : i32 to index
      %get3A_1332 = arith.constant 528 : index
      %get3A_1333 = tpu.vector_load %arg4[%get3A_1331, %get3A_1332] {strides = array<i32>} : memref<8x1000xf32, #tpu.memory_space<vmem>>, vector<1x16xf32>,
      %get3A_1334 = vector.shape_cast %get3A_1333 : vector<1x16xf32> to vector<16xf32>
      %add3A_1335 = arith.addf %add3A_1329, %get3A_1334 : vector<16xf32>
      %get3A_1336 = arith.constant 3 : i32
      %get3A_1337 = arith.index_cast %get3A_1336 : i32 to index
      %get3A_1338 = arith.constant 544 : index
      %get3A_1339 = tpu.vector_load %arg4[%get3A_1337, %get3A_1338] {strides = array<i32>} : memref<8x1000xf32, #tpu.memory_space<vmem>>, vector<1x16xf32>,
      %get3A_1340 = vector.shape_cast %get3A_1339 : vector<1x16xf32> to vector<16xf32>
      %add3A_1341 = arith.addf %add3A_1335, %get3A_1340 : vector<16xf32>
      %get3A_1342 = arith.constant 3 : i32
      %get3A_1343 = arith.index_cast %get3A_1342 : i32 to index
      %get3A_1344 = arith.constant 560 : index
      %get3A_1345 = tpu.vector_load %arg4[%get3A_1343, %get3A_1344] {strides = array<i32>} : memref<8x1000xf32, #tpu.memory_space<vmem>>, vector<1x16xf32>,
      %get3A_1346 = vector.shape_cast %get3A_1345 : vector<1x16xf32> to vector<16xf32>
      %add3A_1347 = arith.addf %add3A_1341, %get3A_1346 : vector<16xf32>
      %get3A_1348 = arith.constant 3 : i32
      %get3A_1349 = arith.index_cast %get3A_1348 : i32 to index
      %get3A_1350 = arith.constant 576 : index
      %get3A_1351 = tpu.vector_load %arg4[%get3A_1349, %get3A_1350] {strides = array<i32>} : memref<8x1000xf32, #tpu.memory_space<vmem>>, vector<1x16xf32>,
      %get3A_1352 = vector.shape_cast %get3A_1351 : vector<1x16xf32> to vector<16xf32>
      %add3A_1353 = arith.addf %add3A_1347, %get3A_1352 : vector<16xf32>
      %get3A_1354 = arith.constant 3 : i32
      %get3A_1355 = arith.index_cast %get3A_1354 : i32 to index
      %get3A_1356 = arith.constant 592 : index
      %get3A_1357 = tpu.vector_load %arg4[%get3A_1355, %get3A_1356] {strides = array<i32>} : memref<8x1000xf32, #tpu.memory_space<vmem>>, vector<1x16xf32>,
      %get3A_1358 = vector.shape_cast %get3A_1357 : vector<1x16xf32> to vector<16xf32>
      %add3A_1359 = arith.addf %add3A_1353, %get3A_1358 : vector<16xf32>
      %get3A_1360 = arith.constant 3 : i32
      %get3A_1361 = arith.index_cast %get3A_1360 : i32 to index
      %get3A_1362 = arith.constant 608 : index
      %get3A_1363 = tpu.vector_load %arg4[%get3A_1361, %get3A_1362] {strides = array<i32>} : memref<8x1000xf32, #tpu.memory_space<vmem>>, vector<1x16xf32>,
      %get3A_1364 = vector.shape_cast %get3A_1363 : vector<1x16xf32> to vector<16xf32>
      %add3A_1365 = arith.addf %add3A_1359, %get3A_1364 : vector<16xf32>
      %get3A_1366 = arith.constant 3 : i32
      %get3A_1367 = arith.index_cast %get3A_1366 : i32 to index
      %get3A_1368 = arith.constant 624 : index
      %get3A_1369 = tpu.vector_load %arg4[%get3A_1367, %get3A_1368] {strides = array<i32>} : memref<8x1000xf32, #tpu.memory_space<vmem>>, vector<1x16xf32>,
      %get3A_1370 = vector.shape_cast %get3A_1369 : vector<1x16xf32> to vector<16xf32>
      %add3A_1371 = arith.addf %add3A_1365, %get3A_1370 : vector<16xf32>
      %get3A_1372 = arith.constant 3 : i32
      %get3A_1373 = arith.index_cast %get3A_1372 : i32 to index
      %get3A_1374 = arith.constant 640 : index
      %get3A_1375 = tpu.vector_load %arg4[%get3A_1373, %get3A_1374] {strides = array<i32>} : memref<8x1000xf32, #tpu.memory_space<vmem>>, vector<1x16xf32>,
      %get3A_1376 = vector.shape_cast %get3A_1375 : vector<1x16xf32> to vector<16xf32>
      %add3A_1377 = arith.addf %add3A_1371, %get3A_1376 : vector<16xf32>
      %get3A_1378 = arith.constant 3 : i32
      %get3A_1379 = arith.index_cast %get3A_1378 : i32 to index
      %get3A_1380 = arith.constant 656 : index
      %get3A_1381 = tpu.vector_load %arg4[%get3A_1379, %get3A_1380] {strides = array<i32>} : memref<8x1000xf32, #tpu.memory_space<vmem>>, vector<1x16xf32>,
      %get3A_1382 = vector.shape_cast %get3A_1381 : vector<1x16xf32> to vector<16xf32>
      %add3A_1383 = arith.addf %add3A_1377, %get3A_1382 : vector<16xf32>
      %get3A_1384 = arith.constant 3 : i32
      %get3A_1385 = arith.index_cast %get3A_1384 : i32 to index
      %get3A_1386 = arith.constant 672 : index
      %get3A_1387 = tpu.vector_load %arg4[%get3A_1385, %get3A_1386] {strides = array<i32>} : memref<8x1000xf32, #tpu.memory_space<vmem>>, vector<1x16xf32>,
      %get3A_1388 = vector.shape_cast %get3A_1387 : vector<1x16xf32> to vector<16xf32>
      %add3A_1389 = arith.addf %add3A_1383, %get3A_1388 : vector<16xf32>
      %get3A_1390 = arith.constant 3 : i32
      %get3A_1391 = arith.index_cast %get3A_1390 : i32 to index
      %get3A_1392 = arith.constant 688 : index
      %get3A_1393 = tpu.vector_load %arg4[%get3A_1391, %get3A_1392] {strides = array<i32>} : memref<8x1000xf32, #tpu.memory_space<vmem>>, vector<1x16xf32>,
      %get3A_1394 = vector.shape_cast %get3A_1393 : vector<1x16xf32> to vector<16xf32>
      %add3A_1395 = arith.addf %add3A_1389, %get3A_1394 : vector<16xf32>
      %get3A_1396 = arith.constant 3 : i32
      %get3A_1397 = arith.index_cast %get3A_1396 : i32 to index
      %get3A_1398 = arith.constant 704 : index
      %get3A_1399 = tpu.vector_load %arg4[%get3A_1397, %get3A_1398] {strides = array<i32>} : memref<8x1000xf32, #tpu.memory_space<vmem>>, vector<1x16xf32>,
      %get3A_1400 = vector.shape_cast %get3A_1399 : vector<1x16xf32> to vector<16xf32>
      %add3A_1401 = arith.addf %add3A_1395, %get3A_1400 : vector<16xf32>
      %get3A_1402 = arith.constant 3 : i32
      %get3A_1403 = arith.index_cast %get3A_1402 : i32 to index
      %get3A_1404 = arith.constant 720 : index
      %get3A_1405 = tpu.vector_load %arg4[%get3A_1403, %get3A_1404] {strides = array<i32>} : memref<8x1000xf32, #tpu.memory_space<vmem>>, vector<1x16xf32>,
      %get3A_1406 = vector.shape_cast %get3A_1405 : vector<1x16xf32> to vector<16xf32>
      %add3A_1407 = arith.addf %add3A_1401, %get3A_1406 : vector<16xf32>
      %get3A_1408 = arith.constant 3 : i32
      %get3A_1409 = arith.index_cast %get3A_1408 : i32 to index
      %get3A_1410 = arith.constant 736 : index
      %get3A_1411 = tpu.vector_load %arg4[%get3A_1409, %get3A_1410] {strides = array<i32>} : memref<8x1000xf32, #tpu.memory_space<vmem>>, vector<1x16xf32>,
      %get3A_1412 = vector.shape_cast %get3A_1411 : vector<1x16xf32> to vector<16xf32>
      %add3A_1413 = arith.addf %add3A_1407, %get3A_1412 : vector<16xf32>
      %get3A_1414 = arith.constant 3 : i32
      %get3A_1415 = arith.index_cast %get3A_1414 : i32 to index
      %get3A_1416 = arith.constant 752 : index
      %get3A_1417 = tpu.vector_load %arg4[%get3A_1415, %get3A_1416] {strides = array<i32>} : memref<8x1000xf32, #tpu.memory_space<vmem>>, vector<1x16xf32>,
      %get3A_1418 = vector.shape_cast %get3A_1417 : vector<1x16xf32> to vector<16xf32>
      %add3A_1419 = arith.addf %add3A_1413, %get3A_1418 : vector<16xf32>
      %get3A_1420 = arith.constant 3 : i32
      %get3A_1421 = arith.index_cast %get3A_1420 : i32 to index
      %get3A_1422 = arith.constant 768 : index
      %get3A_1423 = tpu.vector_load %arg4[%get3A_1421, %get3A_1422] {strides = array<i32>} : memref<8x1000xf32, #tpu.memory_space<vmem>>, vector<1x16xf32>,
      %get3A_1424 = vector.shape_cast %get3A_1423 : vector<1x16xf32> to vector<16xf32>
      %add3A_1425 = arith.addf %add3A_1419, %get3A_1424 : vector<16xf32>
      %get3A_1426 = arith.constant 3 : i32
      %get3A_1427 = arith.index_cast %get3A_1426 : i32 to index
      %get3A_1428 = arith.constant 784 : index
      %get3A_1429 = tpu.vector_load %arg4[%get3A_1427, %get3A_1428] {strides = array<i32>} : memref<8x1000xf32, #tpu.memory_space<vmem>>, vector<1x16xf32>,
      %get3A_1430 = vector.shape_cast %get3A_1429 : vector<1x16xf32> to vector<16xf32>
      %add3A_1431 = arith.addf %add3A_1425, %get3A_1430 : vector<16xf32>
      %get3A_1432 = arith.constant 3 : i32
      %get3A_1433 = arith.index_cast %get3A_1432 : i32 to index
      %get3A_1434 = arith.constant 800 : index
      %get3A_1435 = tpu.vector_load %arg4[%get3A_1433, %get3A_1434] {strides = array<i32>} : memref<8x1000xf32, #tpu.memory_space<vmem>>, vector<1x16xf32>,
      %get3A_1436 = vector.shape_cast %get3A_1435 : vector<1x16xf32> to vector<16xf32>
      %add3A_1437 = arith.addf %add3A_1431, %get3A_1436 : vector<16xf32>
      %get3A_1438 = arith.constant 3 : i32
      %get3A_1439 = arith.index_cast %get3A_1438 : i32 to index
      %get3A_1440 = arith.constant 816 : index
      %get3A_1441 = tpu.vector_load %arg4[%get3A_1439, %get3A_1440] {strides = array<i32>} : memref<8x1000xf32, #tpu.memory_space<vmem>>, vector<1x16xf32>,
      %get3A_1442 = vector.shape_cast %get3A_1441 : vector<1x16xf32> to vector<16xf32>
      %add3A_1443 = arith.addf %add3A_1437, %get3A_1442 : vector<16xf32>
      %get3A_1444 = arith.constant 3 : i32
      %get3A_1445 = arith.index_cast %get3A_1444 : i32 to index
      %get3A_1446 = arith.constant 832 : index
      %get3A_1447 = tpu.vector_load %arg4[%get3A_1445, %get3A_1446] {strides = array<i32>} : memref<8x1000xf32, #tpu.memory_space<vmem>>, vector<1x16xf32>,
      %get3A_1448 = vector.shape_cast %get3A_1447 : vector<1x16xf32> to vector<16xf32>
      %add3A_1449 = arith.addf %add3A_1443, %get3A_1448 : vector<16xf32>
      %get3A_1450 = arith.constant 3 : i32
      %get3A_1451 = arith.index_cast %get3A_1450 : i32 to index
      %get3A_1452 = arith.constant 848 : index
      %get3A_1453 = tpu.vector_load %arg4[%get3A_1451, %get3A_1452] {strides = array<i32>} : memref<8x1000xf32, #tpu.memory_space<vmem>>, vector<1x16xf32>,
      %get3A_1454 = vector.shape_cast %get3A_1453 : vector<1x16xf32> to vector<16xf32>
      %add3A_1455 = arith.addf %add3A_1449, %get3A_1454 : vector<16xf32>
      %get3A_1456 = arith.constant 3 : i32
      %get3A_1457 = arith.index_cast %get3A_1456 : i32 to index
      %get3A_1458 = arith.constant 864 : index
      %get3A_1459 = tpu.vector_load %arg4[%get3A_1457, %get3A_1458] {strides = array<i32>} : memref<8x1000xf32, #tpu.memory_space<vmem>>, vector<1x16xf32>,
      %get3A_1460 = vector.shape_cast %get3A_1459 : vector<1x16xf32> to vector<16xf32>
      %add3A_1461 = arith.addf %add3A_1455, %get3A_1460 : vector<16xf32>
      %get3A_1462 = arith.constant 3 : i32
      %get3A_1463 = arith.index_cast %get3A_1462 : i32 to index
      %get3A_1464 = arith.constant 880 : index
      %get3A_1465 = tpu.vector_load %arg4[%get3A_1463, %get3A_1464] {strides = array<i32>} : memref<8x1000xf32, #tpu.memory_space<vmem>>, vector<1x16xf32>,
      %get3A_1466 = vector.shape_cast %get3A_1465 : vector<1x16xf32> to vector<16xf32>
      %add3A_1467 = arith.addf %add3A_1461, %get3A_1466 : vector<16xf32>
      %get3A_1468 = arith.constant 3 : i32
      %get3A_1469 = arith.index_cast %get3A_1468 : i32 to index
      %get3A_1470 = arith.constant 896 : index
      %get3A_1471 = tpu.vector_load %arg4[%get3A_1469, %get3A_1470] {strides = array<i32>} : memref<8x1000xf32, #tpu.memory_space<vmem>>, vector<1x16xf32>,
      %get3A_1472 = vector.shape_cast %get3A_1471 : vector<1x16xf32> to vector<16xf32>
      %add3A_1473 = arith.addf %add3A_1467, %get3A_1472 : vector<16xf32>
      %get3A_1474 = arith.constant 3 : i32
      %get3A_1475 = arith.index_cast %get3A_1474 : i32 to index
      %get3A_1476 = arith.constant 912 : index
      %get3A_1477 = tpu.vector_load %arg4[%get3A_1475, %get3A_1476] {strides = array<i32>} : memref<8x1000xf32, #tpu.memory_space<vmem>>, vector<1x16xf32>,
      %get3A_1478 = vector.shape_cast %get3A_1477 : vector<1x16xf32> to vector<16xf32>
      %add3A_1479 = arith.addf %add3A_1473, %get3A_1478 : vector<16xf32>
      %get3A_1480 = arith.constant 3 : i32
      %get3A_1481 = arith.index_cast %get3A_1480 : i32 to index
      %get3A_1482 = arith.constant 928 : index
      %get3A_1483 = tpu.vector_load %arg4[%get3A_1481, %get3A_1482] {strides = array<i32>} : memref<8x1000xf32, #tpu.memory_space<vmem>>, vector<1x16xf32>,
      %get3A_1484 = vector.shape_cast %get3A_1483 : vector<1x16xf32> to vector<16xf32>
      %add3A_1485 = arith.addf %add3A_1479, %get3A_1484 : vector<16xf32>
      %get3A_1486 = arith.constant 3 : i32
      %get3A_1487 = arith.index_cast %get3A_1486 : i32 to index
      %get3A_1488 = arith.constant 944 : index
      %get3A_1489 = tpu.vector_load %arg4[%get3A_1487, %get3A_1488] {strides = array<i32>} : memref<8x1000xf32, #tpu.memory_space<vmem>>, vector<1x16xf32>,
      %get3A_1490 = vector.shape_cast %get3A_1489 : vector<1x16xf32> to vector<16xf32>
      %add3A_1491 = arith.addf %add3A_1485, %get3A_1490 : vector<16xf32>
      %get3A_1492 = arith.constant 3 : i32
      %get3A_1493 = arith.index_cast %get3A_1492 : i32 to index
      %get3A_1494 = arith.constant 960 : index
      %get3A_1495 = tpu.vector_load %arg4[%get3A_1493, %get3A_1494] {strides = array<i32>} : memref<8x1000xf32, #tpu.memory_space<vmem>>, vector<1x16xf32>,
      %get3A_1496 = vector.shape_cast %get3A_1495 : vector<1x16xf32> to vector<16xf32>
      %add3A_1497 = arith.addf %add3A_1491, %get3A_1496 : vector<16xf32>
      %get3A_1498 = arith.constant 3 : i32
      %get3A_1499 = arith.index_cast %get3A_1498 : i32 to index
      %get3A_1500 = arith.constant 976 : index
      %get3A_1501 = tpu.vector_load %arg4[%get3A_1499, %get3A_1500] {strides = array<i32>} : memref<8x1000xf32, #tpu.memory_space<vmem>>, vector<1x16xf32>,
      %get3A_1502 = vector.shape_cast %get3A_1501 : vector<1x16xf32> to vector<16xf32>
      %add3A_1503 = arith.addf %add3A_1497, %get3A_1502 : vector<16xf32>
      %get3A_1504 = arith.constant 4 : i32
      %get3A_1505 = arith.index_cast %get3A_1504 : i32 to index
      %get3A_1506 = arith.constant 0 : index
      %get3A_1507 = tpu.vector_load %arg4[%get3A_1505, %get3A_1506] {strides = array<i32>} : memref<8x1000xf32, #tpu.memory_space<vmem>>, vector<1x16xf32>,
      %get3A_1508 = vector.shape_cast %get3A_1507 : vector<1x16xf32> to vector<16xf32>
      %add3A_1509 = arith.addf %add3A_1503, %get3A_1508 : vector<16xf32>
      %get3A_1510 = arith.constant 4 : i32
      %get3A_1511 = arith.index_cast %get3A_1510 : i32 to index
      %get3A_1512 = arith.constant 16 : index
      %get3A_1513 = tpu.vector_load %arg4[%get3A_1511, %get3A_1512] {strides = array<i32>} : memref<8x1000xf32, #tpu.memory_space<vmem>>, vector<1x16xf32>,
      %get3A_1514 = vector.shape_cast %get3A_1513 : vector<1x16xf32> to vector<16xf32>
      %add3A_1515 = arith.addf %add3A_1509, %get3A_1514 : vector<16xf32>
      %get3A_1516 = arith.constant 4 : i32
      %get3A_1517 = arith.index_cast %get3A_1516 : i32 to index
      %get3A_1518 = arith.constant 32 : index
      %get3A_1519 = tpu.vector_load %arg4[%get3A_1517, %get3A_1518] {strides = array<i32>} : memref<8x1000xf32, #tpu.memory_space<vmem>>, vector<1x16xf32>,
      %get3A_1520 = vector.shape_cast %get3A_1519 : vector<1x16xf32> to vector<16xf32>
      %add3A_1521 = arith.addf %add3A_1515, %get3A_1520 : vector<16xf32>
      %get3A_1522 = arith.constant 4 : i32
      %get3A_1523 = arith.index_cast %get3A_1522 : i32 to index
      %get3A_1524 = arith.constant 48 : index
      %get3A_1525 = tpu.vector_load %arg4[%get3A_1523, %get3A_1524] {strides = array<i32>} : memref<8x1000xf32, #tpu.memory_space<vmem>>, vector<1x16xf32>,
      %get3A_1526 = vector.shape_cast %get3A_1525 : vector<1x16xf32> to vector<16xf32>
      %add3A_1527 = arith.addf %add3A_1521, %get3A_1526 : vector<16xf32>
      %get3A_1528 = arith.constant 4 : i32
      %get3A_1529 = arith.index_cast %get3A_1528 : i32 to index
      %get3A_1530 = arith.constant 64 : index
      %get3A_1531 = tpu.vector_load %arg4[%get3A_1529, %get3A_1530] {strides = array<i32>} : memref<8x1000xf32, #tpu.memory_space<vmem>>, vector<1x16xf32>,
      %get3A_1532 = vector.shape_cast %get3A_1531 : vector<1x16xf32> to vector<16xf32>
      %add3A_1533 = arith.addf %add3A_1527, %get3A_1532 : vector<16xf32>
      %get3A_1534 = arith.constant 4 : i32
      %get3A_1535 = arith.index_cast %get3A_1534 : i32 to index
      %get3A_1536 = arith.constant 80 : index
      %get3A_1537 = tpu.vector_load %arg4[%get3A_1535, %get3A_1536] {strides = array<i32>} : memref<8x1000xf32, #tpu.memory_space<vmem>>, vector<1x16xf32>,
      %get3A_1538 = vector.shape_cast %get3A_1537 : vector<1x16xf32> to vector<16xf32>
      %add3A_1539 = arith.addf %add3A_1533, %get3A_1538 : vector<16xf32>
      %get3A_1540 = arith.constant 4 : i32
      %get3A_1541 = arith.index_cast %get3A_1540 : i32 to index
      %get3A_1542 = arith.constant 96 : index
      %get3A_1543 = tpu.vector_load %arg4[%get3A_1541, %get3A_1542] {strides = array<i32>} : memref<8x1000xf32, #tpu.memory_space<vmem>>, vector<1x16xf32>,
      %get3A_1544 = vector.shape_cast %get3A_1543 : vector<1x16xf32> to vector<16xf32>
      %add3A_1545 = arith.addf %add3A_1539, %get3A_1544 : vector<16xf32>
      %get3A_1546 = arith.constant 4 : i32
      %get3A_1547 = arith.index_cast %get3A_1546 : i32 to index
      %get3A_1548 = arith.constant 112 : index
      %get3A_1549 = tpu.vector_load %arg4[%get3A_1547, %get3A_1548] {strides = array<i32>} : memref<8x1000xf32, #tpu.memory_space<vmem>>, vector<1x16xf32>,
      %get3A_1550 = vector.shape_cast %get3A_1549 : vector<1x16xf32> to vector<16xf32>
      %add3A_1551 = arith.addf %add3A_1545, %get3A_1550 : vector<16xf32>
      %get3A_1552 = arith.constant 4 : i32
      %get3A_1553 = arith.index_cast %get3A_1552 : i32 to index
      %get3A_1554 = arith.constant 128 : index
      %get3A_1555 = tpu.vector_load %arg4[%get3A_1553, %get3A_1554] {strides = array<i32>} : memref<8x1000xf32, #tpu.memory_space<vmem>>, vector<1x16xf32>,
      %get3A_1556 = vector.shape_cast %get3A_1555 : vector<1x16xf32> to vector<16xf32>
      %add3A_1557 = arith.addf %add3A_1551, %get3A_1556 : vector<16xf32>
      %get3A_1558 = arith.constant 4 : i32
      %get3A_1559 = arith.index_cast %get3A_1558 : i32 to index
      %get3A_1560 = arith.constant 144 : index
      %get3A_1561 = tpu.vector_load %arg4[%get3A_1559, %get3A_1560] {strides = array<i32>} : memref<8x1000xf32, #tpu.memory_space<vmem>>, vector<1x16xf32>,
      %get3A_1562 = vector.shape_cast %get3A_1561 : vector<1x16xf32> to vector<16xf32>
      %add3A_1563 = arith.addf %add3A_1557, %get3A_1562 : vector<16xf32>
      %get3A_1564 = arith.constant 4 : i32
      %get3A_1565 = arith.index_cast %get3A_1564 : i32 to index
      %get3A_1566 = arith.constant 160 : index
      %get3A_1567 = tpu.vector_load %arg4[%get3A_1565, %get3A_1566] {strides = array<i32>} : memref<8x1000xf32, #tpu.memory_space<vmem>>, vector<1x16xf32>,
      %get3A_1568 = vector.shape_cast %get3A_1567 : vector<1x16xf32> to vector<16xf32>
      %add3A_1569 = arith.addf %add3A_1563, %get3A_1568 : vector<16xf32>
      %get3A_1570 = arith.constant 4 : i32
      %get3A_1571 = arith.index_cast %get3A_1570 : i32 to index
      %get3A_1572 = arith.constant 176 : index
      %get3A_1573 = tpu.vector_load %arg4[%get3A_1571, %get3A_1572] {strides = array<i32>} : memref<8x1000xf32, #tpu.memory_space<vmem>>, vector<1x16xf32>,
      %get3A_1574 = vector.shape_cast %get3A_1573 : vector<1x16xf32> to vector<16xf32>
      %add3A_1575 = arith.addf %add3A_1569, %get3A_1574 : vector<16xf32>
      %get3A_1576 = arith.constant 4 : i32
      %get3A_1577 = arith.index_cast %get3A_1576 : i32 to index
      %get3A_1578 = arith.constant 192 : index
      %get3A_1579 = tpu.vector_load %arg4[%get3A_1577, %get3A_1578] {strides = array<i32>} : memref<8x1000xf32, #tpu.memory_space<vmem>>, vector<1x16xf32>,
      %get3A_1580 = vector.shape_cast %get3A_1579 : vector<1x16xf32> to vector<16xf32>
      %add3A_1581 = arith.addf %add3A_1575, %get3A_1580 : vector<16xf32>
      %get3A_1582 = arith.constant 4 : i32
      %get3A_1583 = arith.index_cast %get3A_1582 : i32 to index
      %get3A_1584 = arith.constant 208 : index
      %get3A_1585 = tpu.vector_load %arg4[%get3A_1583, %get3A_1584] {strides = array<i32>} : memref<8x1000xf32, #tpu.memory_space<vmem>>, vector<1x16xf32>,
      %get3A_1586 = vector.shape_cast %get3A_1585 : vector<1x16xf32> to vector<16xf32>
      %add3A_1587 = arith.addf %add3A_1581, %get3A_1586 : vector<16xf32>
      %get3A_1588 = arith.constant 4 : i32
      %get3A_1589 = arith.index_cast %get3A_1588 : i32 to index
      %get3A_1590 = arith.constant 224 : index
      %get3A_1591 = tpu.vector_load %arg4[%get3A_1589, %get3A_1590] {strides = array<i32>} : memref<8x1000xf32, #tpu.memory_space<vmem>>, vector<1x16xf32>,
      %get3A_1592 = vector.shape_cast %get3A_1591 : vector<1x16xf32> to vector<16xf32>
      %add3A_1593 = arith.addf %add3A_1587, %get3A_1592 : vector<16xf32>
      %get3A_1594 = arith.constant 4 : i32
      %get3A_1595 = arith.index_cast %get3A_1594 : i32 to index
      %get3A_1596 = arith.constant 240 : index
      %get3A_1597 = tpu.vector_load %arg4[%get3A_1595, %get3A_1596] {strides = array<i32>} : memref<8x1000xf32, #tpu.memory_space<vmem>>, vector<1x16xf32>,
      %get3A_1598 = vector.shape_cast %get3A_1597 : vector<1x16xf32> to vector<16xf32>
      %add3A_1599 = arith.addf %add3A_1593, %get3A_1598 : vector<16xf32>
      %get3A_1600 = arith.constant 4 : i32
      %get3A_1601 = arith.index_cast %get3A_1600 : i32 to index
      %get3A_1602 = arith.constant 256 : index
      %get3A_1603 = tpu.vector_load %arg4[%get3A_1601, %get3A_1602] {strides = array<i32>} : memref<8x1000xf32, #tpu.memory_space<vmem>>, vector<1x16xf32>,
      %get3A_1604 = vector.shape_cast %get3A_1603 : vector<1x16xf32> to vector<16xf32>
      %add3A_1605 = arith.addf %add3A_1599, %get3A_1604 : vector<16xf32>
      %get3A_1606 = arith.constant 4 : i32
      %get3A_1607 = arith.index_cast %get3A_1606 : i32 to index
      %get3A_1608 = arith.constant 272 : index
      %get3A_1609 = tpu.vector_load %arg4[%get3A_1607, %get3A_1608] {strides = array<i32>} : memref<8x1000xf32, #tpu.memory_space<vmem>>, vector<1x16xf32>,
      %get3A_1610 = vector.shape_cast %get3A_1609 : vector<1x16xf32> to vector<16xf32>
      %add3A_1611 = arith.addf %add3A_1605, %get3A_1610 : vector<16xf32>
      %get3A_1612 = arith.constant 4 : i32
      %get3A_1613 = arith.index_cast %get3A_1612 : i32 to index
      %get3A_1614 = arith.constant 288 : index
      %get3A_1615 = tpu.vector_load %arg4[%get3A_1613, %get3A_1614] {strides = array<i32>} : memref<8x1000xf32, #tpu.memory_space<vmem>>, vector<1x16xf32>,
      %get3A_1616 = vector.shape_cast %get3A_1615 : vector<1x16xf32> to vector<16xf32>
      %add3A_1617 = arith.addf %add3A_1611, %get3A_1616 : vector<16xf32>
      %get3A_1618 = arith.constant 4 : i32
      %get3A_1619 = arith.index_cast %get3A_1618 : i32 to index
      %get3A_1620 = arith.constant 304 : index
      %get3A_1621 = tpu.vector_load %arg4[%get3A_1619, %get3A_1620] {strides = array<i32>} : memref<8x1000xf32, #tpu.memory_space<vmem>>, vector<1x16xf32>,
      %get3A_1622 = vector.shape_cast %get3A_1621 : vector<1x16xf32> to vector<16xf32>
      %add3A_1623 = arith.addf %add3A_1617, %get3A_1622 : vector<16xf32>
      %get3A_1624 = arith.constant 4 : i32
      %get3A_1625 = arith.index_cast %get3A_1624 : i32 to index
      %get3A_1626 = arith.constant 320 : index
      %get3A_1627 = tpu.vector_load %arg4[%get3A_1625, %get3A_1626] {strides = array<i32>} : memref<8x1000xf32, #tpu.memory_space<vmem>>, vector<1x16xf32>,
      %get3A_1628 = vector.shape_cast %get3A_1627 : vector<1x16xf32> to vector<16xf32>
      %add3A_1629 = arith.addf %add3A_1623, %get3A_1628 : vector<16xf32>
      %get3A_1630 = arith.constant 4 : i32
      %get3A_1631 = arith.index_cast %get3A_1630 : i32 to index
      %get3A_1632 = arith.constant 336 : index
      %get3A_1633 = tpu.vector_load %arg4[%get3A_1631, %get3A_1632] {strides = array<i32>} : memref<8x1000xf32, #tpu.memory_space<vmem>>, vector<1x16xf32>,
      %get3A_1634 = vector.shape_cast %get3A_1633 : vector<1x16xf32> to vector<16xf32>
      %add3A_1635 = arith.addf %add3A_1629, %get3A_1634 : vector<16xf32>
      %get3A_1636 = arith.constant 4 : i32
      %get3A_1637 = arith.index_cast %get3A_1636 : i32 to index
      %get3A_1638 = arith.constant 352 : index
      %get3A_1639 = tpu.vector_load %arg4[%get3A_1637, %get3A_1638] {strides = array<i32>} : memref<8x1000xf32, #tpu.memory_space<vmem>>, vector<1x16xf32>,
      %get3A_1640 = vector.shape_cast %get3A_1639 : vector<1x16xf32> to vector<16xf32>
      %add3A_1641 = arith.addf %add3A_1635, %get3A_1640 : vector<16xf32>
      %get3A_1642 = arith.constant 4 : i32
      %get3A_1643 = arith.index_cast %get3A_1642 : i32 to index
      %get3A_1644 = arith.constant 368 : index
      %get3A_1645 = tpu.vector_load %arg4[%get3A_1643, %get3A_1644] {strides = array<i32>} : memref<8x1000xf32, #tpu.memory_space<vmem>>, vector<1x16xf32>,
      %get3A_1646 = vector.shape_cast %get3A_1645 : vector<1x16xf32> to vector<16xf32>
      %add3A_1647 = arith.addf %add3A_1641, %get3A_1646 : vector<16xf32>
      %get3A_1648 = arith.constant 4 : i32
      %get3A_1649 = arith.index_cast %get3A_1648 : i32 to index
      %get3A_1650 = arith.constant 384 : index
      %get3A_1651 = tpu.vector_load %arg4[%get3A_1649, %get3A_1650] {strides = array<i32>} : memref<8x1000xf32, #tpu.memory_space<vmem>>, vector<1x16xf32>,
      %get3A_1652 = vector.shape_cast %get3A_1651 : vector<1x16xf32> to vector<16xf32>
      %add3A_1653 = arith.addf %add3A_1647, %get3A_1652 : vector<16xf32>
      %get3A_1654 = arith.constant 4 : i32
      %get3A_1655 = arith.index_cast %get3A_1654 : i32 to index
      %get3A_1656 = arith.constant 400 : index
      %get3A_1657 = tpu.vector_load %arg4[%get3A_1655, %get3A_1656] {strides = array<i32>} : memref<8x1000xf32, #tpu.memory_space<vmem>>, vector<1x16xf32>,
      %get3A_1658 = vector.shape_cast %get3A_1657 : vector<1x16xf32> to vector<16xf32>
      %add3A_1659 = arith.addf %add3A_1653, %get3A_1658 : vector<16xf32>
      %get3A_1660 = arith.constant 4 : i32
      %get3A_1661 = arith.index_cast %get3A_1660 : i32 to index
      %get3A_1662 = arith.constant 416 : index
      %get3A_1663 = tpu.vector_load %arg4[%get3A_1661, %get3A_1662] {strides = array<i32>} : memref<8x1000xf32, #tpu.memory_space<vmem>>, vector<1x16xf32>,
      %get3A_1664 = vector.shape_cast %get3A_1663 : vector<1x16xf32> to vector<16xf32>
      %add3A_1665 = arith.addf %add3A_1659, %get3A_1664 : vector<16xf32>
      %get3A_1666 = arith.constant 4 : i32
      %get3A_1667 = arith.index_cast %get3A_1666 : i32 to index
      %get3A_1668 = arith.constant 432 : index
      %get3A_1669 = tpu.vector_load %arg4[%get3A_1667, %get3A_1668] {strides = array<i32>} : memref<8x1000xf32, #tpu.memory_space<vmem>>, vector<1x16xf32>,
      %get3A_1670 = vector.shape_cast %get3A_1669 : vector<1x16xf32> to vector<16xf32>
      %add3A_1671 = arith.addf %add3A_1665, %get3A_1670 : vector<16xf32>
      %get3A_1672 = arith.constant 4 : i32
      %get3A_1673 = arith.index_cast %get3A_1672 : i32 to index
      %get3A_1674 = arith.constant 448 : index
      %get3A_1675 = tpu.vector_load %arg4[%get3A_1673, %get3A_1674] {strides = array<i32>} : memref<8x1000xf32, #tpu.memory_space<vmem>>, vector<1x16xf32>,
      %get3A_1676 = vector.shape_cast %get3A_1675 : vector<1x16xf32> to vector<16xf32>
      %add3A_1677 = arith.addf %add3A_1671, %get3A_1676 : vector<16xf32>
      %get3A_1678 = arith.constant 4 : i32
      %get3A_1679 = arith.index_cast %get3A_1678 : i32 to index
      %get3A_1680 = arith.constant 464 : index
      %get3A_1681 = tpu.vector_load %arg4[%get3A_1679, %get3A_1680] {strides = array<i32>} : memref<8x1000xf32, #tpu.memory_space<vmem>>, vector<1x16xf32>,
      %get3A_1682 = vector.shape_cast %get3A_1681 : vector<1x16xf32> to vector<16xf32>
      %add3A_1683 = arith.addf %add3A_1677, %get3A_1682 : vector<16xf32>
      %get3A_1684 = arith.constant 4 : i32
      %get3A_1685 = arith.index_cast %get3A_1684 : i32 to index
      %get3A_1686 = arith.constant 480 : index
      %get3A_1687 = tpu.vector_load %arg4[%get3A_1685, %get3A_1686] {strides = array<i32>} : memref<8x1000xf32, #tpu.memory_space<vmem>>, vector<1x16xf32>,
      %get3A_1688 = vector.shape_cast %get3A_1687 : vector<1x16xf32> to vector<16xf32>
      %add3A_1689 = arith.addf %add3A_1683, %get3A_1688 : vector<16xf32>
      %get3A_1690 = arith.constant 4 : i32
      %get3A_1691 = arith.index_cast %get3A_1690 : i32 to index
      %get3A_1692 = arith.constant 496 : index
      %get3A_1693 = tpu.vector_load %arg4[%get3A_1691, %get3A_1692] {strides = array<i32>} : memref<8x1000xf32, #tpu.memory_space<vmem>>, vector<1x16xf32>,
      %get3A_1694 = vector.shape_cast %get3A_1693 : vector<1x16xf32> to vector<16xf32>
      %add3A_1695 = arith.addf %add3A_1689, %get3A_1694 : vector<16xf32>
      %get3A_1696 = arith.constant 4 : i32
      %get3A_1697 = arith.index_cast %get3A_1696 : i32 to index
      %get3A_1698 = arith.constant 512 : index
      %get3A_1699 = tpu.vector_load %arg4[%get3A_1697, %get3A_1698] {strides = array<i32>} : memref<8x1000xf32, #tpu.memory_space<vmem>>, vector<1x16xf32>,
      %get3A_1700 = vector.shape_cast %get3A_1699 : vector<1x16xf32> to vector<16xf32>
      %add3A_1701 = arith.addf %add3A_1695, %get3A_1700 : vector<16xf32>
      %get3A_1702 = arith.constant 4 : i32
      %get3A_1703 = arith.index_cast %get3A_1702 : i32 to index
      %get3A_1704 = arith.constant 528 : index
      %get3A_1705 = tpu.vector_load %arg4[%get3A_1703, %get3A_1704] {strides = array<i32>} : memref<8x1000xf32, #tpu.memory_space<vmem>>, vector<1x16xf32>,
      %get3A_1706 = vector.shape_cast %get3A_1705 : vector<1x16xf32> to vector<16xf32>
      %add3A_1707 = arith.addf %add3A_1701, %get3A_1706 : vector<16xf32>
      %get3A_1708 = arith.constant 4 : i32
      %get3A_1709 = arith.index_cast %get3A_1708 : i32 to index
      %get3A_1710 = arith.constant 544 : index
      %get3A_1711 = tpu.vector_load %arg4[%get3A_1709, %get3A_1710] {strides = array<i32>} : memref<8x1000xf32, #tpu.memory_space<vmem>>, vector<1x16xf32>,
      %get3A_1712 = vector.shape_cast %get3A_1711 : vector<1x16xf32> to vector<16xf32>
      %add3A_1713 = arith.addf %add3A_1707, %get3A_1712 : vector<16xf32>
      %get3A_1714 = arith.constant 4 : i32
      %get3A_1715 = arith.index_cast %get3A_1714 : i32 to index
      %get3A_1716 = arith.constant 560 : index
      %get3A_1717 = tpu.vector_load %arg4[%get3A_1715, %get3A_1716] {strides = array<i32>} : memref<8x1000xf32, #tpu.memory_space<vmem>>, vector<1x16xf32>,
      %get3A_1718 = vector.shape_cast %get3A_1717 : vector<1x16xf32> to vector<16xf32>
      %add3A_1719 = arith.addf %add3A_1713, %get3A_1718 : vector<16xf32>
      %get3A_1720 = arith.constant 4 : i32
      %get3A_1721 = arith.index_cast %get3A_1720 : i32 to index
      %get3A_1722 = arith.constant 576 : index
      %get3A_1723 = tpu.vector_load %arg4[%get3A_1721, %get3A_1722] {strides = array<i32>} : memref<8x1000xf32, #tpu.memory_space<vmem>>, vector<1x16xf32>,
      %get3A_1724 = vector.shape_cast %get3A_1723 : vector<1x16xf32> to vector<16xf32>
      %add3A_1725 = arith.addf %add3A_1719, %get3A_1724 : vector<16xf32>
      %get3A_1726 = arith.constant 4 : i32
      %get3A_1727 = arith.index_cast %get3A_1726 : i32 to index
      %get3A_1728 = arith.constant 592 : index
      %get3A_1729 = tpu.vector_load %arg4[%get3A_1727, %get3A_1728] {strides = array<i32>} : memref<8x1000xf32, #tpu.memory_space<vmem>>, vector<1x16xf32>,
      %get3A_1730 = vector.shape_cast %get3A_1729 : vector<1x16xf32> to vector<16xf32>
      %add3A_1731 = arith.addf %add3A_1725, %get3A_1730 : vector<16xf32>
      %get3A_1732 = arith.constant 4 : i32
      %get3A_1733 = arith.index_cast %get3A_1732 : i32 to index
      %get3A_1734 = arith.constant 608 : index
      %get3A_1735 = tpu.vector_load %arg4[%get3A_1733, %get3A_1734] {strides = array<i32>} : memref<8x1000xf32, #tpu.memory_space<vmem>>, vector<1x16xf32>,
      %get3A_1736 = vector.shape_cast %get3A_1735 : vector<1x16xf32> to vector<16xf32>
      %add3A_1737 = arith.addf %add3A_1731, %get3A_1736 : vector<16xf32>
      %get3A_1738 = arith.constant 4 : i32
      %get3A_1739 = arith.index_cast %get3A_1738 : i32 to index
      %get3A_1740 = arith.constant 624 : index
      %get3A_1741 = tpu.vector_load %arg4[%get3A_1739, %get3A_1740] {strides = array<i32>} : memref<8x1000xf32, #tpu.memory_space<vmem>>, vector<1x16xf32>,
      %get3A_1742 = vector.shape_cast %get3A_1741 : vector<1x16xf32> to vector<16xf32>
      %add3A_1743 = arith.addf %add3A_1737, %get3A_1742 : vector<16xf32>
      %get3A_1744 = arith.constant 4 : i32
      %get3A_1745 = arith.index_cast %get3A_1744 : i32 to index
      %get3A_1746 = arith.constant 640 : index
      %get3A_1747 = tpu.vector_load %arg4[%get3A_1745, %get3A_1746] {strides = array<i32>} : memref<8x1000xf32, #tpu.memory_space<vmem>>, vector<1x16xf32>,
      %get3A_1748 = vector.shape_cast %get3A_1747 : vector<1x16xf32> to vector<16xf32>
      %add3A_1749 = arith.addf %add3A_1743, %get3A_1748 : vector<16xf32>
      %get3A_1750 = arith.constant 4 : i32
      %get3A_1751 = arith.index_cast %get3A_1750 : i32 to index
      %get3A_1752 = arith.constant 656 : index
      %get3A_1753 = tpu.vector_load %arg4[%get3A_1751, %get3A_1752] {strides = array<i32>} : memref<8x1000xf32, #tpu.memory_space<vmem>>, vector<1x16xf32>,
      %get3A_1754 = vector.shape_cast %get3A_1753 : vector<1x16xf32> to vector<16xf32>
      %add3A_1755 = arith.addf %add3A_1749, %get3A_1754 : vector<16xf32>
      %get3A_1756 = arith.constant 4 : i32
      %get3A_1757 = arith.index_cast %get3A_1756 : i32 to index
      %get3A_1758 = arith.constant 672 : index
      %get3A_1759 = tpu.vector_load %arg4[%get3A_1757, %get3A_1758] {strides = array<i32>} : memref<8x1000xf32, #tpu.memory_space<vmem>>, vector<1x16xf32>,
      %get3A_1760 = vector.shape_cast %get3A_1759 : vector<1x16xf32> to vector<16xf32>
      %add3A_1761 = arith.addf %add3A_1755, %get3A_1760 : vector<16xf32>
      %get3A_1762 = arith.constant 4 : i32
      %get3A_1763 = arith.index_cast %get3A_1762 : i32 to index
      %get3A_1764 = arith.constant 688 : index
      %get3A_1765 = tpu.vector_load %arg4[%get3A_1763, %get3A_1764] {strides = array<i32>} : memref<8x1000xf32, #tpu.memory_space<vmem>>, vector<1x16xf32>,
      %get3A_1766 = vector.shape_cast %get3A_1765 : vector<1x16xf32> to vector<16xf32>
      %add3A_1767 = arith.addf %add3A_1761, %get3A_1766 : vector<16xf32>
      %get3A_1768 = arith.constant 4 : i32
      %get3A_1769 = arith.index_cast %get3A_1768 : i32 to index
      %get3A_1770 = arith.constant 704 : index
      %get3A_1771 = tpu.vector_load %arg4[%get3A_1769, %get3A_1770] {strides = array<i32>} : memref<8x1000xf32, #tpu.memory_space<vmem>>, vector<1x16xf32>,
      %get3A_1772 = vector.shape_cast %get3A_1771 : vector<1x16xf32> to vector<16xf32>
      %add3A_1773 = arith.addf %add3A_1767, %get3A_1772 : vector<16xf32>
      %get3A_1774 = arith.constant 4 : i32
      %get3A_1775 = arith.index_cast %get3A_1774 : i32 to index
      %get3A_1776 = arith.constant 720 : index
      %get3A_1777 = tpu.vector_load %arg4[%get3A_1775, %get3A_1776] {strides = array<i32>} : memref<8x1000xf32, #tpu.memory_space<vmem>>, vector<1x16xf32>,
      %get3A_1778 = vector.shape_cast %get3A_1777 : vector<1x16xf32> to vector<16xf32>
      %add3A_1779 = arith.addf %add3A_1773, %get3A_1778 : vector<16xf32>
      %get3A_1780 = arith.constant 4 : i32
      %get3A_1781 = arith.index_cast %get3A_1780 : i32 to index
      %get3A_1782 = arith.constant 736 : index
      %get3A_1783 = tpu.vector_load %arg4[%get3A_1781, %get3A_1782] {strides = array<i32>} : memref<8x1000xf32, #tpu.memory_space<vmem>>, vector<1x16xf32>,
      %get3A_1784 = vector.shape_cast %get3A_1783 : vector<1x16xf32> to vector<16xf32>
      %add3A_1785 = arith.addf %add3A_1779, %get3A_1784 : vector<16xf32>
      %get3A_1786 = arith.constant 4 : i32
      %get3A_1787 = arith.index_cast %get3A_1786 : i32 to index
      %get3A_1788 = arith.constant 752 : index
      %get3A_1789 = tpu.vector_load %arg4[%get3A_1787, %get3A_1788] {strides = array<i32>} : memref<8x1000xf32, #tpu.memory_space<vmem>>, vector<1x16xf32>,
      %get3A_1790 = vector.shape_cast %get3A_1789 : vector<1x16xf32> to vector<16xf32>
      %add3A_1791 = arith.addf %add3A_1785, %get3A_1790 : vector<16xf32>
      %get3A_1792 = arith.constant 4 : i32
      %get3A_1793 = arith.index_cast %get3A_1792 : i32 to index
      %get3A_1794 = arith.constant 768 : index
      %get3A_1795 = tpu.vector_load %arg4[%get3A_1793, %get3A_1794] {strides = array<i32>} : memref<8x1000xf32, #tpu.memory_space<vmem>>, vector<1x16xf32>,
      %get3A_1796 = vector.shape_cast %get3A_1795 : vector<1x16xf32> to vector<16xf32>
      %add3A_1797 = arith.addf %add3A_1791, %get3A_1796 : vector<16xf32>
      %get3A_1798 = arith.constant 4 : i32
      %get3A_1799 = arith.index_cast %get3A_1798 : i32 to index
      %get3A_1800 = arith.constant 784 : index
      %get3A_1801 = tpu.vector_load %arg4[%get3A_1799, %get3A_1800] {strides = array<i32>} : memref<8x1000xf32, #tpu.memory_space<vmem>>, vector<1x16xf32>,
      %get3A_1802 = vector.shape_cast %get3A_1801 : vector<1x16xf32> to vector<16xf32>
      %add3A_1803 = arith.addf %add3A_1797, %get3A_1802 : vector<16xf32>
      %get3A_1804 = arith.constant 4 : i32
      %get3A_1805 = arith.index_cast %get3A_1804 : i32 to index
      %get3A_1806 = arith.constant 800 : index
      %get3A_1807 = tpu.vector_load %arg4[%get3A_1805, %get3A_1806] {strides = array<i32>} : memref<8x1000xf32, #tpu.memory_space<vmem>>, vector<1x16xf32>,
      %get3A_1808 = vector.shape_cast %get3A_1807 : vector<1x16xf32> to vector<16xf32>
      %add3A_1809 = arith.addf %add3A_1803, %get3A_1808 : vector<16xf32>
      %get3A_1810 = arith.constant 4 : i32
      %get3A_1811 = arith.index_cast %get3A_1810 : i32 to index
      %get3A_1812 = arith.constant 816 : index
      %get3A_1813 = tpu.vector_load %arg4[%get3A_1811, %get3A_1812] {strides = array<i32>} : memref<8x1000xf32, #tpu.memory_space<vmem>>, vector<1x16xf32>,
      %get3A_1814 = vector.shape_cast %get3A_1813 : vector<1x16xf32> to vector<16xf32>
      %add3A_1815 = arith.addf %add3A_1809, %get3A_1814 : vector<16xf32>
      %get3A_1816 = arith.constant 4 : i32
      %get3A_1817 = arith.index_cast %get3A_1816 : i32 to index
      %get3A_1818 = arith.constant 832 : index
      %get3A_1819 = tpu.vector_load %arg4[%get3A_1817, %get3A_1818] {strides = array<i32>} : memref<8x1000xf32, #tpu.memory_space<vmem>>, vector<1x16xf32>,
      %get3A_1820 = vector.shape_cast %get3A_1819 : vector<1x16xf32> to vector<16xf32>
      %add3A_1821 = arith.addf %add3A_1815, %get3A_1820 : vector<16xf32>
      %get3A_1822 = arith.constant 4 : i32
      %get3A_1823 = arith.index_cast %get3A_1822 : i32 to index
      %get3A_1824 = arith.constant 848 : index
      %get3A_1825 = tpu.vector_load %arg4[%get3A_1823, %get3A_1824] {strides = array<i32>} : memref<8x1000xf32, #tpu.memory_space<vmem>>, vector<1x16xf32>,
      %get3A_1826 = vector.shape_cast %get3A_1825 : vector<1x16xf32> to vector<16xf32>
      %add3A_1827 = arith.addf %add3A_1821, %get3A_1826 : vector<16xf32>
      %get3A_1828 = arith.constant 4 : i32
      %get3A_1829 = arith.index_cast %get3A_1828 : i32 to index
      %get3A_1830 = arith.constant 864 : index
      %get3A_1831 = tpu.vector_load %arg4[%get3A_1829, %get3A_1830] {strides = array<i32>} : memref<8x1000xf32, #tpu.memory_space<vmem>>, vector<1x16xf32>,
      %get3A_1832 = vector.shape_cast %get3A_1831 : vector<1x16xf32> to vector<16xf32>
      %add3A_1833 = arith.addf %add3A_1827, %get3A_1832 : vector<16xf32>
      %get3A_1834 = arith.constant 4 : i32
      %get3A_1835 = arith.index_cast %get3A_1834 : i32 to index
      %get3A_1836 = arith.constant 880 : index
      %get3A_1837 = tpu.vector_load %arg4[%get3A_1835, %get3A_1836] {strides = array<i32>} : memref<8x1000xf32, #tpu.memory_space<vmem>>, vector<1x16xf32>,
      %get3A_1838 = vector.shape_cast %get3A_1837 : vector<1x16xf32> to vector<16xf32>
      %add3A_1839 = arith.addf %add3A_1833, %get3A_1838 : vector<16xf32>
      %get3A_1840 = arith.constant 4 : i32
      %get3A_1841 = arith.index_cast %get3A_1840 : i32 to index
      %get3A_1842 = arith.constant 896 : index
      %get3A_1843 = tpu.vector_load %arg4[%get3A_1841, %get3A_1842] {strides = array<i32>} : memref<8x1000xf32, #tpu.memory_space<vmem>>, vector<1x16xf32>,
      %get3A_1844 = vector.shape_cast %get3A_1843 : vector<1x16xf32> to vector<16xf32>
      %add3A_1845 = arith.addf %add3A_1839, %get3A_1844 : vector<16xf32>
      %get3A_1846 = arith.constant 4 : i32
      %get3A_1847 = arith.index_cast %get3A_1846 : i32 to index
      %get3A_1848 = arith.constant 912 : index
      %get3A_1849 = tpu.vector_load %arg4[%get3A_1847, %get3A_1848] {strides = array<i32>} : memref<8x1000xf32, #tpu.memory_space<vmem>>, vector<1x16xf32>,
      %get3A_1850 = vector.shape_cast %get3A_1849 : vector<1x16xf32> to vector<16xf32>
      %add3A_1851 = arith.addf %add3A_1845, %get3A_1850 : vector<16xf32>
      %get3A_1852 = arith.constant 4 : i32
      %get3A_1853 = arith.index_cast %get3A_1852 : i32 to index
      %get3A_1854 = arith.constant 928 : index
      %get3A_1855 = tpu.vector_load %arg4[%get3A_1853, %get3A_1854] {strides = array<i32>} : memref<8x1000xf32, #tpu.memory_space<vmem>>, vector<1x16xf32>,
      %get3A_1856 = vector.shape_cast %get3A_1855 : vector<1x16xf32> to vector<16xf32>
      %add3A_1857 = arith.addf %add3A_1851, %get3A_1856 : vector<16xf32>
      %get3A_1858 = arith.constant 4 : i32
      %get3A_1859 = arith.index_cast %get3A_1858 : i32 to index
      %get3A_1860 = arith.constant 944 : index
      %get3A_1861 = tpu.vector_load %arg4[%get3A_1859, %get3A_1860] {strides = array<i32>} : memref<8x1000xf32, #tpu.memory_space<vmem>>, vector<1x16xf32>,
      %get3A_1862 = vector.shape_cast %get3A_1861 : vector<1x16xf32> to vector<16xf32>
      %add3A_1863 = arith.addf %add3A_1857, %get3A_1862 : vector<16xf32>
      %get3A_1864 = arith.constant 4 : i32
      %get3A_1865 = arith.index_cast %get3A_1864 : i32 to index
      %get3A_1866 = arith.constant 960 : index
      %get3A_1867 = tpu.vector_load %arg4[%get3A_1865, %get3A_1866] {strides = array<i32>} : memref<8x1000xf32, #tpu.memory_space<vmem>>, vector<1x16xf32>,
      %get3A_1868 = vector.shape_cast %get3A_1867 : vector<1x16xf32> to vector<16xf32>
      %add3A_1869 = arith.addf %add3A_1863, %get3A_1868 : vector<16xf32>
      %get3A_1870 = arith.constant 4 : i32
      %get3A_1871 = arith.index_cast %get3A_1870 : i32 to index
      %get3A_1872 = arith.constant 976 : index
      %get3A_1873 = tpu.vector_load %arg4[%get3A_1871, %get3A_1872] {strides = array<i32>} : memref<8x1000xf32, #tpu.memory_space<vmem>>, vector<1x16xf32>,
      %get3A_1874 = vector.shape_cast %get3A_1873 : vector<1x16xf32> to vector<16xf32>
      %add3A_1875 = arith.addf %add3A_1869, %get3A_1874 : vector<16xf32>
      %get3A_1876 = arith.constant 5 : i32
      %get3A_1877 = arith.index_cast %get3A_1876 : i32 to index
      %get3A_1878 = arith.constant 0 : index
      %get3A_1879 = tpu.vector_load %arg4[%get3A_1877, %get3A_1878] {strides = array<i32>} : memref<8x1000xf32, #tpu.memory_space<vmem>>, vector<1x16xf32>,
      %get3A_1880 = vector.shape_cast %get3A_1879 : vector<1x16xf32> to vector<16xf32>
      %add3A_1881 = arith.addf %add3A_1875, %get3A_1880 : vector<16xf32>
      %get3A_1882 = arith.constant 5 : i32
      %get3A_1883 = arith.index_cast %get3A_1882 : i32 to index
      %get3A_1884 = arith.constant 16 : index
      %get3A_1885 = tpu.vector_load %arg4[%get3A_1883, %get3A_1884] {strides = array<i32>} : memref<8x1000xf32, #tpu.memory_space<vmem>>, vector<1x16xf32>,
      %get3A_1886 = vector.shape_cast %get3A_1885 : vector<1x16xf32> to vector<16xf32>
      %add3A_1887 = arith.addf %add3A_1881, %get3A_1886 : vector<16xf32>
      %get3A_1888 = arith.constant 5 : i32
      %get3A_1889 = arith.index_cast %get3A_1888 : i32 to index
      %get3A_1890 = arith.constant 32 : index
      %get3A_1891 = tpu.vector_load %arg4[%get3A_1889, %get3A_1890] {strides = array<i32>} : memref<8x1000xf32, #tpu.memory_space<vmem>>, vector<1x16xf32>,
      %get3A_1892 = vector.shape_cast %get3A_1891 : vector<1x16xf32> to vector<16xf32>
      %add3A_1893 = arith.addf %add3A_1887, %get3A_1892 : vector<16xf32>
      %get3A_1894 = arith.constant 5 : i32
      %get3A_1895 = arith.index_cast %get3A_1894 : i32 to index
      %get3A_1896 = arith.constant 48 : index
      %get3A_1897 = tpu.vector_load %arg4[%get3A_1895, %get3A_1896] {strides = array<i32>} : memref<8x1000xf32, #tpu.memory_space<vmem>>, vector<1x16xf32>,
      %get3A_1898 = vector.shape_cast %get3A_1897 : vector<1x16xf32> to vector<16xf32>
      %add3A_1899 = arith.addf %add3A_1893, %get3A_1898 : vector<16xf32>
      %get3A_1900 = arith.constant 5 : i32
      %get3A_1901 = arith.index_cast %get3A_1900 : i32 to index
      %get3A_1902 = arith.constant 64 : index
      %get3A_1903 = tpu.vector_load %arg4[%get3A_1901, %get3A_1902] {strides = array<i32>} : memref<8x1000xf32, #tpu.memory_space<vmem>>, vector<1x16xf32>,
      %get3A_1904 = vector.shape_cast %get3A_1903 : vector<1x16xf32> to vector<16xf32>
      %add3A_1905 = arith.addf %add3A_1899, %get3A_1904 : vector<16xf32>
      %get3A_1906 = arith.constant 5 : i32
      %get3A_1907 = arith.index_cast %get3A_1906 : i32 to index
      %get3A_1908 = arith.constant 80 : index
      %get3A_1909 = tpu.vector_load %arg4[%get3A_1907, %get3A_1908] {strides = array<i32>} : memref<8x1000xf32, #tpu.memory_space<vmem>>, vector<1x16xf32>,
      %get3A_1910 = vector.shape_cast %get3A_1909 : vector<1x16xf32> to vector<16xf32>
      %add3A_1911 = arith.addf %add3A_1905, %get3A_1910 : vector<16xf32>
      %get3A_1912 = arith.constant 5 : i32
      %get3A_1913 = arith.index_cast %get3A_1912 : i32 to index
      %get3A_1914 = arith.constant 96 : index
      %get3A_1915 = tpu.vector_load %arg4[%get3A_1913, %get3A_1914] {strides = array<i32>} : memref<8x1000xf32, #tpu.memory_space<vmem>>, vector<1x16xf32>,
      %get3A_1916 = vector.shape_cast %get3A_1915 : vector<1x16xf32> to vector<16xf32>
      %add3A_1917 = arith.addf %add3A_1911, %get3A_1916 : vector<16xf32>
      %get3A_1918 = arith.constant 5 : i32
      %get3A_1919 = arith.index_cast %get3A_1918 : i32 to index
      %get3A_1920 = arith.constant 112 : index
      %get3A_1921 = tpu.vector_load %arg4[%get3A_1919, %get3A_1920] {strides = array<i32>} : memref<8x1000xf32, #tpu.memory_space<vmem>>, vector<1x16xf32>,
      %get3A_1922 = vector.shape_cast %get3A_1921 : vector<1x16xf32> to vector<16xf32>
      %add3A_1923 = arith.addf %add3A_1917, %get3A_1922 : vector<16xf32>
      %get3A_1924 = arith.constant 5 : i32
      %get3A_1925 = arith.index_cast %get3A_1924 : i32 to index
      %get3A_1926 = arith.constant 128 : index
      %get3A_1927 = tpu.vector_load %arg4[%get3A_1925, %get3A_1926] {strides = array<i32>} : memref<8x1000xf32, #tpu.memory_space<vmem>>, vector<1x16xf32>,
      %get3A_1928 = vector.shape_cast %get3A_1927 : vector<1x16xf32> to vector<16xf32>
      %add3A_1929 = arith.addf %add3A_1923, %get3A_1928 : vector<16xf32>
      %get3A_1930 = arith.constant 5 : i32
      %get3A_1931 = arith.index_cast %get3A_1930 : i32 to index
      %get3A_1932 = arith.constant 144 : index
      %get3A_1933 = tpu.vector_load %arg4[%get3A_1931, %get3A_1932] {strides = array<i32>} : memref<8x1000xf32, #tpu.memory_space<vmem>>, vector<1x16xf32>,
      %get3A_1934 = vector.shape_cast %get3A_1933 : vector<1x16xf32> to vector<16xf32>
      %add3A_1935 = arith.addf %add3A_1929, %get3A_1934 : vector<16xf32>
      %get3A_1936 = arith.constant 5 : i32
      %get3A_1937 = arith.index_cast %get3A_1936 : i32 to index
      %get3A_1938 = arith.constant 160 : index
      %get3A_1939 = tpu.vector_load %arg4[%get3A_1937, %get3A_1938] {strides = array<i32>} : memref<8x1000xf32, #tpu.memory_space<vmem>>, vector<1x16xf32>,
      %get3A_1940 = vector.shape_cast %get3A_1939 : vector<1x16xf32> to vector<16xf32>
      %add3A_1941 = arith.addf %add3A_1935, %get3A_1940 : vector<16xf32>
      %get3A_1942 = arith.constant 5 : i32
      %get3A_1943 = arith.index_cast %get3A_1942 : i32 to index
      %get3A_1944 = arith.constant 176 : index
      %get3A_1945 = tpu.vector_load %arg4[%get3A_1943, %get3A_1944] {strides = array<i32>} : memref<8x1000xf32, #tpu.memory_space<vmem>>, vector<1x16xf32>,
      %get3A_1946 = vector.shape_cast %get3A_1945 : vector<1x16xf32> to vector<16xf32>
      %add3A_1947 = arith.addf %add3A_1941, %get3A_1946 : vector<16xf32>
      %get3A_1948 = arith.constant 5 : i32
      %get3A_1949 = arith.index_cast %get3A_1948 : i32 to index
      %get3A_1950 = arith.constant 192 : index
      %get3A_1951 = tpu.vector_load %arg4[%get3A_1949, %get3A_1950] {strides = array<i32>} : memref<8x1000xf32, #tpu.memory_space<vmem>>, vector<1x16xf32>,
      %get3A_1952 = vector.shape_cast %get3A_1951 : vector<1x16xf32> to vector<16xf32>
      %add3A_1953 = arith.addf %add3A_1947, %get3A_1952 : vector<16xf32>
      %get3A_1954 = arith.constant 5 : i32
      %get3A_1955 = arith.index_cast %get3A_1954 : i32 to index
      %get3A_1956 = arith.constant 208 : index
      %get3A_1957 = tpu.vector_load %arg4[%get3A_1955, %get3A_1956] {strides = array<i32>} : memref<8x1000xf32, #tpu.memory_space<vmem>>, vector<1x16xf32>,
      %get3A_1958 = vector.shape_cast %get3A_1957 : vector<1x16xf32> to vector<16xf32>
      %add3A_1959 = arith.addf %add3A_1953, %get3A_1958 : vector<16xf32>
      %get3A_1960 = arith.constant 5 : i32
      %get3A_1961 = arith.index_cast %get3A_1960 : i32 to index
      %get3A_1962 = arith.constant 224 : index
      %get3A_1963 = tpu.vector_load %arg4[%get3A_1961, %get3A_1962] {strides = array<i32>} : memref<8x1000xf32, #tpu.memory_space<vmem>>, vector<1x16xf32>,
      %get3A_1964 = vector.shape_cast %get3A_1963 : vector<1x16xf32> to vector<16xf32>
      %add3A_1965 = arith.addf %add3A_1959, %get3A_1964 : vector<16xf32>
      %get3A_1966 = arith.constant 5 : i32
      %get3A_1967 = arith.index_cast %get3A_1966 : i32 to index
      %get3A_1968 = arith.constant 240 : index
      %get3A_1969 = tpu.vector_load %arg4[%get3A_1967, %get3A_1968] {strides = array<i32>} : memref<8x1000xf32, #tpu.memory_space<vmem>>, vector<1x16xf32>,
      %get3A_1970 = vector.shape_cast %get3A_1969 : vector<1x16xf32> to vector<16xf32>
      %add3A_1971 = arith.addf %add3A_1965, %get3A_1970 : vector<16xf32>
      %get3A_1972 = arith.constant 5 : i32
      %get3A_1973 = arith.index_cast %get3A_1972 : i32 to index
      %get3A_1974 = arith.constant 256 : index
      %get3A_1975 = tpu.vector_load %arg4[%get3A_1973, %get3A_1974] {strides = array<i32>} : memref<8x1000xf32, #tpu.memory_space<vmem>>, vector<1x16xf32>,
      %get3A_1976 = vector.shape_cast %get3A_1975 : vector<1x16xf32> to vector<16xf32>
      %add3A_1977 = arith.addf %add3A_1971, %get3A_1976 : vector<16xf32>
      %get3A_1978 = arith.constant 5 : i32
      %get3A_1979 = arith.index_cast %get3A_1978 : i32 to index
      %get3A_1980 = arith.constant 272 : index
      %get3A_1981 = tpu.vector_load %arg4[%get3A_1979, %get3A_1980] {strides = array<i32>} : memref<8x1000xf32, #tpu.memory_space<vmem>>, vector<1x16xf32>,
      %get3A_1982 = vector.shape_cast %get3A_1981 : vector<1x16xf32> to vector<16xf32>
      %add3A_1983 = arith.addf %add3A_1977, %get3A_1982 : vector<16xf32>
      %get3A_1984 = arith.constant 5 : i32
      %get3A_1985 = arith.index_cast %get3A_1984 : i32 to index
      %get3A_1986 = arith.constant 288 : index
      %get3A_1987 = tpu.vector_load %arg4[%get3A_1985, %get3A_1986] {strides = array<i32>} : memref<8x1000xf32, #tpu.memory_space<vmem>>, vector<1x16xf32>,
      %get3A_1988 = vector.shape_cast %get3A_1987 : vector<1x16xf32> to vector<16xf32>
      %add3A_1989 = arith.addf %add3A_1983, %get3A_1988 : vector<16xf32>
      %get3A_1990 = arith.constant 5 : i32
      %get3A_1991 = arith.index_cast %get3A_1990 : i32 to index
      %get3A_1992 = arith.constant 304 : index
      %get3A_1993 = tpu.vector_load %arg4[%get3A_1991, %get3A_1992] {strides = array<i32>} : memref<8x1000xf32, #tpu.memory_space<vmem>>, vector<1x16xf32>,
      %get3A_1994 = vector.shape_cast %get3A_1993 : vector<1x16xf32> to vector<16xf32>
      %add3A_1995 = arith.addf %add3A_1989, %get3A_1994 : vector<16xf32>
      %get3A_1996 = arith.constant 5 : i32
      %get3A_1997 = arith.index_cast %get3A_1996 : i32 to index
      %get3A_1998 = arith.constant 320 : index
      %get3A_1999 = tpu.vector_load %arg4[%get3A_1997, %get3A_1998] {strides = array<i32>} : memref<8x1000xf32, #tpu.memory_space<vmem>>, vector<1x16xf32>,
      %get3A_2000 = vector.shape_cast %get3A_1999 : vector<1x16xf32> to vector<16xf32>
      %add3A_2001 = arith.addf %add3A_1995, %get3A_2000 : vector<16xf32>
      %get3A_2002 = arith.constant 5 : i32
      %get3A_2003 = arith.index_cast %get3A_2002 : i32 to index
      %get3A_2004 = arith.constant 336 : index
      %get3A_2005 = tpu.vector_load %arg4[%get3A_2003, %get3A_2004] {strides = array<i32>} : memref<8x1000xf32, #tpu.memory_space<vmem>>, vector<1x16xf32>,
      %get3A_2006 = vector.shape_cast %get3A_2005 : vector<1x16xf32> to vector<16xf32>
      %add3A_2007 = arith.addf %add3A_2001, %get3A_2006 : vector<16xf32>
      %get3A_2008 = arith.constant 5 : i32
      %get3A_2009 = arith.index_cast %get3A_2008 : i32 to index
      %get3A_2010 = arith.constant 352 : index
      %get3A_2011 = tpu.vector_load %arg4[%get3A_2009, %get3A_2010] {strides = array<i32>} : memref<8x1000xf32, #tpu.memory_space<vmem>>, vector<1x16xf32>,
      %get3A_2012 = vector.shape_cast %get3A_2011 : vector<1x16xf32> to vector<16xf32>
      %add3A_2013 = arith.addf %add3A_2007, %get3A_2012 : vector<16xf32>
      %get3A_2014 = arith.constant 5 : i32
      %get3A_2015 = arith.index_cast %get3A_2014 : i32 to index
      %get3A_2016 = arith.constant 368 : index
      %get3A_2017 = tpu.vector_load %arg4[%get3A_2015, %get3A_2016] {strides = array<i32>} : memref<8x1000xf32, #tpu.memory_space<vmem>>, vector<1x16xf32>,
      %get3A_2018 = vector.shape_cast %get3A_2017 : vector<1x16xf32> to vector<16xf32>
      %add3A_2019 = arith.addf %add3A_2013, %get3A_2018 : vector<16xf32>
      %get3A_2020 = arith.constant 5 : i32
      %get3A_2021 = arith.index_cast %get3A_2020 : i32 to index
      %get3A_2022 = arith.constant 384 : index
      %get3A_2023 = tpu.vector_load %arg4[%get3A_2021, %get3A_2022] {strides = array<i32>} : memref<8x1000xf32, #tpu.memory_space<vmem>>, vector<1x16xf32>,
      %get3A_2024 = vector.shape_cast %get3A_2023 : vector<1x16xf32> to vector<16xf32>
      %add3A_2025 = arith.addf %add3A_2019, %get3A_2024 : vector<16xf32>
      %get3A_2026 = arith.constant 5 : i32
      %get3A_2027 = arith.index_cast %get3A_2026 : i32 to index
      %get3A_2028 = arith.constant 400 : index
      %get3A_2029 = tpu.vector_load %arg4[%get3A_2027, %get3A_2028] {strides = array<i32>} : memref<8x1000xf32, #tpu.memory_space<vmem>>, vector<1x16xf32>,
      %get3A_2030 = vector.shape_cast %get3A_2029 : vector<1x16xf32> to vector<16xf32>
      %add3A_2031 = arith.addf %add3A_2025, %get3A_2030 : vector<16xf32>
      %get3A_2032 = arith.constant 5 : i32
      %get3A_2033 = arith.index_cast %get3A_2032 : i32 to index
      %get3A_2034 = arith.constant 416 : index
      %get3A_2035 = tpu.vector_load %arg4[%get3A_2033, %get3A_2034] {strides = array<i32>} : memref<8x1000xf32, #tpu.memory_space<vmem>>, vector<1x16xf32>,
      %get3A_2036 = vector.shape_cast %get3A_2035 : vector<1x16xf32> to vector<16xf32>
      %add3A_2037 = arith.addf %add3A_2031, %get3A_2036 : vector<16xf32>
      %get3A_2038 = arith.constant 5 : i32
      %get3A_2039 = arith.index_cast %get3A_2038 : i32 to index
      %get3A_2040 = arith.constant 432 : index
      %get3A_2041 = tpu.vector_load %arg4[%get3A_2039, %get3A_2040] {strides = array<i32>} : memref<8x1000xf32, #tpu.memory_space<vmem>>, vector<1x16xf32>,
      %get3A_2042 = vector.shape_cast %get3A_2041 : vector<1x16xf32> to vector<16xf32>
      %add3A_2043 = arith.addf %add3A_2037, %get3A_2042 : vector<16xf32>
      %get3A_2044 = arith.constant 5 : i32
      %get3A_2045 = arith.index_cast %get3A_2044 : i32 to index
      %get3A_2046 = arith.constant 448 : index
      %get3A_2047 = tpu.vector_load %arg4[%get3A_2045, %get3A_2046] {strides = array<i32>} : memref<8x1000xf32, #tpu.memory_space<vmem>>, vector<1x16xf32>,
      %get3A_2048 = vector.shape_cast %get3A_2047 : vector<1x16xf32> to vector<16xf32>
      %add3A_2049 = arith.addf %add3A_2043, %get3A_2048 : vector<16xf32>
      %get3A_2050 = arith.constant 5 : i32
      %get3A_2051 = arith.index_cast %get3A_2050 : i32 to index
      %get3A_2052 = arith.constant 464 : index
      %get3A_2053 = tpu.vector_load %arg4[%get3A_2051, %get3A_2052] {strides = array<i32>} : memref<8x1000xf32, #tpu.memory_space<vmem>>, vector<1x16xf32>,
      %get3A_2054 = vector.shape_cast %get3A_2053 : vector<1x16xf32> to vector<16xf32>
      %add3A_2055 = arith.addf %add3A_2049, %get3A_2054 : vector<16xf32>
      %get3A_2056 = arith.constant 5 : i32
      %get3A_2057 = arith.index_cast %get3A_2056 : i32 to index
      %get3A_2058 = arith.constant 480 : index
      %get3A_2059 = tpu.vector_load %arg4[%get3A_2057, %get3A_2058] {strides = array<i32>} : memref<8x1000xf32, #tpu.memory_space<vmem>>, vector<1x16xf32>,
      %get3A_2060 = vector.shape_cast %get3A_2059 : vector<1x16xf32> to vector<16xf32>
      %add3A_2061 = arith.addf %add3A_2055, %get3A_2060 : vector<16xf32>
      %get3A_2062 = arith.constant 5 : i32
      %get3A_2063 = arith.index_cast %get3A_2062 : i32 to index
      %get3A_2064 = arith.constant 496 : index
      %get3A_2065 = tpu.vector_load %arg4[%get3A_2063, %get3A_2064] {strides = array<i32>} : memref<8x1000xf32, #tpu.memory_space<vmem>>, vector<1x16xf32>,
      %get3A_2066 = vector.shape_cast %get3A_2065 : vector<1x16xf32> to vector<16xf32>
      %add3A_2067 = arith.addf %add3A_2061, %get3A_2066 : vector<16xf32>
      %get3A_2068 = arith.constant 5 : i32
      %get3A_2069 = arith.index_cast %get3A_2068 : i32 to index
      %get3A_2070 = arith.constant 512 : index
      %get3A_2071 = tpu.vector_load %arg4[%get3A_2069, %get3A_2070] {strides = array<i32>} : memref<8x1000xf32, #tpu.memory_space<vmem>>, vector<1x16xf32>,
      %get3A_2072 = vector.shape_cast %get3A_2071 : vector<1x16xf32> to vector<16xf32>
      %add3A_2073 = arith.addf %add3A_2067, %get3A_2072 : vector<16xf32>
      %get3A_2074 = arith.constant 5 : i32
      %get3A_2075 = arith.index_cast %get3A_2074 : i32 to index
      %get3A_2076 = arith.constant 528 : index
      %get3A_2077 = tpu.vector_load %arg4[%get3A_2075, %get3A_2076] {strides = array<i32>} : memref<8x1000xf32, #tpu.memory_space<vmem>>, vector<1x16xf32>,
      %get3A_2078 = vector.shape_cast %get3A_2077 : vector<1x16xf32> to vector<16xf32>
      %add3A_2079 = arith.addf %add3A_2073, %get3A_2078 : vector<16xf32>
      %get3A_2080 = arith.constant 5 : i32
      %get3A_2081 = arith.index_cast %get3A_2080 : i32 to index
      %get3A_2082 = arith.constant 544 : index
      %get3A_2083 = tpu.vector_load %arg4[%get3A_2081, %get3A_2082] {strides = array<i32>} : memref<8x1000xf32, #tpu.memory_space<vmem>>, vector<1x16xf32>,
      %get3A_2084 = vector.shape_cast %get3A_2083 : vector<1x16xf32> to vector<16xf32>
      %add3A_2085 = arith.addf %add3A_2079, %get3A_2084 : vector<16xf32>
      %get3A_2086 = arith.constant 5 : i32
      %get3A_2087 = arith.index_cast %get3A_2086 : i32 to index
      %get3A_2088 = arith.constant 560 : index
      %get3A_2089 = tpu.vector_load %arg4[%get3A_2087, %get3A_2088] {strides = array<i32>} : memref<8x1000xf32, #tpu.memory_space<vmem>>, vector<1x16xf32>,
      %get3A_2090 = vector.shape_cast %get3A_2089 : vector<1x16xf32> to vector<16xf32>
      %add3A_2091 = arith.addf %add3A_2085, %get3A_2090 : vector<16xf32>
      %get3A_2092 = arith.constant 5 : i32
      %get3A_2093 = arith.index_cast %get3A_2092 : i32 to index
      %get3A_2094 = arith.constant 576 : index
      %get3A_2095 = tpu.vector_load %arg4[%get3A_2093, %get3A_2094] {strides = array<i32>} : memref<8x1000xf32, #tpu.memory_space<vmem>>, vector<1x16xf32>,
      %get3A_2096 = vector.shape_cast %get3A_2095 : vector<1x16xf32> to vector<16xf32>
      %add3A_2097 = arith.addf %add3A_2091, %get3A_2096 : vector<16xf32>
      %get3A_2098 = arith.constant 5 : i32
      %get3A_2099 = arith.index_cast %get3A_2098 : i32 to index
      %get3A_2100 = arith.constant 592 : index
      %get3A_2101 = tpu.vector_load %arg4[%get3A_2099, %get3A_2100] {strides = array<i32>} : memref<8x1000xf32, #tpu.memory_space<vmem>>, vector<1x16xf32>,
      %get3A_2102 = vector.shape_cast %get3A_2101 : vector<1x16xf32> to vector<16xf32>
      %add3A_2103 = arith.addf %add3A_2097, %get3A_2102 : vector<16xf32>
      %get3A_2104 = arith.constant 5 : i32
      %get3A_2105 = arith.index_cast %get3A_2104 : i32 to index
      %get3A_2106 = arith.constant 608 : index
      %get3A_2107 = tpu.vector_load %arg4[%get3A_2105, %get3A_2106] {strides = array<i32>} : memref<8x1000xf32, #tpu.memory_space<vmem>>, vector<1x16xf32>,
      %get3A_2108 = vector.shape_cast %get3A_2107 : vector<1x16xf32> to vector<16xf32>
      %add3A_2109 = arith.addf %add3A_2103, %get3A_2108 : vector<16xf32>
      %get3A_2110 = arith.constant 5 : i32
      %get3A_2111 = arith.index_cast %get3A_2110 : i32 to index
      %get3A_2112 = arith.constant 624 : index
      %get3A_2113 = tpu.vector_load %arg4[%get3A_2111, %get3A_2112] {strides = array<i32>} : memref<8x1000xf32, #tpu.memory_space<vmem>>, vector<1x16xf32>,
      %get3A_2114 = vector.shape_cast %get3A_2113 : vector<1x16xf32> to vector<16xf32>
      %add3A_2115 = arith.addf %add3A_2109, %get3A_2114 : vector<16xf32>
      %get3A_2116 = arith.constant 5 : i32
      %get3A_2117 = arith.index_cast %get3A_2116 : i32 to index
      %get3A_2118 = arith.constant 640 : index
      %get3A_2119 = tpu.vector_load %arg4[%get3A_2117, %get3A_2118] {strides = array<i32>} : memref<8x1000xf32, #tpu.memory_space<vmem>>, vector<1x16xf32>,
      %get3A_2120 = vector.shape_cast %get3A_2119 : vector<1x16xf32> to vector<16xf32>
      %add3A_2121 = arith.addf %add3A_2115, %get3A_2120 : vector<16xf32>
      %get3A_2122 = arith.constant 5 : i32
      %get3A_2123 = arith.index_cast %get3A_2122 : i32 to index
      %get3A_2124 = arith.constant 656 : index
      %get3A_2125 = tpu.vector_load %arg4[%get3A_2123, %get3A_2124] {strides = array<i32>} : memref<8x1000xf32, #tpu.memory_space<vmem>>, vector<1x16xf32>,
      %get3A_2126 = vector.shape_cast %get3A_2125 : vector<1x16xf32> to vector<16xf32>
      %add3A_2127 = arith.addf %add3A_2121, %get3A_2126 : vector<16xf32>
      %get3A_2128 = arith.constant 5 : i32
      %get3A_2129 = arith.index_cast %get3A_2128 : i32 to index
      %get3A_2130 = arith.constant 672 : index
      %get3A_2131 = tpu.vector_load %arg4[%get3A_2129, %get3A_2130] {strides = array<i32>} : memref<8x1000xf32, #tpu.memory_space<vmem>>, vector<1x16xf32>,
      %get3A_2132 = vector.shape_cast %get3A_2131 : vector<1x16xf32> to vector<16xf32>
      %add3A_2133 = arith.addf %add3A_2127, %get3A_2132 : vector<16xf32>
      %get3A_2134 = arith.constant 5 : i32
      %get3A_2135 = arith.index_cast %get3A_2134 : i32 to index
      %get3A_2136 = arith.constant 688 : index
      %get3A_2137 = tpu.vector_load %arg4[%get3A_2135, %get3A_2136] {strides = array<i32>} : memref<8x1000xf32, #tpu.memory_space<vmem>>, vector<1x16xf32>,
      %get3A_2138 = vector.shape_cast %get3A_2137 : vector<1x16xf32> to vector<16xf32>
      %add3A_2139 = arith.addf %add3A_2133, %get3A_2138 : vector<16xf32>
      %get3A_2140 = arith.constant 5 : i32
      %get3A_2141 = arith.index_cast %get3A_2140 : i32 to index
      %get3A_2142 = arith.constant 704 : index
      %get3A_2143 = tpu.vector_load %arg4[%get3A_2141, %get3A_2142] {strides = array<i32>} : memref<8x1000xf32, #tpu.memory_space<vmem>>, vector<1x16xf32>,
      %get3A_2144 = vector.shape_cast %get3A_2143 : vector<1x16xf32> to vector<16xf32>
      %add3A_2145 = arith.addf %add3A_2139, %get3A_2144 : vector<16xf32>
      %get3A_2146 = arith.constant 5 : i32
      %get3A_2147 = arith.index_cast %get3A_2146 : i32 to index
      %get3A_2148 = arith.constant 720 : index
      %get3A_2149 = tpu.vector_load %arg4[%get3A_2147, %get3A_2148] {strides = array<i32>} : memref<8x1000xf32, #tpu.memory_space<vmem>>, vector<1x16xf32>,
      %get3A_2150 = vector.shape_cast %get3A_2149 : vector<1x16xf32> to vector<16xf32>
      %add3A_2151 = arith.addf %add3A_2145, %get3A_2150 : vector<16xf32>
      %get3A_2152 = arith.constant 5 : i32
      %get3A_2153 = arith.index_cast %get3A_2152 : i32 to index
      %get3A_2154 = arith.constant 736 : index
      %get3A_2155 = tpu.vector_load %arg4[%get3A_2153, %get3A_2154] {strides = array<i32>} : memref<8x1000xf32, #tpu.memory_space<vmem>>, vector<1x16xf32>,
      %get3A_2156 = vector.shape_cast %get3A_2155 : vector<1x16xf32> to vector<16xf32>
      %add3A_2157 = arith.addf %add3A_2151, %get3A_2156 : vector<16xf32>
      %get3A_2158 = arith.constant 5 : i32
      %get3A_2159 = arith.index_cast %get3A_2158 : i32 to index
      %get3A_2160 = arith.constant 752 : index
      %get3A_2161 = tpu.vector_load %arg4[%get3A_2159, %get3A_2160] {strides = array<i32>} : memref<8x1000xf32, #tpu.memory_space<vmem>>, vector<1x16xf32>,
      %get3A_2162 = vector.shape_cast %get3A_2161 : vector<1x16xf32> to vector<16xf32>
      %add3A_2163 = arith.addf %add3A_2157, %get3A_2162 : vector<16xf32>
      %get3A_2164 = arith.constant 5 : i32
      %get3A_2165 = arith.index_cast %get3A_2164 : i32 to index
      %get3A_2166 = arith.constant 768 : index
      %get3A_2167 = tpu.vector_load %arg4[%get3A_2165, %get3A_2166] {strides = array<i32>} : memref<8x1000xf32, #tpu.memory_space<vmem>>, vector<1x16xf32>,
      %get3A_2168 = vector.shape_cast %get3A_2167 : vector<1x16xf32> to vector<16xf32>
      %add3A_2169 = arith.addf %add3A_2163, %get3A_2168 : vector<16xf32>
      %get3A_2170 = arith.constant 5 : i32
      %get3A_2171 = arith.index_cast %get3A_2170 : i32 to index
      %get3A_2172 = arith.constant 784 : index
      %get3A_2173 = tpu.vector_load %arg4[%get3A_2171, %get3A_2172] {strides = array<i32>} : memref<8x1000xf32, #tpu.memory_space<vmem>>, vector<1x16xf32>,
      %get3A_2174 = vector.shape_cast %get3A_2173 : vector<1x16xf32> to vector<16xf32>
      %add3A_2175 = arith.addf %add3A_2169, %get3A_2174 : vector<16xf32>
      %get3A_2176 = arith.constant 5 : i32
      %get3A_2177 = arith.index_cast %get3A_2176 : i32 to index
      %get3A_2178 = arith.constant 800 : index
      %get3A_2179 = tpu.vector_load %arg4[%get3A_2177, %get3A_2178] {strides = array<i32>} : memref<8x1000xf32, #tpu.memory_space<vmem>>, vector<1x16xf32>,
      %get3A_2180 = vector.shape_cast %get3A_2179 : vector<1x16xf32> to vector<16xf32>
      %add3A_2181 = arith.addf %add3A_2175, %get3A_2180 : vector<16xf32>
      %get3A_2182 = arith.constant 5 : i32
      %get3A_2183 = arith.index_cast %get3A_2182 : i32 to index
      %get3A_2184 = arith.constant 816 : index
      %get3A_2185 = tpu.vector_load %arg4[%get3A_2183, %get3A_2184] {strides = array<i32>} : memref<8x1000xf32, #tpu.memory_space<vmem>>, vector<1x16xf32>,
      %get3A_2186 = vector.shape_cast %get3A_2185 : vector<1x16xf32> to vector<16xf32>
      %add3A_2187 = arith.addf %add3A_2181, %get3A_2186 : vector<16xf32>
      %get3A_2188 = arith.constant 5 : i32
      %get3A_2189 = arith.index_cast %get3A_2188 : i32 to index
      %get3A_2190 = arith.constant 832 : index
      %get3A_2191 = tpu.vector_load %arg4[%get3A_2189, %get3A_2190] {strides = array<i32>} : memref<8x1000xf32, #tpu.memory_space<vmem>>, vector<1x16xf32>,
      %get3A_2192 = vector.shape_cast %get3A_2191 : vector<1x16xf32> to vector<16xf32>
      %add3A_2193 = arith.addf %add3A_2187, %get3A_2192 : vector<16xf32>
      %get3A_2194 = arith.constant 5 : i32
      %get3A_2195 = arith.index_cast %get3A_2194 : i32 to index
      %get3A_2196 = arith.constant 848 : index
      %get3A_2197 = tpu.vector_load %arg4[%get3A_2195, %get3A_2196] {strides = array<i32>} : memref<8x1000xf32, #tpu.memory_space<vmem>>, vector<1x16xf32>,
      %get3A_2198 = vector.shape_cast %get3A_2197 : vector<1x16xf32> to vector<16xf32>
      %add3A_2199 = arith.addf %add3A_2193, %get3A_2198 : vector<16xf32>
      %get3A_2200 = arith.constant 5 : i32
      %get3A_2201 = arith.index_cast %get3A_2200 : i32 to index
      %get3A_2202 = arith.constant 864 : index
      %get3A_2203 = tpu.vector_load %arg4[%get3A_2201, %get3A_2202] {strides = array<i32>} : memref<8x1000xf32, #tpu.memory_space<vmem>>, vector<1x16xf32>,
      %get3A_2204 = vector.shape_cast %get3A_2203 : vector<1x16xf32> to vector<16xf32>
      %add3A_2205 = arith.addf %add3A_2199, %get3A_2204 : vector<16xf32>
      %get3A_2206 = arith.constant 5 : i32
      %get3A_2207 = arith.index_cast %get3A_2206 : i32 to index
      %get3A_2208 = arith.constant 880 : index
      %get3A_2209 = tpu.vector_load %arg4[%get3A_2207, %get3A_2208] {strides = array<i32>} : memref<8x1000xf32, #tpu.memory_space<vmem>>, vector<1x16xf32>,
      %get3A_2210 = vector.shape_cast %get3A_2209 : vector<1x16xf32> to vector<16xf32>
      %add3A_2211 = arith.addf %add3A_2205, %get3A_2210 : vector<16xf32>
      %get3A_2212 = arith.constant 5 : i32
      %get3A_2213 = arith.index_cast %get3A_2212 : i32 to index
      %get3A_2214 = arith.constant 896 : index
      %get3A_2215 = tpu.vector_load %arg4[%get3A_2213, %get3A_2214] {strides = array<i32>} : memref<8x1000xf32, #tpu.memory_space<vmem>>, vector<1x16xf32>,
      %get3A_2216 = vector.shape_cast %get3A_2215 : vector<1x16xf32> to vector<16xf32>
      %add3A_2217 = arith.addf %add3A_2211, %get3A_2216 : vector<16xf32>
      %get3A_2218 = arith.constant 5 : i32
      %get3A_2219 = arith.index_cast %get3A_2218 : i32 to index
      %get3A_2220 = arith.constant 912 : index
      %get3A_2221 = tpu.vector_load %arg4[%get3A_2219, %get3A_2220] {strides = array<i32>} : memref<8x1000xf32, #tpu.memory_space<vmem>>, vector<1x16xf32>,
      %get3A_2222 = vector.shape_cast %get3A_2221 : vector<1x16xf32> to vector<16xf32>
      %add3A_2223 = arith.addf %add3A_2217, %get3A_2222 : vector<16xf32>
      %get3A_2224 = arith.constant 5 : i32
      %get3A_2225 = arith.index_cast %get3A_2224 : i32 to index
      %get3A_2226 = arith.constant 928 : index
      %get3A_2227 = tpu.vector_load %arg4[%get3A_2225, %get3A_2226] {strides = array<i32>} : memref<8x1000xf32, #tpu.memory_space<vmem>>, vector<1x16xf32>,
      %get3A_2228 = vector.shape_cast %get3A_2227 : vector<1x16xf32> to vector<16xf32>
      %add3A_2229 = arith.addf %add3A_2223, %get3A_2228 : vector<16xf32>
      %get3A_2230 = arith.constant 5 : i32
      %get3A_2231 = arith.index_cast %get3A_2230 : i32 to index
      %get3A_2232 = arith.constant 944 : index
      %get3A_2233 = tpu.vector_load %arg4[%get3A_2231, %get3A_2232] {strides = array<i32>} : memref<8x1000xf32, #tpu.memory_space<vmem>>, vector<1x16xf32>,
      %get3A_2234 = vector.shape_cast %get3A_2233 : vector<1x16xf32> to vector<16xf32>
      %add3A_2235 = arith.addf %add3A_2229, %get3A_2234 : vector<16xf32>
      %get3A_2236 = arith.constant 5 : i32
      %get3A_2237 = arith.index_cast %get3A_2236 : i32 to index
      %get3A_2238 = arith.constant 960 : index
      %get3A_2239 = tpu.vector_load %arg4[%get3A_2237, %get3A_2238] {strides = array<i32>} : memref<8x1000xf32, #tpu.memory_space<vmem>>, vector<1x16xf32>,
      %get3A_2240 = vector.shape_cast %get3A_2239 : vector<1x16xf32> to vector<16xf32>
      %add3A_2241 = arith.addf %add3A_2235, %get3A_2240 : vector<16xf32>
      %get3A_2242 = arith.constant 5 : i32
      %get3A_2243 = arith.index_cast %get3A_2242 : i32 to index
      %get3A_2244 = arith.constant 976 : index
      %get3A_2245 = tpu.vector_load %arg4[%get3A_2243, %get3A_2244] {strides = array<i32>} : memref<8x1000xf32, #tpu.memory_space<vmem>>, vector<1x16xf32>,
      %get3A_2246 = vector.shape_cast %get3A_2245 : vector<1x16xf32> to vector<16xf32>
      %add3A_2247 = arith.addf %add3A_2241, %get3A_2246 : vector<16xf32>
      %get3A_2248 = arith.constant 6 : i32
      %get3A_2249 = arith.index_cast %get3A_2248 : i32 to index
      %get3A_2250 = arith.constant 0 : index
      %get3A_2251 = tpu.vector_load %arg4[%get3A_2249, %get3A_2250] {strides = array<i32>} : memref<8x1000xf32, #tpu.memory_space<vmem>>, vector<1x16xf32>,
      %get3A_2252 = vector.shape_cast %get3A_2251 : vector<1x16xf32> to vector<16xf32>
      %add3A_2253 = arith.addf %add3A_2247, %get3A_2252 : vector<16xf32>
      %get3A_2254 = arith.constant 6 : i32
      %get3A_2255 = arith.index_cast %get3A_2254 : i32 to index
      %get3A_2256 = arith.constant 16 : index
      %get3A_2257 = tpu.vector_load %arg4[%get3A_2255, %get3A_2256] {strides = array<i32>} : memref<8x1000xf32, #tpu.memory_space<vmem>>, vector<1x16xf32>,
      %get3A_2258 = vector.shape_cast %get3A_2257 : vector<1x16xf32> to vector<16xf32>
      %add3A_2259 = arith.addf %add3A_2253, %get3A_2258 : vector<16xf32>
      %get3A_2260 = arith.constant 6 : i32
      %get3A_2261 = arith.index_cast %get3A_2260 : i32 to index
      %get3A_2262 = arith.constant 32 : index
      %get3A_2263 = tpu.vector_load %arg4[%get3A_2261, %get3A_2262] {strides = array<i32>} : memref<8x1000xf32, #tpu.memory_space<vmem>>, vector<1x16xf32>,
      %get3A_2264 = vector.shape_cast %get3A_2263 : vector<1x16xf32> to vector<16xf32>
      %add3A_2265 = arith.addf %add3A_2259, %get3A_2264 : vector<16xf32>
      %get3A_2266 = arith.constant 6 : i32
      %get3A_2267 = arith.index_cast %get3A_2266 : i32 to index
      %get3A_2268 = arith.constant 48 : index
      %get3A_2269 = tpu.vector_load %arg4[%get3A_2267, %get3A_2268] {strides = array<i32>} : memref<8x1000xf32, #tpu.memory_space<vmem>>, vector<1x16xf32>,
      %get3A_2270 = vector.shape_cast %get3A_2269 : vector<1x16xf32> to vector<16xf32>
      %add3A_2271 = arith.addf %add3A_2265, %get3A_2270 : vector<16xf32>
      %get3A_2272 = arith.constant 6 : i32
      %get3A_2273 = arith.index_cast %get3A_2272 : i32 to index
      %get3A_2274 = arith.constant 64 : index
      %get3A_2275 = tpu.vector_load %arg4[%get3A_2273, %get3A_2274] {strides = array<i32>} : memref<8x1000xf32, #tpu.memory_space<vmem>>, vector<1x16xf32>,
      %get3A_2276 = vector.shape_cast %get3A_2275 : vector<1x16xf32> to vector<16xf32>
      %add3A_2277 = arith.addf %add3A_2271, %get3A_2276 : vector<16xf32>
      %get3A_2278 = arith.constant 6 : i32
      %get3A_2279 = arith.index_cast %get3A_2278 : i32 to index
      %get3A_2280 = arith.constant 80 : index
      %get3A_2281 = tpu.vector_load %arg4[%get3A_2279, %get3A_2280] {strides = array<i32>} : memref<8x1000xf32, #tpu.memory_space<vmem>>, vector<1x16xf32>,
      %get3A_2282 = vector.shape_cast %get3A_2281 : vector<1x16xf32> to vector<16xf32>
      %add3A_2283 = arith.addf %add3A_2277, %get3A_2282 : vector<16xf32>
      %get3A_2284 = arith.constant 6 : i32
      %get3A_2285 = arith.index_cast %get3A_2284 : i32 to index
      %get3A_2286 = arith.constant 96 : index
      %get3A_2287 = tpu.vector_load %arg4[%get3A_2285, %get3A_2286] {strides = array<i32>} : memref<8x1000xf32, #tpu.memory_space<vmem>>, vector<1x16xf32>,
      %get3A_2288 = vector.shape_cast %get3A_2287 : vector<1x16xf32> to vector<16xf32>
      %add3A_2289 = arith.addf %add3A_2283, %get3A_2288 : vector<16xf32>
      %get3A_2290 = arith.constant 6 : i32
      %get3A_2291 = arith.index_cast %get3A_2290 : i32 to index
      %get3A_2292 = arith.constant 112 : index
      %get3A_2293 = tpu.vector_load %arg4[%get3A_2291, %get3A_2292] {strides = array<i32>} : memref<8x1000xf32, #tpu.memory_space<vmem>>, vector<1x16xf32>,
      %get3A_2294 = vector.shape_cast %get3A_2293 : vector<1x16xf32> to vector<16xf32>
      %add3A_2295 = arith.addf %add3A_2289, %get3A_2294 : vector<16xf32>
      %get3A_2296 = arith.constant 6 : i32
      %get3A_2297 = arith.index_cast %get3A_2296 : i32 to index
      %get3A_2298 = arith.constant 128 : index
      %get3A_2299 = tpu.vector_load %arg4[%get3A_2297, %get3A_2298] {strides = array<i32>} : memref<8x1000xf32, #tpu.memory_space<vmem>>, vector<1x16xf32>,
      %get3A_2300 = vector.shape_cast %get3A_2299 : vector<1x16xf32> to vector<16xf32>
      %add3A_2301 = arith.addf %add3A_2295, %get3A_2300 : vector<16xf32>
      %get3A_2302 = arith.constant 6 : i32
      %get3A_2303 = arith.index_cast %get3A_2302 : i32 to index
      %get3A_2304 = arith.constant 144 : index
      %get3A_2305 = tpu.vector_load %arg4[%get3A_2303, %get3A_2304] {strides = array<i32>} : memref<8x1000xf32, #tpu.memory_space<vmem>>, vector<1x16xf32>,
      %get3A_2306 = vector.shape_cast %get3A_2305 : vector<1x16xf32> to vector<16xf32>
      %add3A_2307 = arith.addf %add3A_2301, %get3A_2306 : vector<16xf32>
      %get3A_2308 = arith.constant 6 : i32
      %get3A_2309 = arith.index_cast %get3A_2308 : i32 to index
      %get3A_2310 = arith.constant 160 : index
      %get3A_2311 = tpu.vector_load %arg4[%get3A_2309, %get3A_2310] {strides = array<i32>} : memref<8x1000xf32, #tpu.memory_space<vmem>>, vector<1x16xf32>,
      %get3A_2312 = vector.shape_cast %get3A_2311 : vector<1x16xf32> to vector<16xf32>
      %add3A_2313 = arith.addf %add3A_2307, %get3A_2312 : vector<16xf32>
      %get3A_2314 = arith.constant 6 : i32
      %get3A_2315 = arith.index_cast %get3A_2314 : i32 to index
      %get3A_2316 = arith.constant 176 : index
      %get3A_2317 = tpu.vector_load %arg4[%get3A_2315, %get3A_2316] {strides = array<i32>} : memref<8x1000xf32, #tpu.memory_space<vmem>>, vector<1x16xf32>,
      %get3A_2318 = vector.shape_cast %get3A_2317 : vector<1x16xf32> to vector<16xf32>
      %add3A_2319 = arith.addf %add3A_2313, %get3A_2318 : vector<16xf32>
      %get3A_2320 = arith.constant 6 : i32
      %get3A_2321 = arith.index_cast %get3A_2320 : i32 to index
      %get3A_2322 = arith.constant 192 : index
      %get3A_2323 = tpu.vector_load %arg4[%get3A_2321, %get3A_2322] {strides = array<i32>} : memref<8x1000xf32, #tpu.memory_space<vmem>>, vector<1x16xf32>,
      %get3A_2324 = vector.shape_cast %get3A_2323 : vector<1x16xf32> to vector<16xf32>
      %add3A_2325 = arith.addf %add3A_2319, %get3A_2324 : vector<16xf32>
      %get3A_2326 = arith.constant 6 : i32
      %get3A_2327 = arith.index_cast %get3A_2326 : i32 to index
      %get3A_2328 = arith.constant 208 : index
      %get3A_2329 = tpu.vector_load %arg4[%get3A_2327, %get3A_2328] {strides = array<i32>} : memref<8x1000xf32, #tpu.memory_space<vmem>>, vector<1x16xf32>,
      %get3A_2330 = vector.shape_cast %get3A_2329 : vector<1x16xf32> to vector<16xf32>
      %add3A_2331 = arith.addf %add3A_2325, %get3A_2330 : vector<16xf32>
      %get3A_2332 = arith.constant 6 : i32
      %get3A_2333 = arith.index_cast %get3A_2332 : i32 to index
      %get3A_2334 = arith.constant 224 : index
      %get3A_2335 = tpu.vector_load %arg4[%get3A_2333, %get3A_2334] {strides = array<i32>} : memref<8x1000xf32, #tpu.memory_space<vmem>>, vector<1x16xf32>,
      %get3A_2336 = vector.shape_cast %get3A_2335 : vector<1x16xf32> to vector<16xf32>
      %add3A_2337 = arith.addf %add3A_2331, %get3A_2336 : vector<16xf32>
      %get3A_2338 = arith.constant 6 : i32
      %get3A_2339 = arith.index_cast %get3A_2338 : i32 to index
      %get3A_2340 = arith.constant 240 : index
      %get3A_2341 = tpu.vector_load %arg4[%get3A_2339, %get3A_2340] {strides = array<i32>} : memref<8x1000xf32, #tpu.memory_space<vmem>>, vector<1x16xf32>,
      %get3A_2342 = vector.shape_cast %get3A_2341 : vector<1x16xf32> to vector<16xf32>
      %add3A_2343 = arith.addf %add3A_2337, %get3A_2342 : vector<16xf32>
      %get3A_2344 = arith.constant 6 : i32
      %get3A_2345 = arith.index_cast %get3A_2344 : i32 to index
      %get3A_2346 = arith.constant 256 : index
      %get3A_2347 = tpu.vector_load %arg4[%get3A_2345, %get3A_2346] {strides = array<i32>} : memref<8x1000xf32, #tpu.memory_space<vmem>>, vector<1x16xf32>,
      %get3A_2348 = vector.shape_cast %get3A_2347 : vector<1x16xf32> to vector<16xf32>
      %add3A_2349 = arith.addf %add3A_2343, %get3A_2348 : vector<16xf32>
      %get3A_2350 = arith.constant 6 : i32
      %get3A_2351 = arith.index_cast %get3A_2350 : i32 to index
      %get3A_2352 = arith.constant 272 : index
      %get3A_2353 = tpu.vector_load %arg4[%get3A_2351, %get3A_2352] {strides = array<i32>} : memref<8x1000xf32, #tpu.memory_space<vmem>>, vector<1x16xf32>,
      %get3A_2354 = vector.shape_cast %get3A_2353 : vector<1x16xf32> to vector<16xf32>
      %add3A_2355 = arith.addf %add3A_2349, %get3A_2354 : vector<16xf32>
      %get3A_2356 = arith.constant 6 : i32
      %get3A_2357 = arith.index_cast %get3A_2356 : i32 to index
      %get3A_2358 = arith.constant 288 : index
      %get3A_2359 = tpu.vector_load %arg4[%get3A_2357, %get3A_2358] {strides = array<i32>} : memref<8x1000xf32, #tpu.memory_space<vmem>>, vector<1x16xf32>,
      %get3A_2360 = vector.shape_cast %get3A_2359 : vector<1x16xf32> to vector<16xf32>
      %add3A_2361 = arith.addf %add3A_2355, %get3A_2360 : vector<16xf32>
      %get3A_2362 = arith.constant 6 : i32
      %get3A_2363 = arith.index_cast %get3A_2362 : i32 to index
      %get3A_2364 = arith.constant 304 : index
      %get3A_2365 = tpu.vector_load %arg4[%get3A_2363, %get3A_2364] {strides = array<i32>} : memref<8x1000xf32, #tpu.memory_space<vmem>>, vector<1x16xf32>,
      %get3A_2366 = vector.shape_cast %get3A_2365 : vector<1x16xf32> to vector<16xf32>
      %add3A_2367 = arith.addf %add3A_2361, %get3A_2366 : vector<16xf32>
      %get3A_2368 = arith.constant 6 : i32
      %get3A_2369 = arith.index_cast %get3A_2368 : i32 to index
      %get3A_2370 = arith.constant 320 : index
      %get3A_2371 = tpu.vector_load %arg4[%get3A_2369, %get3A_2370] {strides = array<i32>} : memref<8x1000xf32, #tpu.memory_space<vmem>>, vector<1x16xf32>,
      %get3A_2372 = vector.shape_cast %get3A_2371 : vector<1x16xf32> to vector<16xf32>
      %add3A_2373 = arith.addf %add3A_2367, %get3A_2372 : vector<16xf32>
      %get3A_2374 = arith.constant 6 : i32
      %get3A_2375 = arith.index_cast %get3A_2374 : i32 to index
      %get3A_2376 = arith.constant 336 : index
      %get3A_2377 = tpu.vector_load %arg4[%get3A_2375, %get3A_2376] {strides = array<i32>} : memref<8x1000xf32, #tpu.memory_space<vmem>>, vector<1x16xf32>,
      %get3A_2378 = vector.shape_cast %get3A_2377 : vector<1x16xf32> to vector<16xf32>
      %add3A_2379 = arith.addf %add3A_2373, %get3A_2378 : vector<16xf32>
      %get3A_2380 = arith.constant 6 : i32
      %get3A_2381 = arith.index_cast %get3A_2380 : i32 to index
      %get3A_2382 = arith.constant 352 : index
      %get3A_2383 = tpu.vector_load %arg4[%get3A_2381, %get3A_2382] {strides = array<i32>} : memref<8x1000xf32, #tpu.memory_space<vmem>>, vector<1x16xf32>,
      %get3A_2384 = vector.shape_cast %get3A_2383 : vector<1x16xf32> to vector<16xf32>
      %add3A_2385 = arith.addf %add3A_2379, %get3A_2384 : vector<16xf32>
      %get3A_2386 = arith.constant 6 : i32
      %get3A_2387 = arith.index_cast %get3A_2386 : i32 to index
      %get3A_2388 = arith.constant 368 : index
      %get3A_2389 = tpu.vector_load %arg4[%get3A_2387, %get3A_2388] {strides = array<i32>} : memref<8x1000xf32, #tpu.memory_space<vmem>>, vector<1x16xf32>,
      %get3A_2390 = vector.shape_cast %get3A_2389 : vector<1x16xf32> to vector<16xf32>
      %add3A_2391 = arith.addf %add3A_2385, %get3A_2390 : vector<16xf32>
      %get3A_2392 = arith.constant 6 : i32
      %get3A_2393 = arith.index_cast %get3A_2392 : i32 to index
      %get3A_2394 = arith.constant 384 : index
      %get3A_2395 = tpu.vector_load %arg4[%get3A_2393, %get3A_2394] {strides = array<i32>} : memref<8x1000xf32, #tpu.memory_space<vmem>>, vector<1x16xf32>,
      %get3A_2396 = vector.shape_cast %get3A_2395 : vector<1x16xf32> to vector<16xf32>
      %add3A_2397 = arith.addf %add3A_2391, %get3A_2396 : vector<16xf32>
      %get3A_2398 = arith.constant 6 : i32
      %get3A_2399 = arith.index_cast %get3A_2398 : i32 to index
      %get3A_2400 = arith.constant 400 : index
      %get3A_2401 = tpu.vector_load %arg4[%get3A_2399, %get3A_2400] {strides = array<i32>} : memref<8x1000xf32, #tpu.memory_space<vmem>>, vector<1x16xf32>,
      %get3A_2402 = vector.shape_cast %get3A_2401 : vector<1x16xf32> to vector<16xf32>
      %add3A_2403 = arith.addf %add3A_2397, %get3A_2402 : vector<16xf32>
      %get3A_2404 = arith.constant 6 : i32
      %get3A_2405 = arith.index_cast %get3A_2404 : i32 to index
      %get3A_2406 = arith.constant 416 : index
      %get3A_2407 = tpu.vector_load %arg4[%get3A_2405, %get3A_2406] {strides = array<i32>} : memref<8x1000xf32, #tpu.memory_space<vmem>>, vector<1x16xf32>,
      %get3A_2408 = vector.shape_cast %get3A_2407 : vector<1x16xf32> to vector<16xf32>
      %add3A_2409 = arith.addf %add3A_2403, %get3A_2408 : vector<16xf32>
      %get3A_2410 = arith.constant 6 : i32
      %get3A_2411 = arith.index_cast %get3A_2410 : i32 to index
      %get3A_2412 = arith.constant 432 : index
      %get3A_2413 = tpu.vector_load %arg4[%get3A_2411, %get3A_2412] {strides = array<i32>} : memref<8x1000xf32, #tpu.memory_space<vmem>>, vector<1x16xf32>,
      %get3A_2414 = vector.shape_cast %get3A_2413 : vector<1x16xf32> to vector<16xf32>
      %add3A_2415 = arith.addf %add3A_2409, %get3A_2414 : vector<16xf32>
      %get3A_2416 = arith.constant 6 : i32
      %get3A_2417 = arith.index_cast %get3A_2416 : i32 to index
      %get3A_2418 = arith.constant 448 : index
      %get3A_2419 = tpu.vector_load %arg4[%get3A_2417, %get3A_2418] {strides = array<i32>} : memref<8x1000xf32, #tpu.memory_space<vmem>>, vector<1x16xf32>,
      %get3A_2420 = vector.shape_cast %get3A_2419 : vector<1x16xf32> to vector<16xf32>
      %add3A_2421 = arith.addf %add3A_2415, %get3A_2420 : vector<16xf32>
      %get3A_2422 = arith.constant 6 : i32
      %get3A_2423 = arith.index_cast %get3A_2422 : i32 to index
      %get3A_2424 = arith.constant 464 : index
      %get3A_2425 = tpu.vector_load %arg4[%get3A_2423, %get3A_2424] {strides = array<i32>} : memref<8x1000xf32, #tpu.memory_space<vmem>>, vector<1x16xf32>,
      %get3A_2426 = vector.shape_cast %get3A_2425 : vector<1x16xf32> to vector<16xf32>
      %add3A_2427 = arith.addf %add3A_2421, %get3A_2426 : vector<16xf32>
      %get3A_2428 = arith.constant 6 : i32
      %get3A_2429 = arith.index_cast %get3A_2428 : i32 to index
      %get3A_2430 = arith.constant 480 : index
      %get3A_2431 = tpu.vector_load %arg4[%get3A_2429, %get3A_2430] {strides = array<i32>} : memref<8x1000xf32, #tpu.memory_space<vmem>>, vector<1x16xf32>,
      %get3A_2432 = vector.shape_cast %get3A_2431 : vector<1x16xf32> to vector<16xf32>
      %add3A_2433 = arith.addf %add3A_2427, %get3A_2432 : vector<16xf32>
      %get3A_2434 = arith.constant 6 : i32
      %get3A_2435 = arith.index_cast %get3A_2434 : i32 to index
      %get3A_2436 = arith.constant 496 : index
      %get3A_2437 = tpu.vector_load %arg4[%get3A_2435, %get3A_2436] {strides = array<i32>} : memref<8x1000xf32, #tpu.memory_space<vmem>>, vector<1x16xf32>,
      %get3A_2438 = vector.shape_cast %get3A_2437 : vector<1x16xf32> to vector<16xf32>
      %add3A_2439 = arith.addf %add3A_2433, %get3A_2438 : vector<16xf32>
      %get3A_2440 = arith.constant 6 : i32
      %get3A_2441 = arith.index_cast %get3A_2440 : i32 to index
      %get3A_2442 = arith.constant 512 : index
      %get3A_2443 = tpu.vector_load %arg4[%get3A_2441, %get3A_2442] {strides = array<i32>} : memref<8x1000xf32, #tpu.memory_space<vmem>>, vector<1x16xf32>,
      %get3A_2444 = vector.shape_cast %get3A_2443 : vector<1x16xf32> to vector<16xf32>
      %add3A_2445 = arith.addf %add3A_2439, %get3A_2444 : vector<16xf32>
      %get3A_2446 = arith.constant 6 : i32
      %get3A_2447 = arith.index_cast %get3A_2446 : i32 to index
      %get3A_2448 = arith.constant 528 : index
      %get3A_2449 = tpu.vector_load %arg4[%get3A_2447, %get3A_2448] {strides = array<i32>} : memref<8x1000xf32, #tpu.memory_space<vmem>>, vector<1x16xf32>,
      %get3A_2450 = vector.shape_cast %get3A_2449 : vector<1x16xf32> to vector<16xf32>
      %add3A_2451 = arith.addf %add3A_2445, %get3A_2450 : vector<16xf32>
      %get3A_2452 = arith.constant 6 : i32
      %get3A_2453 = arith.index_cast %get3A_2452 : i32 to index
      %get3A_2454 = arith.constant 544 : index
      %get3A_2455 = tpu.vector_load %arg4[%get3A_2453, %get3A_2454] {strides = array<i32>} : memref<8x1000xf32, #tpu.memory_space<vmem>>, vector<1x16xf32>,
      %get3A_2456 = vector.shape_cast %get3A_2455 : vector<1x16xf32> to vector<16xf32>
      %add3A_2457 = arith.addf %add3A_2451, %get3A_2456 : vector<16xf32>
      %get3A_2458 = arith.constant 6 : i32
      %get3A_2459 = arith.index_cast %get3A_2458 : i32 to index
      %get3A_2460 = arith.constant 560 : index
      %get3A_2461 = tpu.vector_load %arg4[%get3A_2459, %get3A_2460] {strides = array<i32>} : memref<8x1000xf32, #tpu.memory_space<vmem>>, vector<1x16xf32>,
      %get3A_2462 = vector.shape_cast %get3A_2461 : vector<1x16xf32> to vector<16xf32>
      %add3A_2463 = arith.addf %add3A_2457, %get3A_2462 : vector<16xf32>
      %get3A_2464 = arith.constant 6 : i32
      %get3A_2465 = arith.index_cast %get3A_2464 : i32 to index
      %get3A_2466 = arith.constant 576 : index
      %get3A_2467 = tpu.vector_load %arg4[%get3A_2465, %get3A_2466] {strides = array<i32>} : memref<8x1000xf32, #tpu.memory_space<vmem>>, vector<1x16xf32>,
      %get3A_2468 = vector.shape_cast %get3A_2467 : vector<1x16xf32> to vector<16xf32>
      %add3A_2469 = arith.addf %add3A_2463, %get3A_2468 : vector<16xf32>
      %get3A_2470 = arith.constant 6 : i32
      %get3A_2471 = arith.index_cast %get3A_2470 : i32 to index
      %get3A_2472 = arith.constant 592 : index
      %get3A_2473 = tpu.vector_load %arg4[%get3A_2471, %get3A_2472] {strides = array<i32>} : memref<8x1000xf32, #tpu.memory_space<vmem>>, vector<1x16xf32>,
      %get3A_2474 = vector.shape_cast %get3A_2473 : vector<1x16xf32> to vector<16xf32>
      %add3A_2475 = arith.addf %add3A_2469, %get3A_2474 : vector<16xf32>
      %get3A_2476 = arith.constant 6 : i32
      %get3A_2477 = arith.index_cast %get3A_2476 : i32 to index
      %get3A_2478 = arith.constant 608 : index
      %get3A_2479 = tpu.vector_load %arg4[%get3A_2477, %get3A_2478] {strides = array<i32>} : memref<8x1000xf32, #tpu.memory_space<vmem>>, vector<1x16xf32>,
      %get3A_2480 = vector.shape_cast %get3A_2479 : vector<1x16xf32> to vector<16xf32>
      %add3A_2481 = arith.addf %add3A_2475, %get3A_2480 : vector<16xf32>
      %get3A_2482 = arith.constant 6 : i32
      %get3A_2483 = arith.index_cast %get3A_2482 : i32 to index
      %get3A_2484 = arith.constant 624 : index
      %get3A_2485 = tpu.vector_load %arg4[%get3A_2483, %get3A_2484] {strides = array<i32>} : memref<8x1000xf32, #tpu.memory_space<vmem>>, vector<1x16xf32>,
      %get3A_2486 = vector.shape_cast %get3A_2485 : vector<1x16xf32> to vector<16xf32>
      %add3A_2487 = arith.addf %add3A_2481, %get3A_2486 : vector<16xf32>
      %get3A_2488 = arith.constant 6 : i32
      %get3A_2489 = arith.index_cast %get3A_2488 : i32 to index
      %get3A_2490 = arith.constant 640 : index
      %get3A_2491 = tpu.vector_load %arg4[%get3A_2489, %get3A_2490] {strides = array<i32>} : memref<8x1000xf32, #tpu.memory_space<vmem>>, vector<1x16xf32>,
      %get3A_2492 = vector.shape_cast %get3A_2491 : vector<1x16xf32> to vector<16xf32>
      %add3A_2493 = arith.addf %add3A_2487, %get3A_2492 : vector<16xf32>
      %get3A_2494 = arith.constant 6 : i32
      %get3A_2495 = arith.index_cast %get3A_2494 : i32 to index
      %get3A_2496 = arith.constant 656 : index
      %get3A_2497 = tpu.vector_load %arg4[%get3A_2495, %get3A_2496] {strides = array<i32>} : memref<8x1000xf32, #tpu.memory_space<vmem>>, vector<1x16xf32>,
      %get3A_2498 = vector.shape_cast %get3A_2497 : vector<1x16xf32> to vector<16xf32>
      %add3A_2499 = arith.addf %add3A_2493, %get3A_2498 : vector<16xf32>
      %get3A_2500 = arith.constant 6 : i32
      %get3A_2501 = arith.index_cast %get3A_2500 : i32 to index
      %get3A_2502 = arith.constant 672 : index
      %get3A_2503 = tpu.vector_load %arg4[%get3A_2501, %get3A_2502] {strides = array<i32>} : memref<8x1000xf32, #tpu.memory_space<vmem>>, vector<1x16xf32>,
      %get3A_2504 = vector.shape_cast %get3A_2503 : vector<1x16xf32> to vector<16xf32>
      %add3A_2505 = arith.addf %add3A_2499, %get3A_2504 : vector<16xf32>
      %get3A_2506 = arith.constant 6 : i32
      %get3A_2507 = arith.index_cast %get3A_2506 : i32 to index
      %get3A_2508 = arith.constant 688 : index
      %get3A_2509 = tpu.vector_load %arg4[%get3A_2507, %get3A_2508] {strides = array<i32>} : memref<8x1000xf32, #tpu.memory_space<vmem>>, vector<1x16xf32>,
      %get3A_2510 = vector.shape_cast %get3A_2509 : vector<1x16xf32> to vector<16xf32>
      %add3A_2511 = arith.addf %add3A_2505, %get3A_2510 : vector<16xf32>
      %get3A_2512 = arith.constant 6 : i32
      %get3A_2513 = arith.index_cast %get3A_2512 : i32 to index
      %get3A_2514 = arith.constant 704 : index
      %get3A_2515 = tpu.vector_load %arg4[%get3A_2513, %get3A_2514] {strides = array<i32>} : memref<8x1000xf32, #tpu.memory_space<vmem>>, vector<1x16xf32>,
      %get3A_2516 = vector.shape_cast %get3A_2515 : vector<1x16xf32> to vector<16xf32>
      %add3A_2517 = arith.addf %add3A_2511, %get3A_2516 : vector<16xf32>
      %get3A_2518 = arith.constant 6 : i32
      %get3A_2519 = arith.index_cast %get3A_2518 : i32 to index
      %get3A_2520 = arith.constant 720 : index
      %get3A_2521 = tpu.vector_load %arg4[%get3A_2519, %get3A_2520] {strides = array<i32>} : memref<8x1000xf32, #tpu.memory_space<vmem>>, vector<1x16xf32>,
      %get3A_2522 = vector.shape_cast %get3A_2521 : vector<1x16xf32> to vector<16xf32>
      %add3A_2523 = arith.addf %add3A_2517, %get3A_2522 : vector<16xf32>
      %get3A_2524 = arith.constant 6 : i32
      %get3A_2525 = arith.index_cast %get3A_2524 : i32 to index
      %get3A_2526 = arith.constant 736 : index
      %get3A_2527 = tpu.vector_load %arg4[%get3A_2525, %get3A_2526] {strides = array<i32>} : memref<8x1000xf32, #tpu.memory_space<vmem>>, vector<1x16xf32>,
      %get3A_2528 = vector.shape_cast %get3A_2527 : vector<1x16xf32> to vector<16xf32>
      %add3A_2529 = arith.addf %add3A_2523, %get3A_2528 : vector<16xf32>
      %get3A_2530 = arith.constant 6 : i32
      %get3A_2531 = arith.index_cast %get3A_2530 : i32 to index
      %get3A_2532 = arith.constant 752 : index
      %get3A_2533 = tpu.vector_load %arg4[%get3A_2531, %get3A_2532] {strides = array<i32>} : memref<8x1000xf32, #tpu.memory_space<vmem>>, vector<1x16xf32>,
      %get3A_2534 = vector.shape_cast %get3A_2533 : vector<1x16xf32> to vector<16xf32>
      %add3A_2535 = arith.addf %add3A_2529, %get3A_2534 : vector<16xf32>
      %get3A_2536 = arith.constant 6 : i32
      %get3A_2537 = arith.index_cast %get3A_2536 : i32 to index
      %get3A_2538 = arith.constant 768 : index
      %get3A_2539 = tpu.vector_load %arg4[%get3A_2537, %get3A_2538] {strides = array<i32>} : memref<8x1000xf32, #tpu.memory_space<vmem>>, vector<1x16xf32>,
      %get3A_2540 = vector.shape_cast %get3A_2539 : vector<1x16xf32> to vector<16xf32>
      %add3A_2541 = arith.addf %add3A_2535, %get3A_2540 : vector<16xf32>
      %get3A_2542 = arith.constant 6 : i32
      %get3A_2543 = arith.index_cast %get3A_2542 : i32 to index
      %get3A_2544 = arith.constant 784 : index
      %get3A_2545 = tpu.vector_load %arg4[%get3A_2543, %get3A_2544] {strides = array<i32>} : memref<8x1000xf32, #tpu.memory_space<vmem>>, vector<1x16xf32>,
      %get3A_2546 = vector.shape_cast %get3A_2545 : vector<1x16xf32> to vector<16xf32>
      %add3A_2547 = arith.addf %add3A_2541, %get3A_2546 : vector<16xf32>
      %get3A_2548 = arith.constant 6 : i32
      %get3A_2549 = arith.index_cast %get3A_2548 : i32 to index
      %get3A_2550 = arith.constant 800 : index
      %get3A_2551 = tpu.vector_load %arg4[%get3A_2549, %get3A_2550] {strides = array<i32>} : memref<8x1000xf32, #tpu.memory_space<vmem>>, vector<1x16xf32>,
      %get3A_2552 = vector.shape_cast %get3A_2551 : vector<1x16xf32> to vector<16xf32>
      %add3A_2553 = arith.addf %add3A_2547, %get3A_2552 : vector<16xf32>
      %get3A_2554 = arith.constant 6 : i32
      %get3A_2555 = arith.index_cast %get3A_2554 : i32 to index
      %get3A_2556 = arith.constant 816 : index
      %get3A_2557 = tpu.vector_load %arg4[%get3A_2555, %get3A_2556] {strides = array<i32>} : memref<8x1000xf32, #tpu.memory_space<vmem>>, vector<1x16xf32>,
      %get3A_2558 = vector.shape_cast %get3A_2557 : vector<1x16xf32> to vector<16xf32>
      %add3A_2559 = arith.addf %add3A_2553, %get3A_2558 : vector<16xf32>
      %get3A_2560 = arith.constant 6 : i32
      %get3A_2561 = arith.index_cast %get3A_2560 : i32 to index
      %get3A_2562 = arith.constant 832 : index
      %get3A_2563 = tpu.vector_load %arg4[%get3A_2561, %get3A_2562] {strides = array<i32>} : memref<8x1000xf32, #tpu.memory_space<vmem>>, vector<1x16xf32>,
      %get3A_2564 = vector.shape_cast %get3A_2563 : vector<1x16xf32> to vector<16xf32>
      %add3A_2565 = arith.addf %add3A_2559, %get3A_2564 : vector<16xf32>
      %get3A_2566 = arith.constant 6 : i32
      %get3A_2567 = arith.index_cast %get3A_2566 : i32 to index
      %get3A_2568 = arith.constant 848 : index
      %get3A_2569 = tpu.vector_load %arg4[%get3A_2567, %get3A_2568] {strides = array<i32>} : memref<8x1000xf32, #tpu.memory_space<vmem>>, vector<1x16xf32>,
      %get3A_2570 = vector.shape_cast %get3A_2569 : vector<1x16xf32> to vector<16xf32>
      %add3A_2571 = arith.addf %add3A_2565, %get3A_2570 : vector<16xf32>
      %get3A_2572 = arith.constant 6 : i32
      %get3A_2573 = arith.index_cast %get3A_2572 : i32 to index
      %get3A_2574 = arith.constant 864 : index
      %get3A_2575 = tpu.vector_load %arg4[%get3A_2573, %get3A_2574] {strides = array<i32>} : memref<8x1000xf32, #tpu.memory_space<vmem>>, vector<1x16xf32>,
      %get3A_2576 = vector.shape_cast %get3A_2575 : vector<1x16xf32> to vector<16xf32>
      %add3A_2577 = arith.addf %add3A_2571, %get3A_2576 : vector<16xf32>
      %get3A_2578 = arith.constant 6 : i32
      %get3A_2579 = arith.index_cast %get3A_2578 : i32 to index
      %get3A_2580 = arith.constant 880 : index
      %get3A_2581 = tpu.vector_load %arg4[%get3A_2579, %get3A_2580] {strides = array<i32>} : memref<8x1000xf32, #tpu.memory_space<vmem>>, vector<1x16xf32>,
      %get3A_2582 = vector.shape_cast %get3A_2581 : vector<1x16xf32> to vector<16xf32>
      %add3A_2583 = arith.addf %add3A_2577, %get3A_2582 : vector<16xf32>
      %get3A_2584 = arith.constant 6 : i32
      %get3A_2585 = arith.index_cast %get3A_2584 : i32 to index
      %get3A_2586 = arith.constant 896 : index
      %get3A_2587 = tpu.vector_load %arg4[%get3A_2585, %get3A_2586] {strides = array<i32>} : memref<8x1000xf32, #tpu.memory_space<vmem>>, vector<1x16xf32>,
      %get3A_2588 = vector.shape_cast %get3A_2587 : vector<1x16xf32> to vector<16xf32>
      %add3A_2589 = arith.addf %add3A_2583, %get3A_2588 : vector<16xf32>
      %get3A_2590 = arith.constant 6 : i32
      %get3A_2591 = arith.index_cast %get3A_2590 : i32 to index
      %get3A_2592 = arith.constant 912 : index
      %get3A_2593 = tpu.vector_load %arg4[%get3A_2591, %get3A_2592] {strides = array<i32>} : memref<8x1000xf32, #tpu.memory_space<vmem>>, vector<1x16xf32>,
      %get3A_2594 = vector.shape_cast %get3A_2593 : vector<1x16xf32> to vector<16xf32>
      %add3A_2595 = arith.addf %add3A_2589, %get3A_2594 : vector<16xf32>
      %get3A_2596 = arith.constant 6 : i32
      %get3A_2597 = arith.index_cast %get3A_2596 : i32 to index
      %get3A_2598 = arith.constant 928 : index
      %get3A_2599 = tpu.vector_load %arg4[%get3A_2597, %get3A_2598] {strides = array<i32>} : memref<8x1000xf32, #tpu.memory_space<vmem>>, vector<1x16xf32>,
      %get3A_2600 = vector.shape_cast %get3A_2599 : vector<1x16xf32> to vector<16xf32>
      %add3A_2601 = arith.addf %add3A_2595, %get3A_2600 : vector<16xf32>
      %get3A_2602 = arith.constant 6 : i32
      %get3A_2603 = arith.index_cast %get3A_2602 : i32 to index
      %get3A_2604 = arith.constant 944 : index
      %get3A_2605 = tpu.vector_load %arg4[%get3A_2603, %get3A_2604] {strides = array<i32>} : memref<8x1000xf32, #tpu.memory_space<vmem>>, vector<1x16xf32>,
      %get3A_2606 = vector.shape_cast %get3A_2605 : vector<1x16xf32> to vector<16xf32>
      %add3A_2607 = arith.addf %add3A_2601, %get3A_2606 : vector<16xf32>
      %get3A_2608 = arith.constant 6 : i32
      %get3A_2609 = arith.index_cast %get3A_2608 : i32 to index
      %get3A_2610 = arith.constant 960 : index
      %get3A_2611 = tpu.vector_load %arg4[%get3A_2609, %get3A_2610] {strides = array<i32>} : memref<8x1000xf32, #tpu.memory_space<vmem>>, vector<1x16xf32>,
      %get3A_2612 = vector.shape_cast %get3A_2611 : vector<1x16xf32> to vector<16xf32>
      %add3A_2613 = arith.addf %add3A_2607, %get3A_2612 : vector<16xf32>
      %get3A_2614 = arith.constant 6 : i32
      %get3A_2615 = arith.index_cast %get3A_2614 : i32 to index
      %get3A_2616 = arith.constant 976 : index
      %get3A_2617 = tpu.vector_load %arg4[%get3A_2615, %get3A_2616] {strides = array<i32>} : memref<8x1000xf32, #tpu.memory_space<vmem>>, vector<1x16xf32>,
      %get3A_2618 = vector.shape_cast %get3A_2617 : vector<1x16xf32> to vector<16xf32>
      %add3A_2619 = arith.addf %add3A_2613, %get3A_2618 : vector<16xf32>
      %get3A_2620 = arith.constant 7 : i32
      %get3A_2621 = arith.index_cast %get3A_2620 : i32 to index
      %get3A_2622 = arith.constant 0 : index
      %get3A_2623 = tpu.vector_load %arg4[%get3A_2621, %get3A_2622] {strides = array<i32>} : memref<8x1000xf32, #tpu.memory_space<vmem>>, vector<1x16xf32>,
      %get3A_2624 = vector.shape_cast %get3A_2623 : vector<1x16xf32> to vector<16xf32>
      %add3A_2625 = arith.addf %add3A_2619, %get3A_2624 : vector<16xf32>
      %get3A_2626 = arith.constant 7 : i32
      %get3A_2627 = arith.index_cast %get3A_2626 : i32 to index
      %get3A_2628 = arith.constant 16 : index
      %get3A_2629 = tpu.vector_load %arg4[%get3A_2627, %get3A_2628] {strides = array<i32>} : memref<8x1000xf32, #tpu.memory_space<vmem>>, vector<1x16xf32>,
      %get3A_2630 = vector.shape_cast %get3A_2629 : vector<1x16xf32> to vector<16xf32>
      %add3A_2631 = arith.addf %add3A_2625, %get3A_2630 : vector<16xf32>
      %get3A_2632 = arith.constant 7 : i32
      %get3A_2633 = arith.index_cast %get3A_2632 : i32 to index
      %get3A_2634 = arith.constant 32 : index
      %get3A_2635 = tpu.vector_load %arg4[%get3A_2633, %get3A_2634] {strides = array<i32>} : memref<8x1000xf32, #tpu.memory_space<vmem>>, vector<1x16xf32>,
      %get3A_2636 = vector.shape_cast %get3A_2635 : vector<1x16xf32> to vector<16xf32>
      %add3A_2637 = arith.addf %add3A_2631, %get3A_2636 : vector<16xf32>
      %get3A_2638 = arith.constant 7 : i32
      %get3A_2639 = arith.index_cast %get3A_2638 : i32 to index
      %get3A_2640 = arith.constant 48 : index
      %get3A_2641 = tpu.vector_load %arg4[%get3A_2639, %get3A_2640] {strides = array<i32>} : memref<8x1000xf32, #tpu.memory_space<vmem>>, vector<1x16xf32>,
      %get3A_2642 = vector.shape_cast %get3A_2641 : vector<1x16xf32> to vector<16xf32>
      %add3A_2643 = arith.addf %add3A_2637, %get3A_2642 : vector<16xf32>
      %get3A_2644 = arith.constant 7 : i32
      %get3A_2645 = arith.index_cast %get3A_2644 : i32 to index
      %get3A_2646 = arith.constant 64 : index
      %get3A_2647 = tpu.vector_load %arg4[%get3A_2645, %get3A_2646] {strides = array<i32>} : memref<8x1000xf32, #tpu.memory_space<vmem>>, vector<1x16xf32>,
      %get3A_2648 = vector.shape_cast %get3A_2647 : vector<1x16xf32> to vector<16xf32>
      %add3A_2649 = arith.addf %add3A_2643, %get3A_2648 : vector<16xf32>
      %get3A_2650 = arith.constant 7 : i32
      %get3A_2651 = arith.index_cast %get3A_2650 : i32 to index
      %get3A_2652 = arith.constant 80 : index
      %get3A_2653 = tpu.vector_load %arg4[%get3A_2651, %get3A_2652] {strides = array<i32>} : memref<8x1000xf32, #tpu.memory_space<vmem>>, vector<1x16xf32>,
      %get3A_2654 = vector.shape_cast %get3A_2653 : vector<1x16xf32> to vector<16xf32>
      %add3A_2655 = arith.addf %add3A_2649, %get3A_2654 : vector<16xf32>
      %get3A_2656 = arith.constant 7 : i32
      %get3A_2657 = arith.index_cast %get3A_2656 : i32 to index
      %get3A_2658 = arith.constant 96 : index
      %get3A_2659 = tpu.vector_load %arg4[%get3A_2657, %get3A_2658] {strides = array<i32>} : memref<8x1000xf32, #tpu.memory_space<vmem>>, vector<1x16xf32>,
      %get3A_2660 = vector.shape_cast %get3A_2659 : vector<1x16xf32> to vector<16xf32>
      %add3A_2661 = arith.addf %add3A_2655, %get3A_2660 : vector<16xf32>
      %get3A_2662 = arith.constant 7 : i32
      %get3A_2663 = arith.index_cast %get3A_2662 : i32 to index
      %get3A_2664 = arith.constant 112 : index
      %get3A_2665 = tpu.vector_load %arg4[%get3A_2663, %get3A_2664] {strides = array<i32>} : memref<8x1000xf32, #tpu.memory_space<vmem>>, vector<1x16xf32>,
      %get3A_2666 = vector.shape_cast %get3A_2665 : vector<1x16xf32> to vector<16xf32>
      %add3A_2667 = arith.addf %add3A_2661, %get3A_2666 : vector<16xf32>
      %get3A_2668 = arith.constant 7 : i32
      %get3A_2669 = arith.index_cast %get3A_2668 : i32 to index
      %get3A_2670 = arith.constant 128 : index
      %get3A_2671 = tpu.vector_load %arg4[%get3A_2669, %get3A_2670] {strides = array<i32>} : memref<8x1000xf32, #tpu.memory_space<vmem>>, vector<1x16xf32>,
      %get3A_2672 = vector.shape_cast %get3A_2671 : vector<1x16xf32> to vector<16xf32>
      %add3A_2673 = arith.addf %add3A_2667, %get3A_2672 : vector<16xf32>
      %get3A_2674 = arith.constant 7 : i32
      %get3A_2675 = arith.index_cast %get3A_2674 : i32 to index
      %get3A_2676 = arith.constant 144 : index
      %get3A_2677 = tpu.vector_load %arg4[%get3A_2675, %get3A_2676] {strides = array<i32>} : memref<8x1000xf32, #tpu.memory_space<vmem>>, vector<1x16xf32>,
      %get3A_2678 = vector.shape_cast %get3A_2677 : vector<1x16xf32> to vector<16xf32>
      %add3A_2679 = arith.addf %add3A_2673, %get3A_2678 : vector<16xf32>
      %get3A_2680 = arith.constant 7 : i32
      %get3A_2681 = arith.index_cast %get3A_2680 : i32 to index
      %get3A_2682 = arith.constant 160 : index
      %get3A_2683 = tpu.vector_load %arg4[%get3A_2681, %get3A_2682] {strides = array<i32>} : memref<8x1000xf32, #tpu.memory_space<vmem>>, vector<1x16xf32>,
      %get3A_2684 = vector.shape_cast %get3A_2683 : vector<1x16xf32> to vector<16xf32>
      %add3A_2685 = arith.addf %add3A_2679, %get3A_2684 : vector<16xf32>
      %get3A_2686 = arith.constant 7 : i32
      %get3A_2687 = arith.index_cast %get3A_2686 : i32 to index
      %get3A_2688 = arith.constant 176 : index
      %get3A_2689 = tpu.vector_load %arg4[%get3A_2687, %get3A_2688] {strides = array<i32>} : memref<8x1000xf32, #tpu.memory_space<vmem>>, vector<1x16xf32>,
      %get3A_2690 = vector.shape_cast %get3A_2689 : vector<1x16xf32> to vector<16xf32>
      %add3A_2691 = arith.addf %add3A_2685, %get3A_2690 : vector<16xf32>
      %get3A_2692 = arith.constant 7 : i32
      %get3A_2693 = arith.index_cast %get3A_2692 : i32 to index
      %get3A_2694 = arith.constant 192 : index
      %get3A_2695 = tpu.vector_load %arg4[%get3A_2693, %get3A_2694] {strides = array<i32>} : memref<8x1000xf32, #tpu.memory_space<vmem>>, vector<1x16xf32>,
      %get3A_2696 = vector.shape_cast %get3A_2695 : vector<1x16xf32> to vector<16xf32>
      %add3A_2697 = arith.addf %add3A_2691, %get3A_2696 : vector<16xf32>
      %get3A_2698 = arith.constant 7 : i32
      %get3A_2699 = arith.index_cast %get3A_2698 : i32 to index
      %get3A_2700 = arith.constant 208 : index
      %get3A_2701 = tpu.vector_load %arg4[%get3A_2699, %get3A_2700] {strides = array<i32>} : memref<8x1000xf32, #tpu.memory_space<vmem>>, vector<1x16xf32>,
      %get3A_2702 = vector.shape_cast %get3A_2701 : vector<1x16xf32> to vector<16xf32>
      %add3A_2703 = arith.addf %add3A_2697, %get3A_2702 : vector<16xf32>
      %get3A_2704 = arith.constant 7 : i32
      %get3A_2705 = arith.index_cast %get3A_2704 : i32 to index
      %get3A_2706 = arith.constant 224 : index
      %get3A_2707 = tpu.vector_load %arg4[%get3A_2705, %get3A_2706] {strides = array<i32>} : memref<8x1000xf32, #tpu.memory_space<vmem>>, vector<1x16xf32>,
      %get3A_2708 = vector.shape_cast %get3A_2707 : vector<1x16xf32> to vector<16xf32>
      %add3A_2709 = arith.addf %add3A_2703, %get3A_2708 : vector<16xf32>
      %get3A_2710 = arith.constant 7 : i32
      %get3A_2711 = arith.index_cast %get3A_2710 : i32 to index
      %get3A_2712 = arith.constant 240 : index
      %get3A_2713 = tpu.vector_load %arg4[%get3A_2711, %get3A_2712] {strides = array<i32>} : memref<8x1000xf32, #tpu.memory_space<vmem>>, vector<1x16xf32>,
      %get3A_2714 = vector.shape_cast %get3A_2713 : vector<1x16xf32> to vector<16xf32>
      %add3A_2715 = arith.addf %add3A_2709, %get3A_2714 : vector<16xf32>
      %get3A_2716 = arith.constant 7 : i32
      %get3A_2717 = arith.index_cast %get3A_2716 : i32 to index
      %get3A_2718 = arith.constant 256 : index
      %get3A_2719 = tpu.vector_load %arg4[%get3A_2717, %get3A_2718] {strides = array<i32>} : memref<8x1000xf32, #tpu.memory_space<vmem>>, vector<1x16xf32>,
      %get3A_2720 = vector.shape_cast %get3A_2719 : vector<1x16xf32> to vector<16xf32>
      %add3A_2721 = arith.addf %add3A_2715, %get3A_2720 : vector<16xf32>
      %get3A_2722 = arith.constant 7 : i32
      %get3A_2723 = arith.index_cast %get3A_2722 : i32 to index
      %get3A_2724 = arith.constant 272 : index
      %get3A_2725 = tpu.vector_load %arg4[%get3A_2723, %get3A_2724] {strides = array<i32>} : memref<8x1000xf32, #tpu.memory_space<vmem>>, vector<1x16xf32>,
      %get3A_2726 = vector.shape_cast %get3A_2725 : vector<1x16xf32> to vector<16xf32>
      %add3A_2727 = arith.addf %add3A_2721, %get3A_2726 : vector<16xf32>
      %get3A_2728 = arith.constant 7 : i32
      %get3A_2729 = arith.index_cast %get3A_2728 : i32 to index
      %get3A_2730 = arith.constant 288 : index
      %get3A_2731 = tpu.vector_load %arg4[%get3A_2729, %get3A_2730] {strides = array<i32>} : memref<8x1000xf32, #tpu.memory_space<vmem>>, vector<1x16xf32>,
      %get3A_2732 = vector.shape_cast %get3A_2731 : vector<1x16xf32> to vector<16xf32>
      %add3A_2733 = arith.addf %add3A_2727, %get3A_2732 : vector<16xf32>
      %get3A_2734 = arith.constant 7 : i32
      %get3A_2735 = arith.index_cast %get3A_2734 : i32 to index
      %get3A_2736 = arith.constant 304 : index
      %get3A_2737 = tpu.vector_load %arg4[%get3A_2735, %get3A_2736] {strides = array<i32>} : memref<8x1000xf32, #tpu.memory_space<vmem>>, vector<1x16xf32>,
      %get3A_2738 = vector.shape_cast %get3A_2737 : vector<1x16xf32> to vector<16xf32>
      %add3A_2739 = arith.addf %add3A_2733, %get3A_2738 : vector<16xf32>
      %get3A_2740 = arith.constant 7 : i32
      %get3A_2741 = arith.index_cast %get3A_2740 : i32 to index
      %get3A_2742 = arith.constant 320 : index
      %get3A_2743 = tpu.vector_load %arg4[%get3A_2741, %get3A_2742] {strides = array<i32>} : memref<8x1000xf32, #tpu.memory_space<vmem>>, vector<1x16xf32>,
      %get3A_2744 = vector.shape_cast %get3A_2743 : vector<1x16xf32> to vector<16xf32>
      %add3A_2745 = arith.addf %add3A_2739, %get3A_2744 : vector<16xf32>
      %get3A_2746 = arith.constant 7 : i32
      %get3A_2747 = arith.index_cast %get3A_2746 : i32 to index
      %get3A_2748 = arith.constant 336 : index
      %get3A_2749 = tpu.vector_load %arg4[%get3A_2747, %get3A_2748] {strides = array<i32>} : memref<8x1000xf32, #tpu.memory_space<vmem>>, vector<1x16xf32>,
      %get3A_2750 = vector.shape_cast %get3A_2749 : vector<1x16xf32> to vector<16xf32>
      %add3A_2751 = arith.addf %add3A_2745, %get3A_2750 : vector<16xf32>
      %get3A_2752 = arith.constant 7 : i32
      %get3A_2753 = arith.index_cast %get3A_2752 : i32 to index
      %get3A_2754 = arith.constant 352 : index
      %get3A_2755 = tpu.vector_load %arg4[%get3A_2753, %get3A_2754] {strides = array<i32>} : memref<8x1000xf32, #tpu.memory_space<vmem>>, vector<1x16xf32>,
      %get3A_2756 = vector.shape_cast %get3A_2755 : vector<1x16xf32> to vector<16xf32>
      %add3A_2757 = arith.addf %add3A_2751, %get3A_2756 : vector<16xf32>
      %get3A_2758 = arith.constant 7 : i32
      %get3A_2759 = arith.index_cast %get3A_2758 : i32 to index
      %get3A_2760 = arith.constant 368 : index
      %get3A_2761 = tpu.vector_load %arg4[%get3A_2759, %get3A_2760] {strides = array<i32>} : memref<8x1000xf32, #tpu.memory_space<vmem>>, vector<1x16xf32>,
      %get3A_2762 = vector.shape_cast %get3A_2761 : vector<1x16xf32> to vector<16xf32>
      %add3A_2763 = arith.addf %add3A_2757, %get3A_2762 : vector<16xf32>
      %get3A_2764 = arith.constant 7 : i32
      %get3A_2765 = arith.index_cast %get3A_2764 : i32 to index
      %get3A_2766 = arith.constant 384 : index
      %get3A_2767 = tpu.vector_load %arg4[%get3A_2765, %get3A_2766] {strides = array<i32>} : memref<8x1000xf32, #tpu.memory_space<vmem>>, vector<1x16xf32>,
      %get3A_2768 = vector.shape_cast %get3A_2767 : vector<1x16xf32> to vector<16xf32>
      %add3A_2769 = arith.addf %add3A_2763, %get3A_2768 : vector<16xf32>
      %get3A_2770 = arith.constant 7 : i32
      %get3A_2771 = arith.index_cast %get3A_2770 : i32 to index
      %get3A_2772 = arith.constant 400 : index
      %get3A_2773 = tpu.vector_load %arg4[%get3A_2771, %get3A_2772] {strides = array<i32>} : memref<8x1000xf32, #tpu.memory_space<vmem>>, vector<1x16xf32>,
      %get3A_2774 = vector.shape_cast %get3A_2773 : vector<1x16xf32> to vector<16xf32>
      %add3A_2775 = arith.addf %add3A_2769, %get3A_2774 : vector<16xf32>
      %get3A_2776 = arith.constant 7 : i32
      %get3A_2777 = arith.index_cast %get3A_2776 : i32 to index
      %get3A_2778 = arith.constant 416 : index
      %get3A_2779 = tpu.vector_load %arg4[%get3A_2777, %get3A_2778] {strides = array<i32>} : memref<8x1000xf32, #tpu.memory_space<vmem>>, vector<1x16xf32>,
      %get3A_2780 = vector.shape_cast %get3A_2779 : vector<1x16xf32> to vector<16xf32>
      %add3A_2781 = arith.addf %add3A_2775, %get3A_2780 : vector<16xf32>
      %get3A_2782 = arith.constant 7 : i32
      %get3A_2783 = arith.index_cast %get3A_2782 : i32 to index
      %get3A_2784 = arith.constant 432 : index
      %get3A_2785 = tpu.vector_load %arg4[%get3A_2783, %get3A_2784] {strides = array<i32>} : memref<8x1000xf32, #tpu.memory_space<vmem>>, vector<1x16xf32>,
      %get3A_2786 = vector.shape_cast %get3A_2785 : vector<1x16xf32> to vector<16xf32>
      %add3A_2787 = arith.addf %add3A_2781, %get3A_2786 : vector<16xf32>
      %get3A_2788 = arith.constant 7 : i32
      %get3A_2789 = arith.index_cast %get3A_2788 : i32 to index
      %get3A_2790 = arith.constant 448 : index
      %get3A_2791 = tpu.vector_load %arg4[%get3A_2789, %get3A_2790] {strides = array<i32>} : memref<8x1000xf32, #tpu.memory_space<vmem>>, vector<1x16xf32>,
      %get3A_2792 = vector.shape_cast %get3A_2791 : vector<1x16xf32> to vector<16xf32>
      %add3A_2793 = arith.addf %add3A_2787, %get3A_2792 : vector<16xf32>
      %get3A_2794 = arith.constant 7 : i32
      %get3A_2795 = arith.index_cast %get3A_2794 : i32 to index
      %get3A_2796 = arith.constant 464 : index
      %get3A_2797 = tpu.vector_load %arg4[%get3A_2795, %get3A_2796] {strides = array<i32>} : memref<8x1000xf32, #tpu.memory_space<vmem>>, vector<1x16xf32>,
      %get3A_2798 = vector.shape_cast %get3A_2797 : vector<1x16xf32> to vector<16xf32>
      %add3A_2799 = arith.addf %add3A_2793, %get3A_2798 : vector<16xf32>
      %get3A_2800 = arith.constant 7 : i32
      %get3A_2801 = arith.index_cast %get3A_2800 : i32 to index
      %get3A_2802 = arith.constant 480 : index
      %get3A_2803 = tpu.vector_load %arg4[%get3A_2801, %get3A_2802] {strides = array<i32>} : memref<8x1000xf32, #tpu.memory_space<vmem>>, vector<1x16xf32>,
      %get3A_2804 = vector.shape_cast %get3A_2803 : vector<1x16xf32> to vector<16xf32>
      %add3A_2805 = arith.addf %add3A_2799, %get3A_2804 : vector<16xf32>
      %get3A_2806 = arith.constant 7 : i32
      %get3A_2807 = arith.index_cast %get3A_2806 : i32 to index
      %get3A_2808 = arith.constant 496 : index
      %get3A_2809 = tpu.vector_load %arg4[%get3A_2807, %get3A_2808] {strides = array<i32>} : memref<8x1000xf32, #tpu.memory_space<vmem>>, vector<1x16xf32>,
      %get3A_2810 = vector.shape_cast %get3A_2809 : vector<1x16xf32> to vector<16xf32>
      %add3A_2811 = arith.addf %add3A_2805, %get3A_2810 : vector<16xf32>
      %get3A_2812 = arith.constant 7 : i32
      %get3A_2813 = arith.index_cast %get3A_2812 : i32 to index
      %get3A_2814 = arith.constant 512 : index
      %get3A_2815 = tpu.vector_load %arg4[%get3A_2813, %get3A_2814] {strides = array<i32>} : memref<8x1000xf32, #tpu.memory_space<vmem>>, vector<1x16xf32>,
      %get3A_2816 = vector.shape_cast %get3A_2815 : vector<1x16xf32> to vector<16xf32>
      %add3A_2817 = arith.addf %add3A_2811, %get3A_2816 : vector<16xf32>
      %get3A_2818 = arith.constant 7 : i32
      %get3A_2819 = arith.index_cast %get3A_2818 : i32 to index
      %get3A_2820 = arith.constant 528 : index
      %get3A_2821 = tpu.vector_load %arg4[%get3A_2819, %get3A_2820] {strides = array<i32>} : memref<8x1000xf32, #tpu.memory_space<vmem>>, vector<1x16xf32>,
      %get3A_2822 = vector.shape_cast %get3A_2821 : vector<1x16xf32> to vector<16xf32>
      %add3A_2823 = arith.addf %add3A_2817, %get3A_2822 : vector<16xf32>
      %get3A_2824 = arith.constant 7 : i32
      %get3A_2825 = arith.index_cast %get3A_2824 : i32 to index
      %get3A_2826 = arith.constant 544 : index
      %get3A_2827 = tpu.vector_load %arg4[%get3A_2825, %get3A_2826] {strides = array<i32>} : memref<8x1000xf32, #tpu.memory_space<vmem>>, vector<1x16xf32>,
      %get3A_2828 = vector.shape_cast %get3A_2827 : vector<1x16xf32> to vector<16xf32>
      %add3A_2829 = arith.addf %add3A_2823, %get3A_2828 : vector<16xf32>
      %get3A_2830 = arith.constant 7 : i32
      %get3A_2831 = arith.index_cast %get3A_2830 : i32 to index
      %get3A_2832 = arith.constant 560 : index
      %get3A_2833 = tpu.vector_load %arg4[%get3A_2831, %get3A_2832] {strides = array<i32>} : memref<8x1000xf32, #tpu.memory_space<vmem>>, vector<1x16xf32>,
      %get3A_2834 = vector.shape_cast %get3A_2833 : vector<1x16xf32> to vector<16xf32>
      %add3A_2835 = arith.addf %add3A_2829, %get3A_2834 : vector<16xf32>
      %get3A_2836 = arith.constant 7 : i32
      %get3A_2837 = arith.index_cast %get3A_2836 : i32 to index
      %get3A_2838 = arith.constant 576 : index
      %get3A_2839 = tpu.vector_load %arg4[%get3A_2837, %get3A_2838] {strides = array<i32>} : memref<8x1000xf32, #tpu.memory_space<vmem>>, vector<1x16xf32>,
      %get3A_2840 = vector.shape_cast %get3A_2839 : vector<1x16xf32> to vector<16xf32>
      %add3A_2841 = arith.addf %add3A_2835, %get3A_2840 : vector<16xf32>
      %get3A_2842 = arith.constant 7 : i32
      %get3A_2843 = arith.index_cast %get3A_2842 : i32 to index
      %get3A_2844 = arith.constant 592 : index
      %get3A_2845 = tpu.vector_load %arg4[%get3A_2843, %get3A_2844] {strides = array<i32>} : memref<8x1000xf32, #tpu.memory_space<vmem>>, vector<1x16xf32>,
      %get3A_2846 = vector.shape_cast %get3A_2845 : vector<1x16xf32> to vector<16xf32>
      %add3A_2847 = arith.addf %add3A_2841, %get3A_2846 : vector<16xf32>
      %get3A_2848 = arith.constant 7 : i32
      %get3A_2849 = arith.index_cast %get3A_2848 : i32 to index
      %get3A_2850 = arith.constant 608 : index
      %get3A_2851 = tpu.vector_load %arg4[%get3A_2849, %get3A_2850] {strides = array<i32>} : memref<8x1000xf32, #tpu.memory_space<vmem>>, vector<1x16xf32>,
      %get3A_2852 = vector.shape_cast %get3A_2851 : vector<1x16xf32> to vector<16xf32>
      %add3A_2853 = arith.addf %add3A_2847, %get3A_2852 : vector<16xf32>
      %get3A_2854 = arith.constant 7 : i32
      %get3A_2855 = arith.index_cast %get3A_2854 : i32 to index
      %get3A_2856 = arith.constant 624 : index
      %get3A_2857 = tpu.vector_load %arg4[%get3A_2855, %get3A_2856] {strides = array<i32>} : memref<8x1000xf32, #tpu.memory_space<vmem>>, vector<1x16xf32>,
      %get3A_2858 = vector.shape_cast %get3A_2857 : vector<1x16xf32> to vector<16xf32>
      %add3A_2859 = arith.addf %add3A_2853, %get3A_2858 : vector<16xf32>
      %get3A_2860 = arith.constant 7 : i32
      %get3A_2861 = arith.index_cast %get3A_2860 : i32 to index
      %get3A_2862 = arith.constant 640 : index
      %get3A_2863 = tpu.vector_load %arg4[%get3A_2861, %get3A_2862] {strides = array<i32>} : memref<8x1000xf32, #tpu.memory_space<vmem>>, vector<1x16xf32>,
      %get3A_2864 = vector.shape_cast %get3A_2863 : vector<1x16xf32> to vector<16xf32>
      %add3A_2865 = arith.addf %add3A_2859, %get3A_2864 : vector<16xf32>
      %get3A_2866 = arith.constant 7 : i32
      %get3A_2867 = arith.index_cast %get3A_2866 : i32 to index
      %get3A_2868 = arith.constant 656 : index
      %get3A_2869 = tpu.vector_load %arg4[%get3A_2867, %get3A_2868] {strides = array<i32>} : memref<8x1000xf32, #tpu.memory_space<vmem>>, vector<1x16xf32>,
      %get3A_2870 = vector.shape_cast %get3A_2869 : vector<1x16xf32> to vector<16xf32>
      %add3A_2871 = arith.addf %add3A_2865, %get3A_2870 : vector<16xf32>
      %get3A_2872 = arith.constant 7 : i32
      %get3A_2873 = arith.index_cast %get3A_2872 : i32 to index
      %get3A_2874 = arith.constant 672 : index
      %get3A_2875 = tpu.vector_load %arg4[%get3A_2873, %get3A_2874] {strides = array<i32>} : memref<8x1000xf32, #tpu.memory_space<vmem>>, vector<1x16xf32>,
      %get3A_2876 = vector.shape_cast %get3A_2875 : vector<1x16xf32> to vector<16xf32>
      %add3A_2877 = arith.addf %add3A_2871, %get3A_2876 : vector<16xf32>
      %get3A_2878 = arith.constant 7 : i32
      %get3A_2879 = arith.index_cast %get3A_2878 : i32 to index
      %get3A_2880 = arith.constant 688 : index
      %get3A_2881 = tpu.vector_load %arg4[%get3A_2879, %get3A_2880] {strides = array<i32>} : memref<8x1000xf32, #tpu.memory_space<vmem>>, vector<1x16xf32>,
      %get3A_2882 = vector.shape_cast %get3A_2881 : vector<1x16xf32> to vector<16xf32>
      %add3A_2883 = arith.addf %add3A_2877, %get3A_2882 : vector<16xf32>
      %get3A_2884 = arith.constant 7 : i32
      %get3A_2885 = arith.index_cast %get3A_2884 : i32 to index
      %get3A_2886 = arith.constant 704 : index
      %get3A_2887 = tpu.vector_load %arg4[%get3A_2885, %get3A_2886] {strides = array<i32>} : memref<8x1000xf32, #tpu.memory_space<vmem>>, vector<1x16xf32>,
      %get3A_2888 = vector.shape_cast %get3A_2887 : vector<1x16xf32> to vector<16xf32>
      %add3A_2889 = arith.addf %add3A_2883, %get3A_2888 : vector<16xf32>
      %get3A_2890 = arith.constant 7 : i32
      %get3A_2891 = arith.index_cast %get3A_2890 : i32 to index
      %get3A_2892 = arith.constant 720 : index
      %get3A_2893 = tpu.vector_load %arg4[%get3A_2891, %get3A_2892] {strides = array<i32>} : memref<8x1000xf32, #tpu.memory_space<vmem>>, vector<1x16xf32>,
      %get3A_2894 = vector.shape_cast %get3A_2893 : vector<1x16xf32> to vector<16xf32>
      %add3A_2895 = arith.addf %add3A_2889, %get3A_2894 : vector<16xf32>
      %get3A_2896 = arith.constant 7 : i32
      %get3A_2897 = arith.index_cast %get3A_2896 : i32 to index
      %get3A_2898 = arith.constant 736 : index
      %get3A_2899 = tpu.vector_load %arg4[%get3A_2897, %get3A_2898] {strides = array<i32>} : memref<8x1000xf32, #tpu.memory_space<vmem>>, vector<1x16xf32>,
      %get3A_2900 = vector.shape_cast %get3A_2899 : vector<1x16xf32> to vector<16xf32>
      %add3A_2901 = arith.addf %add3A_2895, %get3A_2900 : vector<16xf32>
      %get3A_2902 = arith.constant 7 : i32
      %get3A_2903 = arith.index_cast %get3A_2902 : i32 to index
      %get3A_2904 = arith.constant 752 : index
      %get3A_2905 = tpu.vector_load %arg4[%get3A_2903, %get3A_2904] {strides = array<i32>} : memref<8x1000xf32, #tpu.memory_space<vmem>>, vector<1x16xf32>,
      %get3A_2906 = vector.shape_cast %get3A_2905 : vector<1x16xf32> to vector<16xf32>
      %add3A_2907 = arith.addf %add3A_2901, %get3A_2906 : vector<16xf32>
      %get3A_2908 = arith.constant 7 : i32
      %get3A_2909 = arith.index_cast %get3A_2908 : i32 to index
      %get3A_2910 = arith.constant 768 : index
      %get3A_2911 = tpu.vector_load %arg4[%get3A_2909, %get3A_2910] {strides = array<i32>} : memref<8x1000xf32, #tpu.memory_space<vmem>>, vector<1x16xf32>,
      %get3A_2912 = vector.shape_cast %get3A_2911 : vector<1x16xf32> to vector<16xf32>
      %add3A_2913 = arith.addf %add3A_2907, %get3A_2912 : vector<16xf32>
      %get3A_2914 = arith.constant 7 : i32
      %get3A_2915 = arith.index_cast %get3A_2914 : i32 to index
      %get3A_2916 = arith.constant 784 : index
      %get3A_2917 = tpu.vector_load %arg4[%get3A_2915, %get3A_2916] {strides = array<i32>} : memref<8x1000xf32, #tpu.memory_space<vmem>>, vector<1x16xf32>,
      %get3A_2918 = vector.shape_cast %get3A_2917 : vector<1x16xf32> to vector<16xf32>
      %add3A_2919 = arith.addf %add3A_2913, %get3A_2918 : vector<16xf32>
      %get3A_2920 = arith.constant 7 : i32
      %get3A_2921 = arith.index_cast %get3A_2920 : i32 to index
      %get3A_2922 = arith.constant 800 : index
      %get3A_2923 = tpu.vector_load %arg4[%get3A_2921, %get3A_2922] {strides = array<i32>} : memref<8x1000xf32, #tpu.memory_space<vmem>>, vector<1x16xf32>,
      %get3A_2924 = vector.shape_cast %get3A_2923 : vector<1x16xf32> to vector<16xf32>
      %add3A_2925 = arith.addf %add3A_2919, %get3A_2924 : vector<16xf32>
      %get3A_2926 = arith.constant 7 : i32
      %get3A_2927 = arith.index_cast %get3A_2926 : i32 to index
      %get3A_2928 = arith.constant 816 : index
      %get3A_2929 = tpu.vector_load %arg4[%get3A_2927, %get3A_2928] {strides = array<i32>} : memref<8x1000xf32, #tpu.memory_space<vmem>>, vector<1x16xf32>,
      %get3A_2930 = vector.shape_cast %get3A_2929 : vector<1x16xf32> to vector<16xf32>
      %add3A_2931 = arith.addf %add3A_2925, %get3A_2930 : vector<16xf32>
      %get3A_2932 = arith.constant 7 : i32
      %get3A_2933 = arith.index_cast %get3A_2932 : i32 to index
      %get3A_2934 = arith.constant 832 : index
      %get3A_2935 = tpu.vector_load %arg4[%get3A_2933, %get3A_2934] {strides = array<i32>} : memref<8x1000xf32, #tpu.memory_space<vmem>>, vector<1x16xf32>,
      %get3A_2936 = vector.shape_cast %get3A_2935 : vector<1x16xf32> to vector<16xf32>
      %add3A_2937 = arith.addf %add3A_2931, %get3A_2936 : vector<16xf32>
      %get3A_2938 = arith.constant 7 : i32
      %get3A_2939 = arith.index_cast %get3A_2938 : i32 to index
      %get3A_2940 = arith.constant 848 : index
      %get3A_2941 = tpu.vector_load %arg4[%get3A_2939, %get3A_2940] {strides = array<i32>} : memref<8x1000xf32, #tpu.memory_space<vmem>>, vector<1x16xf32>,
      %get3A_2942 = vector.shape_cast %get3A_2941 : vector<1x16xf32> to vector<16xf32>
      %add3A_2943 = arith.addf %add3A_2937, %get3A_2942 : vector<16xf32>
      %get3A_2944 = arith.constant 7 : i32
      %get3A_2945 = arith.index_cast %get3A_2944 : i32 to index
      %get3A_2946 = arith.constant 864 : index
      %get3A_2947 = tpu.vector_load %arg4[%get3A_2945, %get3A_2946] {strides = array<i32>} : memref<8x1000xf32, #tpu.memory_space<vmem>>, vector<1x16xf32>,
      %get3A_2948 = vector.shape_cast %get3A_2947 : vector<1x16xf32> to vector<16xf32>
      %add3A_2949 = arith.addf %add3A_2943, %get3A_2948 : vector<16xf32>
      %get3A_2950 = arith.constant 7 : i32
      %get3A_2951 = arith.index_cast %get3A_2950 : i32 to index
      %get3A_2952 = arith.constant 880 : index
      %get3A_2953 = tpu.vector_load %arg4[%get3A_2951, %get3A_2952] {strides = array<i32>} : memref<8x1000xf32, #tpu.memory_space<vmem>>, vector<1x16xf32>,
      %get3A_2954 = vector.shape_cast %get3A_2953 : vector<1x16xf32> to vector<16xf32>
      %add3A_2955 = arith.addf %add3A_2949, %get3A_2954 : vector<16xf32>
      %get3A_2956 = arith.constant 7 : i32
      %get3A_2957 = arith.index_cast %get3A_2956 : i32 to index
      %get3A_2958 = arith.constant 896 : index
      %get3A_2959 = tpu.vector_load %arg4[%get3A_2957, %get3A_2958] {strides = array<i32>} : memref<8x1000xf32, #tpu.memory_space<vmem>>, vector<1x16xf32>,
      %get3A_2960 = vector.shape_cast %get3A_2959 : vector<1x16xf32> to vector<16xf32>
      %add3A_2961 = arith.addf %add3A_2955, %get3A_2960 : vector<16xf32>
      %get3A_2962 = arith.constant 7 : i32
      %get3A_2963 = arith.index_cast %get3A_2962 : i32 to index
      %get3A_2964 = arith.constant 912 : index
      %get3A_2965 = tpu.vector_load %arg4[%get3A_2963, %get3A_2964] {strides = array<i32>} : memref<8x1000xf32, #tpu.memory_space<vmem>>, vector<1x16xf32>,
      %get3A_2966 = vector.shape_cast %get3A_2965 : vector<1x16xf32> to vector<16xf32>
      %add3A_2967 = arith.addf %add3A_2961, %get3A_2966 : vector<16xf32>
      %get3A_2968 = arith.constant 7 : i32
      %get3A_2969 = arith.index_cast %get3A_2968 : i32 to index
      %get3A_2970 = arith.constant 928 : index
      %get3A_2971 = tpu.vector_load %arg4[%get3A_2969, %get3A_2970] {strides = array<i32>} : memref<8x1000xf32, #tpu.memory_space<vmem>>, vector<1x16xf32>,
      %get3A_2972 = vector.shape_cast %get3A_2971 : vector<1x16xf32> to vector<16xf32>
      %add3A_2973 = arith.addf %add3A_2967, %get3A_2972 : vector<16xf32>
      %get3A_2974 = arith.constant 7 : i32
      %get3A_2975 = arith.index_cast %get3A_2974 : i32 to index
      %get3A_2976 = arith.constant 944 : index
      %get3A_2977 = tpu.vector_load %arg4[%get3A_2975, %get3A_2976] {strides = array<i32>} : memref<8x1000xf32, #tpu.memory_space<vmem>>, vector<1x16xf32>,
      %get3A_2978 = vector.shape_cast %get3A_2977 : vector<1x16xf32> to vector<16xf32>
      %add3A_2979 = arith.addf %add3A_2973, %get3A_2978 : vector<16xf32>
      %get3A_2980 = arith.constant 7 : i32
      %get3A_2981 = arith.index_cast %get3A_2980 : i32 to index
      %get3A_2982 = arith.constant 960 : index
      %get3A_2983 = tpu.vector_load %arg4[%get3A_2981, %get3A_2982] {strides = array<i32>} : memref<8x1000xf32, #tpu.memory_space<vmem>>, vector<1x16xf32>,
      %get3A_2984 = vector.shape_cast %get3A_2983 : vector<1x16xf32> to vector<16xf32>
      %add3A_2985 = arith.addf %add3A_2979, %get3A_2984 : vector<16xf32>
      %get3A_2986 = arith.constant 7 : i32
      %get3A_2987 = arith.index_cast %get3A_2986 : i32 to index
      %get3A_2988 = arith.constant 976 : index
      %get3A_2989 = tpu.vector_load %arg4[%get3A_2987, %get3A_2988] {strides = array<i32>} : memref<8x1000xf32, #tpu.memory_space<vmem>>, vector<1x16xf32>,
      %get3A_2990 = vector.shape_cast %get3A_2989 : vector<1x16xf32> to vector<16xf32>
      %add3A_2991 = arith.addf %add3A_2985, %get3A_2990 : vector<16xf32>
      scf.yield %add3A_2991 : vector<16xf32>
    }
    %scan3A_8 = arith.constant 8 : i32
    %swap3A = arith.constant 0 : index
    %swap3A_9 = tpu.vector_load %arg5[%swap3A] {strides = array<i32>} : memref<16xf32, #tpu.memory_space<vmem>>, vector<16xf32>,
    %swap3A_10 = vector.shape_cast %swap3A_9 : vector<16xf32> to vector<16xf32>
    %swap3A_11 = vector.shape_cast %scan3A_7 : vector<16xf32> to vector<16xf32>
    tpu.vector_store %arg5[%swap3A], %swap3A_11 {strides = array<i32>} : memref<16xf32, #tpu.memory_space<vmem>>, vector<16xf32>,
    "tpu.region"() ({
      %run_scoped3A = tpu.sem_alloc : memref<!tpu.dma_semaphore, #tpu.memory_space<semaphore_mem>>
      %dma_start3A = arith.constant 0 : i32
      %dma_start3A_12 = tpu.memref_slice %arg3[%add3A, %dma_start3A] : memref<32x16xf32, #tpu.memory_space<hbm>> -> memref<1x16xf32, #tpu.memory_space<hbm>>
      %dma_start3A_13 = tpu.memref_squeeze %dma_start3A_12 : memref<1x16xf32, #tpu.memory_space<hbm>> -> memref<16xf32, #tpu.memory_space<hbm>>
      %dma_start3A_14 = arith.constant 0 : i32
      %dma_start3A_15 = tpu.memref_slice %arg3[%add3A, %dma_start3A_14] : memref<32x16xf32, #tpu.memory_space<hbm>> -> memref<1x16xf32, #tpu.memory_space<hbm>>
      %dma_start3A_16 = tpu.memref_squeeze %dma_start3A_15 : memref<1x16xf32, #tpu.memory_space<hbm>> -> memref<16xf32, #tpu.memory_space<hbm>>
      tpu.enqueue_dma source(%arg5 : memref<16xf32, #tpu.memory_space<vmem>>) target(%dma_start3A_16 : memref<16xf32, #tpu.memory_space<hbm>>) target_semaphore(%run_scoped3A : memref<!tpu.dma_semaphore, #tpu.memory_space<semaphore_mem>>)
      %dma_wait3A = arith.constant 0 : i32
      %dma_wait3A_17 = tpu.memref_slice %arg3[%add3A, %dma_wait3A] : memref<32x16xf32, #tpu.memory_space<hbm>> -> memref<1x16xf32, #tpu.memory_space<hbm>>
      %dma_wait3A_18 = tpu.memref_squeeze %dma_wait3A_17 : memref<1x16xf32, #tpu.memory_space<hbm>> -> memref<16xf32, #tpu.memory_space<hbm>>
      %dma_wait3A_19 = arith.constant 0 : i32
      %dma_wait3A_20 = tpu.memref_slice %arg3[%add3A, %dma_wait3A_19] : memref<32x16xf32, #tpu.memory_space<hbm>> -> memref<1x16xf32, #tpu.memory_space<hbm>>
      %dma_wait3A_21 = tpu.memref_squeeze %dma_wait3A_20 : memref<1x16xf32, #tpu.memory_space<hbm>> -> memref<16xf32, #tpu.memory_space<hbm>>
      tpu.wait_dma2 semaphore(%run_scoped3A : memref<!tpu.dma_semaphore, #tpu.memory_space<semaphore_mem>>) src(%arg5 : memref<16xf32, #tpu.memory_space<vmem>>) dst(%dma_wait3A_21 : memref<16xf32, #tpu.memory_space<hbm>>)
      tpu.yield
    }) : () -> ()
    return
  }
}

module attributes {stable_mosaic.version = 14 : i64} {
  func.func @_loss_block(%arg0: i32, %arg1: memref<2048x1000xf32, #tpu.memory_space<vmem>>, %arg2: memref<2048x1xi32, #tpu.memory_space<vmem>>, %arg3: memref<1x1xf32, #tpu.memory_space<vmem>>) attributes {dimension_semantics = [#tpu.dimension_semantics<arbitrary>], iteration_bounds = array<i64: 8>, scalar_prefetch = 0 : i64, scratch_operands = 0 : i64, tpu.core_type = #tpu.core_type<tc>, window_params = [{transform_indices = @transform_0, window_bounds = array<i64: 2048, 1000>}, {transform_indices = @transform_1, window_bounds = array<i64: 2048, 1>}, {pipeline_mode = #tpu.pipeline_mode<synchronous>, transform_indices = @transform_2, window_bounds = array<i64: 1, 1>}]} {
    %get3A = arith.constant 0 : index
    %get3A_0 = arith.constant 0 : index
    %get3A_1 = vector.load %arg1[%get3A, %get3A_0] : memref<2048x1000xf32, #tpu.memory_space<vmem>>, vector<2048x1000xf32>
    %get3A_2 = arith.constant 0 : index
    %get3A_3 = arith.constant 0 : index
    %get3A_4 = vector.load %arg2[%get3A_2, %get3A_3] : memref<2048x1xi32, #tpu.memory_space<vmem>>, vector<2048x1xi32>
    %reduce_max3A = arith.constant dense<0xFF800000> : vector<2048xf32>
    %reduce_max3A_5 = vector.multi_reduction <maximumf>, %get3A_1, %reduce_max3A [1] : vector<2048x1000xf32> to vector<2048xf32>
    %broadcast_in_dim3A = vector.shape_cast %reduce_max3A_5 : vector<2048xf32> to vector<2048x1xf32>
    %sub3A = vector.broadcast %broadcast_in_dim3A : vector<2048x1xf32> to vector<2048x1000xf32>
    %sub3A_6 = arith.subf %get3A_1, %sub3A : vector<2048x1000xf32>
    %exp3A = math.exp %sub3A_6 : vector<2048x1000xf32>
    %reduce_sum3A = arith.constant dense<0.000000e+00> : vector<2048xf32>
    %reduce_sum3A_7 = vector.multi_reduction <add>, %exp3A, %reduce_sum3A [1] : vector<2048x1000xf32> to vector<2048xf32>
    %broadcast_in_dim3A_8 = vector.shape_cast %reduce_sum3A_7 : vector<2048xf32> to vector<2048x1xf32>
    %log3A = math.log %broadcast_in_dim3A_8 : vector<2048x1xf32>
    %add3A = arith.addf %broadcast_in_dim3A, %log3A : vector<2048x1xf32>
    %iota3A = tpu.iota {dimensions = array<i32: 1>} : vector<1x1000xi32>
    %eq3A = vector.broadcast %iota3A : vector<1x1000xi32> to vector<2048x1000xi32>
    %eq3A_9 = vector.broadcast %get3A_4 : vector<2048x1xi32> to vector<2048x1000xi32>
    %eq3A_10 = arith.cmpi eq, %eq3A, %eq3A_9 : vector<2048x1000xi32>
    %jit3A = arith.constant 0.000000e+00 : f32
    %broadcast_in_dim3A_11 = vector.broadcast %jit3A : f32 to vector<2048x1000xf32>
    %select_n3A = arith.select %eq3A_10, %get3A_1, %broadcast_in_dim3A_11 : vector<2048x1000xi1>, vector<2048x1000xf32>
    %reduce_sum3A_12 = arith.constant dense<0.000000e+00> : vector<2048xf32>
    %reduce_sum3A_13 = vector.multi_reduction <add>, %select_n3A, %reduce_sum3A_12 [1] : vector<2048x1000xf32> to vector<2048xf32>
    %broadcast_in_dim3A_14 = vector.shape_cast %reduce_sum3A_13 : vector<2048xf32> to vector<2048x1xf32>
    %reduce_sum3A_15 = vector.shape_cast %get3A_1 : vector<2048x1000xf32> to vector<1x2048x1000xf32>
    %reduce_sum3A_16 = arith.constant dense<0.000000e+00> : vector<1xf32>
    %reduce_sum3A_17 = vector.multi_reduction <add>, %reduce_sum3A_15, %reduce_sum3A_16 [1, 2] : vector<1x2048x1000xf32> to vector<1xf32>
    %reduce_sum3A_18 = vector.shape_cast %reduce_sum3A_17 : vector<1xf32> to vector<1x1x1xf32>
    %reduce_sum3A_19 = vector.extract %reduce_sum3A_18[0, 0, 0] : f32 from vector<1x1x1xf32>
    %ge3A = arith.constant 992 : i32
    %ge3A_20 = vector.broadcast %ge3A : i32 to vector<1x1000xi32>
    %ge3A_21 = arith.cmpi sge, %iota3A, %ge3A_20 : vector<1x1000xi32>
    %jit3A_22 = arith.constant 0.000000e+00 : f32
    %broadcast_in_dim3A_23 = vector.shape_cast %ge3A_21 : vector<1x1000xi1> to vector<1x1000xi1>
    %broadcast_in_dim3A_24 = vector.broadcast %broadcast_in_dim3A_23 : vector<1x1000xi1> to vector<2048x1000xi1>
    %broadcast_in_dim3A_25 = vector.broadcast %jit3A_22 : f32 to vector<2048x1000xf32>
    %select_n3A_26 = arith.select %broadcast_in_dim3A_24, %get3A_1, %broadcast_in_dim3A_25 : vector<2048x1000xi1>, vector<2048x1000xf32>
    %reduce_sum3A_27 = vector.shape_cast %select_n3A_26 : vector<2048x1000xf32> to vector<1x2048x1000xf32>
    %reduce_sum3A_28 = arith.constant dense<0.000000e+00> : vector<1xf32>
    %reduce_sum3A_29 = vector.multi_reduction <add>, %reduce_sum3A_27, %reduce_sum3A_28 [1, 2] : vector<1x2048x1000xf32> to vector<1xf32>
    %reduce_sum3A_30 = vector.shape_cast %reduce_sum3A_29 : vector<1xf32> to vector<1x1x1xf32>
    %reduce_sum3A_31 = vector.extract %reduce_sum3A_30[0, 0, 0] : f32 from vector<1x1x1xf32>
    %lt3A = arith.constant 1 : i32
    %lt3A_32 = arith.cmpi slt, %arg0, %lt3A : i32
    %select_n3A_33 = arith.select %lt3A_32, %reduce_sum3A_31, %reduce_sum3A_19 : f32
    %mul3A = arith.constant 0.899899899 : f32
    %mul3A_34 = vector.broadcast %mul3A : f32 to vector<2048x1xf32>
    %mul3A_35 = arith.mulf %mul3A_34, %broadcast_in_dim3A_14 : vector<2048x1xf32>
    %sub3A_36 = arith.subf %add3A, %mul3A_35 : vector<2048x1xf32>
    %reduce_sum3A_37 = vector.shape_cast %sub3A_36 : vector<2048x1xf32> to vector<1x2048x1xf32>
    %reduce_sum3A_38 = arith.constant dense<0.000000e+00> : vector<1xf32>
    %reduce_sum3A_39 = vector.multi_reduction <add>, %reduce_sum3A_37, %reduce_sum3A_38 [1, 2] : vector<1x2048x1xf32> to vector<1xf32>
    %reduce_sum3A_40 = vector.shape_cast %reduce_sum3A_39 : vector<1xf32> to vector<1x1x1xf32>
    %reduce_sum3A_41 = vector.extract %reduce_sum3A_40[0, 0, 0] : f32 from vector<1x1x1xf32>
    %mul3A_42 = arith.constant 1.001001E-4 : f32
    %mul3A_43 = arith.mulf %mul3A_42, %select_n3A_33 : f32
    %sub3A_44 = arith.subf %reduce_sum3A_41, %mul3A_43 : f32
    %reshape3A = vector.broadcast %sub3A_44 : f32 to vector<1x1xf32>
    %eq3A_45 = arith.constant 0 : i32
    %eq3A_46 = arith.cmpi eq, %arg0, %eq3A_45 : i32
    %convert_element_type3A = arith.extui %eq3A_46 : i1 to i32
    %cond3A = arith.constant 0 : i32
    %cond3A_47 = arith.cmpi ne, %convert_element_type3A, %cond3A : i32
    scf.if %cond3A_47 {
      %broadcast_in_dim3A_59 = arith.constant 0.000000e+00 : f32
      %broadcast_in_dim3A_60 = vector.broadcast %broadcast_in_dim3A_59 : f32 to vector<1x1xf32>
      %swap3A_61 = arith.constant 0 : index
      %swap3A_62 = arith.constant 0 : index
      %swap3A_63 = vector.load %arg3[%swap3A_61, %swap3A_62] : memref<1x1xf32, #tpu.memory_space<vmem>>, vector<1x1xf32>
      tpu.vector_store %arg3[%swap3A_61, %swap3A_62], %broadcast_in_dim3A_60 {strides = array<i32>} : memref<1x1xf32, #tpu.memory_space<vmem>>, vector<1x1xf32>,
    } else {
    }
    %get3A_48 = arith.constant 0 : index
    %get3A_49 = arith.constant 0 : index
    %get3A_50 = vector.load %arg3[%get3A_48, %get3A_49] : memref<1x1xf32, #tpu.memory_space<vmem>>, vector<1x1xf32>
    %add3A_51 = arith.addf %get3A_50, %reshape3A : vector<1x1xf32>
    %swap3A = arith.constant 0 : index
    %swap3A_52 = arith.constant 0 : index
    %swap3A_53 = vector.load %arg3[%swap3A, %swap3A_52] : memref<1x1xf32, #tpu.memory_space<vmem>>, vector<1x1xf32>
    tpu.vector_store %arg3[%swap3A, %swap3A_52], %add3A_51 {strides = array<i32>} : memref<1x1xf32, #tpu.memory_space<vmem>>, vector<1x1xf32>,
    %eq3A_54 = arith.constant 7 : i32
    %eq3A_55 = arith.cmpi eq, %arg0, %eq3A_54 : i32
    %convert_element_type3A_56 = arith.extui %eq3A_55 : i1 to i32
    %cond3A_57 = arith.constant 0 : i32
    %cond3A_58 = arith.cmpi ne, %convert_element_type3A_56, %cond3A_57 : i32
    scf.if %cond3A_58 {
      %get3A_59 = arith.constant 0 : index
      %get3A_60 = arith.constant 0 : index
      %get3A_61 = vector.load %arg3[%get3A_59, %get3A_60] : memref<1x1xf32, #tpu.memory_space<vmem>>, vector<1x1xf32>
      %mul3A_62 = arith.constant 6.10351563E-5 : f32
      %mul3A_63 = vector.broadcast %mul3A_62 : f32 to vector<1x1xf32>
      %mul3A_64 = arith.mulf %get3A_61, %mul3A_63 : vector<1x1xf32>
      %swap3A_65 = arith.constant 0 : index
      %swap3A_66 = arith.constant 0 : index
      %swap3A_67 = vector.load %arg3[%swap3A_65, %swap3A_66] : memref<1x1xf32, #tpu.memory_space<vmem>>, vector<1x1xf32>
      tpu.vector_store %arg3[%swap3A_65, %swap3A_66], %mul3A_64 {strides = array<i32>} : memref<1x1xf32, #tpu.memory_space<vmem>>, vector<1x1xf32>,
    } else {
    }
    return
  }
  func.func @transform_0(%arg0: i32) -> (i32, i32) {
    %c0_i32 = arith.constant 0 : i32
    %c0_i32_0 = arith.constant 0 : i32
    return %arg0, %c0_i32 : i32, i32
  }
  func.func @transform_1(%arg0: i32) -> (i32, i32) {
    %c0_i32 = arith.constant 0 : i32
    %c0_i32_0 = arith.constant 0 : i32
    return %arg0, %c0_i32 : i32, i32
  }
  func.func @transform_2(%arg0: i32) -> (i32, i32) {
    %c0_i32 = arith.constant 0 : i32
    %c0_i32_0 = arith.constant 0 : i32
    %c0_i32_1 = arith.constant 0 : i32
    return %c0_i32, %c0_i32_0 : i32, i32
  }
}

</mosaic_0001>

<sc_bundles>
// kernel: kernel.4.cloned.1.call-start
scs
__scs_entry_jumppad:
0x0: {  	(pc) =	sbr.rel $0x88, $3  }
0x1: {  	(tag) =	ssettag $0x0;
	lr =	simm.s32 $0x1  }
0x2: {  	[smem:$0x3F9F] =	sst lr;
	_ =	strace $0xD0000000  }
0x3: {  	_ = 	snop  }
0x4: {  	_ = 	snop  }
0x5: {  	_ = 	snop  }
0x6: {  	_ = 	snop  }
0x7: {  	_ = 	snop  }
__scs_overlays_trampoline_lowered:
0x8: {  	[smem:$0x3FAE] =	sst s0  }
0x9: {  	[smem:$0x3FAF] =	sst s1  }
0xa: {  	[smem:$0x3FB0] =	sst s2  }
0xb: {  	[smem:$0x3FB1] =	sst s3  }
0xc: {  	[smem:$0x3FB2] =	sst s4  }
0xd: {  	[smem:$0x3FB3] =	sst s5  }
0xe: {  	[smem:$0x3FB4] =	sst s6  }
0xf: {  	[smem:$0x3FB5] =	sst s7  }
0x10: {  	[smem:$0x3FB6] =	sst s8  }
0x11: {  	[smem:$0x3FB7] =	sst s9;
	s0 =	simm.s32 @!p0 $0x0  }
0x12: {  	s1 =	sld [smem:$0x3F9D];
	s0 =	simm.s32 @p0 $0x1  }
0x13: {  	[smem:$0x3FB8] =	sst s0;
	s0 =	simm.s32 @!p1 $0x0  }
0x14: {  	s2 =	sld [smem:$0x3F9C];
	s0 =	simm.s32 @p1 $0x1  }
0x15: {  	[smem:$0x3FB9] =	sst s0;
	s0 =	simm.s32 @!p2 $0x0  }
0x16: {  	s3 =	sld [smem:$0x3FDB];
	s0 =	simm.s32 @p2 $0x1  }
0x17: {  	s4 =	simm.s32 $0x1BF5;
	[smem:$0x3FBB] =	sst s0  }
0x18: {  	s0 =	sld [smem:$0x3F9E];
	_ =	swait.ge [sflag:s4], $0x0  }
0x19: {  	s7 =	sld [smem:$0x3F9F]  }
0x1a: {  	s8 =	sadd.s32 $0xFFFFE003, lr  }
0x1b: {  	s9 =	sadd.s32 $0xFFFFFEF7, lr;
	s5 =	simm.s32 $0xFFFFFFFF;
	p2 =	slt.u32 s8, $0xFFFFF086  }
0x1c: {  	p1 =	slt.u32 s9, $0xF7A;
	s5 =	simm.s32 @!p2 $0x0  }
0x1d: {  	s5 =	simm.s32 @p1 $0x1;
	p0 =	seq.s32 s7, s2  }
0x1e: {  	s7 =	smul.u32 @!p0 $0xF7A, s2;
	p2 =	seq.s32 @!p0 s5, $0x0  }
0x1f: {  	s9 =	smul.u32 $0xF7A, s1;
	s8 =	simm.s32 @!p0 $0x1BF5;
	p2 =	por !p2, p0  }
0x20: {  	[sflag:s8] =	ssyncset.s32 @!p0 $0xFFFFF086;
	s6 =	sadd.s32 @!p0 s3, s7;
	s7 =	simm.s32 @!p0 $0x108  }
0x21: {  	s3 =	sadd.s32 s3, s9;
	s6 =	sadd.s32 @!p0 $0x88, s6;
	s7 =	simm.s32 @p2 $0x1082  }
0x22: {  	[simem:s7], [sflag:s8] =	dma.local @!p0 [hbm:s6], $0xF7A  }
0x23: {  	s9 =	sor.u32 $0xD0000000, s2;
	s6 =	simm.s32 $0x108;
	_ =	swait.ge @!p0 [sflag:s8], $0x0  }
0x24: {  	s3 =	sadd.s32 $0x88, s3;
	s6 =	simm.s32 @!p1 $0x1082;
	[sflag:s4] =	ssyncset.s32 $0xFFFFF086  }
0x25: {  	[simem:s6], [sflag:s4] =	dma.local [hbm:s3], $0xF7A  }
0x26: {  	[smem:$0x3F9F] =	sst s1;
	(tag) =	ssettag s2;
	_ =	strace s9  }
0x27: {  	s1 =	sld [smem:$0x3FAF]  }
0x28: {  	s2 =	sld [smem:$0x3FB0]  }
0x29: {  	s4 =	sld [smem:$0x3FB2]  }
0x2a: {  	p0 =	seq.s32 s5, $0x0;
	s5 =	sld [smem:$0x3FB3]  }
0x2b: {  	s6 =	sld [smem:$0x3FB4]  }
0x2c: {  	s7 =	sld [smem:$0x3FB5]  }
0x2d: {  	s3 =	simm.s32 $0x108;
	s8 =	sld [smem:$0x3FB6]  }
0x2e: {  	s3 =	simm.s32 @!p0 $0x1082;
	s9 =	sld [smem:$0x3FB7]  }
0x2f: {  	lr =	sadd.s32 s0, s3;
	s0 =	sld [smem:$0x3FAE]  }
0x30: {  	s3 =	sld [smem:$0x3FB1]  }
0x31: {  	[smem:$0x3FBA] =	sst s10  }
0x32: {  	s10 =	sld [smem:$0x3FB8];
	_ =	sdelay $0x3  }
0x33: {  	p0 =	seq.s32 s10, $0x1;
	s10 =	sld [smem:$0x3FBA];
	_ =	sdelay $0x3  }
0x34: {  	[smem:$0x3FBA] =	sst s10  }
0x35: {  	s10 =	sld [smem:$0x3FB9];
	_ =	sdelay $0x3  }
0x36: {  	p1 =	seq.s32 s10, $0x1;
	s10 =	sld [smem:$0x3FBA];
	_ =	sdelay $0x3  }
0x37: {  	[smem:$0x3FBA] =	sst s10  }
0x38: {  	s10 =	sld [smem:$0x3FBB]  }
0x39: {  	_ = 	snop;
	(pc) =	sbr.ind lr, $3  }
0x3a: {  	_ = 	snop  }
0x3b: {  	_ = 	snop  }
0x3c: {  	p2 =	seq.s32 s10, $0x1;
	s10 =	sld [smem:$0x3FBA]  }
0x3d: {  	_ =	shalt  }
0x3e: {  	_ =	shalt  }
0x3f: {  	_ =	shalt  }
0x40: {  	_ =	shalt  }
0x41: {  	_ =	shalt  }
0x42: {  	_ =	shalt  }
0x43: {  	_ =	shalt  }
0x44: {  	_ =	shalt  }
0x45: {  	_ =	shalt  }
0x46: {  	_ =	shalt  }
0x47: {  	_ =	shalt  }
0x48: {  	_ =	shalt  }
0x49: {  	_ =	shalt  }
0x4a: {  	_ =	shalt  }
0x4b: {  	_ =	shalt  }
0x4c: {  	_ =	shalt  }
0x4d: {  	_ =	shalt  }
0x4e: {  	_ =	shalt  }
0x4f: {  	_ =	shalt  }
0x50: {  	_ =	shalt  }
0x51: {  	_ =	shalt  }
0x52: {  	_ =	shalt  }
0x53: {  	_ =	shalt  }
0x54: {  	_ =	shalt  }
0x55: {  	_ =	shalt  }
0x56: {  	_ =	shalt  }
0x57: {  	_ =	shalt  }
0x58: {  	_ =	shalt  }
0x59: {  	_ =	shalt  }
0x5a: {  	_ =	shalt  }
0x5b: {  	_ =	shalt  }
0x5c: {  	_ =	shalt  }
0x5d: {  	_ =	shalt  }
0x5e: {  	_ =	shalt  }
0x5f: {  	_ =	shalt  }
0x60: {  	_ =	shalt  }
0x61: {  	_ =	shalt  }
0x62: {  	_ =	shalt  }
0x63: {  	_ =	shalt  }
0x64: {  	_ =	shalt  }
0x65: {  	_ =	shalt  }
0x66: {  	_ =	shalt  }
0x67: {  	_ =	shalt  }
0x68: {  	_ =	shalt  }
0x69: {  	_ =	shalt  }
0x6a: {  	_ =	shalt  }
0x6b: {  	_ =	shalt  }
0x6c: {  	_ =	shalt  }
0x6d: {  	_ =	shalt  }
0x6e: {  	_ =	shalt  }
0x6f: {  	_ =	shalt  }
0x70: {  	_ =	shalt  }
0x71: {  	_ =	shalt  }
0x72: {  	_ =	shalt  }
0x73: {  	_ =	shalt  }
0x74: {  	_ =	shalt  }
0x75: {  	_ =	shalt  }
0x76: {  	_ =	shalt  }
0x77: {  	_ =	shalt  }
0x78: {  	_ =	shalt  }
0x79: {  	_ =	shalt  }
0x7a: {  	_ =	shalt  }
0x7b: {  	_ =	shalt  }
0x7c: {  	_ =	shalt  }
0x7d: {  	_ =	shalt  }
0x7e: {  	_ =	shalt  }
0x7f: {  	_ =	shalt  }
0x80: {  	_ =	shalt  }
0x81: {  	_ =	shalt  }
0x82: {  	_ =	shalt  }
0x83: {  	_ =	shalt  }
0x84: {  	_ =	shalt  }
0x85: {  	_ =	shalt  }
0x86: {  	_ =	shalt  }
0x87: {  	_ =	shalt  }
.Lfunc_end0:
.L_simem_size_0:
called_computation_lowered:
.L_overlay_start_0:
0x88: {  	s2 =	sld [smem:$0x3FD9]  }
0x89: {  	s3 =	sld [smem:$0x3FFE];
	_ =	sdelay $0x1  }
0x8a: {  	s1 =	srdreg.scid  }
0x8b: {  	s0 =	sand.u32 $0x1, s1  }
0x8c: {  	s16 =	sshll.u32 s0, $0xA;
	s2 =	sadd.s32 s3, s2  }
0x8d: {  	s2 =	sadd.s32 s2, s16  }
0x8e: {  	[smem:$0x3FC6] =	sst s2  }
0x8f: {  	_ = 	snop  }
0x90: {  	(tm) =	ssettm $0x1  }
0x91: {  	s17 =	sld [smem:$0x3FFB];
	_ =	sdelay $0x3  }
0x92: {  	_ =	strace s17  }
0x93: {  	s2 =	sld [smem:$0x3FFC];
	_ =	sdelay $0x3  }
0x94: {  	_ =	strace s2  }
0x95: {  	s2 =	sld [smem:$0x3FFD];
	_ =	sdelay $0x3  }
0x96: {  	_ =	strace s2  }
0x97: {  	_ =	strace $0x8FFFFFFF  }
0x98: {  	s18 =	sld [smem:$0x3FDB];
	_ =	sdelay $0x1  }
0x99: {  	s19 =	simm.s32 $_scs_section_size  }
0x9a: {  	s4 =	simm.s32 $_size__tile_overlayer_lowered;
	s5 =	simm.s32 $_tile_overlayer_lowered  }
0x9b: {  	s22 =	simm.s32 $0x1BFF;
	s21 =	sshll.u32 s5, $0x1;
	s2 =	sadd.s32 s19, s18  }
0x9c: {  	s6 =	simm.s32 $0x0;
	s20 =	sshll.u32 s4, $0x1;
	s4 =	sadd.s32 s21, s2  }
0x9d: {  	[timem:s6], [sflag:s22] =	dma.local [hbm:s4], s20  }
0x9e: {  	_ =	swait.ge [sflag:s22], s20  }
0x9f: {  	s3 =	ssub.s32 $0x0, s20;
	[sflag:s22] =	ssyncset.done $0x0  }
0xa0: {  	[sflag:s22] =	ssyncadd.s32 s3;
	_ =	sdelay $0x1  }
0xa1: {  	s23 =	simm.s32 $0x1B8B  }
0xa2: {  	_ =	swait.ge [sflag:s23], $0x1  }
0xa3: {  	[sflag:s23] =	ssyncset.done $0x0  }
0xa4: {  	s25 =	simm.s32 $0x1B8E;
	s24 =	sld [smem:$0x3FFE];
	[sflag:s23] =	ssyncadd.s32 $0xFFFFFFFF  }
0xa5: {  	s26 =	simm.s32 $execute0_lowered;
	[smem:$0x3FD2] =	sst s25  }
0xa6: {  	s4 =	sshll.u32 s26, $0x1;
	_ =	strace $0x80000046;
	[dreg:$0x1] =	wrdreg $0xFFFFFFFF  }
0xa7: {  	s28 =	simm.s32 $_size_execute0_lowered;
	s2 =	sadd.s32 s2, s4;
	[dreg:$0x0] =	wrdreg $0x0  }
0xa8: {  	s4 =	sshll.u32 s28, $0x1;
	[dreg:$0x2] =	wrdreg s2  }
0xa9: {  	[dreg:$0x3] =	wrdreg s4  }
0xaa: {  	[dreg:$0x4] =	wrdreg $0xC0  }
0xab: {  	_ =	task [dreg:s6], $0x5FFFF  }
0xac: {  	[dreg:$0x1] =	wrdreg $0xFFFFFFFF  }
0xad: {  	[dreg:$0x0] =	wrdreg $0x60  }
0xae: {  	[dreg:$0x2] =	wrdreg s24  }
0xaf: {  	[dreg:$0x3] =	wrdreg $0x9  }
0xb0: {  	_ =	task.clear_ibuf [dreg:s6], $0x4FFFF;
	_ =	strace $0x90000046  }
0xb1: {  	s29 =	simm.s32 $0x9;
	_ =	strace $0x80000048  }
0xb2: {  	_ =	swait.ge [sflag:s29], $0x1  }
0xb3: {  	[sflag:s29] =	ssyncadd.s32 $0xFFFFFFFF  }
0xb4: {  	_ =	strace $0x90000048  }
0xb5: {  	_ =	sfence  }
0xb6: {  	s30 =	sld [smem:$0x0];
	_ =	sdelay $0x2  }
0xb7: {  	s31 =	sshll.u32 s1, $0xD;
	s1 =	sshrl.u32 s1, $0x2  }
0xb8: {  	s3 =	sand.u32 $0x4000, s31;
	s1 =	sadd.s32 s1, s30  }
0xb9: {  	s0 =	sor.u32 s3, s0;
	s1 =	sshll.u32 s1, $0x11  }
0xba: {  	s0 =	sor.u32 s1, s0  }
0xbb: {  	s0 =	sadd.s32 $0x8F2B, s0  }
0xbc: {  	[sflag:s0] =	ssyncadd.remote.s32 $0x1  }
0xbd: {  	_ =	sfence.sel $0xFFFF  }
0xbe: {  	[dreg:$0x0] =	wrdreg $0xFFFFFFFF;
	(pc) =	sbr.abs _section_cstart, $3  }
0xbf: {  	[dreg:$0x1] =	wrdreg $0xFFFFFFFF  }
0xc0: {  	_ =	task.clear_ibuf [dreg:s6], $0x2FFFF;
	_ =	strace $0x9FFFFFFF  }
0xc1: {  	(tm) =	ssettm $0x7FFFFFFF  }
tec
execute0_lowered:
.L_overlay_start_1:
0x0: {  	(tag) =	ssettag $0x1  }
0x1: {  	s3 =	rddreg [dreg:$0x0]  }
0x2: {  	s0 =	rddreg [dreg:$0x1];
	s2 =	simm.s32 $0x0;
	s1 =	stileid.u32  }
0x3: {  	s5 =	srdreg.scid;
	[smem:$0x7FF] =	sst s2;
	s4 =	sshll.u32 s1, $0xE  }
0x4: {  	s5 =	sand.u32 $0x1, s5;
	s6 =	sshll.u32 s1, $0x5;
	_ =	strace $0x80000047  }
0x5: {  	s4 =	sadd.s32 s4, s3;
	s7 =	sshll.u32 s5, $0x4;
	s8 =	ssub.s32 $0x2, s5  }
0x6: {  	s5 =	sshll.u32 s5, $0xD;
	s6 =	sor.u32 s7, s6;
	s30 =	sshrl.u32 s8, $0x1  }
0x7: {  	s5 =	sadd.s32 s5, s4;
	s7 =	simm.s32 $0x2000;
	s3 =	sadd.s32 s6, s3  }
0x8: {  	s31 =	ssub.s32 s8, s30;
	s5 =	sadd.s32 $0x200, s5;
	s6 =	simm.s32 $0x1  }
0x9: {  	s8 =	simm.s32 $0x0;
	s3 =	sadd.s32 $0x200200, s3;
	s4 =	smax.u32 s31, $0x1  }
.LBB2_1:
0xa: {  	v0 =	vimm.f32 $0.0e+00;
	s9 =	simm.s32 $0x0  }
.LBB2_2:
0xb: {  	s10 =	sadd.s32 s9, s5  }
0xc: {  	[tilespmem:s2], [sflag:$0x1] =	stream.linear.gather [hbm4b:s10+s2], $0x2000, $0x38;
	[tilespmem:$0x2080] =	vst v63  }
0xd: {  	_ =	swait.ge [sflag:s6], $0x2000  }
0xe: {  	[sflag:s6] =	ssyncset.done $0x0  }
0xf: {  	[sflag:s6] =	ssyncadd.s32 $0xFFFFE000  }
0x10: {  	v1 =	vld [tilespmem:$0x0];
	_ =	sdelay $0x1  }
0x11: {  	v2 =	vld [tilespmem:$0x10];
	_ =	sdelay $0x1  }
0x12: {  	v3 =	vld [tilespmem:$0x20]  }
0x13: {  	v0 =	vadd.f32 v1, v0  }
0x14: {  	v1 =	vld [tilespmem:$0x30]  }
0x15: {  	v0 =	vadd.f32 v2, v0  }
0x16: {  	v2 =	vld [tilespmem:$0x40]  }
0x17: {  	v0 =	vadd.f32 v3, v0  }
0x18: {  	v3 =	vld [tilespmem:$0x50]  }
0x19: {  	v0 =	vadd.f32 v1, v0  }
0x1a: {  	v1 =	vld [tilespmem:$0x60]  }
0x1b: {  	v0 =	vadd.f32 v2, v0  }
0x1c: {  	v2 =	vld [tilespmem:$0x70]  }
0x1d: {  	v0 =	vadd.f32 v3, v0  }
0x1e: {  	v3 =	vld [tilespmem:$0x400]  }
0x1f: {  	v0 =	vadd.f32 v1, v0  }
0x20: {  	v1 =	vld [tilespmem:$0x410]  }
0x21: {  	v0 =	vadd.f32 v2, v0  }
0x22: {  	v2 =	vld [tilespmem:$0x420]  }
0x23: {  	v0 =	vadd.f32 v3, v0  }
0x24: {  	v3 =	vld [tilespmem:$0x430]  }
0x25: {  	v0 =	vadd.f32 v1, v0  }
0x26: {  	v1 =	vld [tilespmem:$0x440]  }
0x27: {  	v0 =	vadd.f32 v2, v0  }
0x28: {  	v2 =	vld [tilespmem:$0x450]  }
0x29: {  	v0 =	vadd.f32 v3, v0  }
0x2a: {  	v3 =	vld [tilespmem:$0x460]  }
0x2b: {  	v0 =	vadd.f32 v1, v0  }
0x2c: {  	v1 =	vld [tilespmem:$0x470]  }
0x2d: {  	v0 =	vadd.f32 v2, v0  }
0x2e: {  	v2 =	vld [tilespmem:$0x800]  }
0x2f: {  	v0 =	vadd.f32 v3, v0  }
0x30: {  	v3 =	vld [tilespmem:$0x810]  }
0x31: {  	v0 =	vadd.f32 v1, v0  }
0x32: {  	v1 =	vld [tilespmem:$0x820]  }
0x33: {  	v0 =	vadd.f32 v2, v0  }
0x34: {  	v2 =	vld [tilespmem:$0x830]  }
0x35: {  	v0 =	vadd.f32 v3, v0  }
0x36: {  	v3 =	vld [tilespmem:$0x840]  }
0x37: {  	v0 =	vadd.f32 v1, v0  }
0x38: {  	v1 =	vld [tilespmem:$0x850]  }
0x39: {  	v0 =	vadd.f32 v2, v0  }
0x3a: {  	v2 =	vld [tilespmem:$0x860]  }
0x3b: {  	v0 =	vadd.f32 v3, v0  }
0x3c: {  	v3 =	vld [tilespmem:$0x870]  }
0x3d: {  	v0 =	vadd.f32 v1, v0  }
0x3e: {  	v1 =	vld [tilespmem:$0xC00]  }
0x3f: {  	v0 =	vadd.f32 v2, v0  }
0x40: {  	v2 =	vld [tilespmem:$0xC10]  }
0x41: {  	v0 =	vadd.f32 v3, v0  }
0x42: {  	v3 =	vld [tilespmem:$0xC20]  }
0x43: {  	v0 =	vadd.f32 v1, v0  }
0x44: {  	v1 =	vld [tilespmem:$0xC30]  }
0x45: {  	v0 =	vadd.f32 v2, v0  }
0x46: {  	v2 =	vld [tilespmem:$0xC40]  }
0x47: {  	v0 =	vadd.f32 v3, v0  }
0x48: {  	v3 =	vld [tilespmem:$0xC50]  }
0x49: {  	v0 =	vadd.f32 v1, v0  }
0x4a: {  	v1 =	vld [tilespmem:$0xC60]  }
0x4b: {  	v0 =	vadd.f32 v2, v0  }
0x4c: {  	v2 =	vld [tilespmem:$0xC70]  }
0x4d: {  	v0 =	vadd.f32 v3, v0  }
0x4e: {  	v3 =	vld [tilespmem:$0x1000]  }
0x4f: {  	v0 =	vadd.f32 v1, v0  }
0x50: {  	v1 =	vld [tilespmem:$0x1010]  }
0x51: {  	v0 =	vadd.f32 v2, v0  }
0x52: {  	v2 =	vld [tilespmem:$0x1020]  }
0x53: {  	v0 =	vadd.f32 v3, v0  }
0x54: {  	v3 =	vld [tilespmem:$0x1030]  }
0x55: {  	v0 =	vadd.f32 v1, v0  }
0x56: {  	v1 =	vld [tilespmem:$0x1040]  }
0x57: {  	v0 =	vadd.f32 v2, v0  }
0x58: {  	v2 =	vld [tilespmem:$0x1050]  }
0x59: {  	v0 =	vadd.f32 v3, v0  }
0x5a: {  	v3 =	vld [tilespmem:$0x1060]  }
0x5b: {  	v0 =	vadd.f32 v1, v0  }
0x5c: {  	v1 =	vld [tilespmem:$0x1070]  }
0x5d: {  	v0 =	vadd.f32 v2, v0  }
0x5e: {  	v2 =	vld [tilespmem:$0x1400]  }
0x5f: {  	v0 =	vadd.f32 v3, v0  }
0x60: {  	v3 =	vld [tilespmem:$0x1410]  }
0x61: {  	v0 =	vadd.f32 v1, v0  }
0x62: {  	v1 =	vld [tilespmem:$0x1420]  }
0x63: {  	v0 =	vadd.f32 v2, v0  }
0x64: {  	v2 =	vld [tilespmem:$0x1430]  }
0x65: {  	v0 =	vadd.f32 v3, v0  }
0x66: {  	v3 =	vld [tilespmem:$0x1440]  }
0x67: {  	v0 =	vadd.f32 v1, v0  }
0x68: {  	v1 =	vld [tilespmem:$0x1450]  }
0x69: {  	v0 =	vadd.f32 v2, v0  }
0x6a: {  	v2 =	vld [tilespmem:$0x1460]  }
0x6b: {  	v0 =	vadd.f32 v3, v0  }
0x6c: {  	v3 =	vld [tilespmem:$0x1470]  }
0x6d: {  	v0 =	vadd.f32 v1, v0  }
0x6e: {  	v1 =	vld [tilespmem:$0x1800]  }
0x6f: {  	v0 =	vadd.f32 v2, v0  }
0x70: {  	v2 =	vld [tilespmem:$0x1810]  }
0x71: {  	v0 =	vadd.f32 v3, v0  }
0x72: {  	v3 =	vld [tilespmem:$0x1820]  }
0x73: {  	v0 =	vadd.f32 v1, v0  }
0x74: {  	v1 =	vld [tilespmem:$0x1830]  }
0x75: {  	v0 =	vadd.f32 v2, v0  }
0x76: {  	v2 =	vld [tilespmem:$0x1840]  }
0x77: {  	v0 =	vadd.f32 v3, v0  }
0x78: {  	v3 =	vld [tilespmem:$0x1850]  }
0x79: {  	v0 =	vadd.f32 v1, v0  }
0x7a: {  	v1 =	vld [tilespmem:$0x1860]  }
0x7b: {  	v0 =	vadd.f32 v2, v0  }
0x7c: {  	v2 =	vld [tilespmem:$0x1870]  }
0x7d: {  	v0 =	vadd.f32 v3, v0  }
0x7e: {  	v3 =	vld [tilespmem:$0x1C00]  }
0x7f: {  	v0 =	vadd.f32 v1, v0  }
0x80: {  	v1 =	vld [tilespmem:$0x1C10]  }
0x81: {  	v0 =	vadd.f32 v2, v0  }
0x82: {  	v2 =	vld [tilespmem:$0x1C20]  }
0x83: {  	v0 =	vadd.f32 v3, v0  }
0x84: {  	v3 =	vld [tilespmem:$0x1C30]  }
0x85: {  	v0 =	vadd.f32 v1, v0  }
0x86: {  	v1 =	vld [tilespmem:$0x1C40]  }
0x87: {  	v0 =	vadd.f32 v2, v0  }
0x88: {  	v2 =	vld [tilespmem:$0x1C50]  }
0x89: {  	v0 =	vadd.f32 v3, v0  }
0x8a: {  	v3 =	vld [tilespmem:$0x80]  }
0x8b: {  	v0 =	vadd.f32 v1, v0  }
0x8c: {  	v1 =	vld [tilespmem:$0x90]  }
0x8d: {  	v0 =	vadd.f32 v2, v0  }
0x8e: {  	v2 =	vld [tilespmem:$0xA0]  }
0x8f: {  	v0 =	vadd.f32 v3, v0  }
0x90: {  	v3 =	vld [tilespmem:$0xB0]  }
0x91: {  	v0 =	vadd.f32 v1, v0  }
0x92: {  	v1 =	vld [tilespmem:$0xC0]  }
0x93: {  	v0 =	vadd.f32 v2, v0  }
0x94: {  	v2 =	vld [tilespmem:$0xD0]  }
0x95: {  	v0 =	vadd.f32 v3, v0  }
0x96: {  	v3 =	vld [tilespmem:$0xE0]  }
0x97: {  	v0 =	vadd.f32 v1, v0  }
0x98: {  	v1 =	vld [tilespmem:$0xF0]  }
0x99: {  	v0 =	vadd.f32 v2, v0  }
0x9a: {  	v2 =	vld [tilespmem:$0x480]  }
0x9b: {  	v0 =	vadd.f32 v3, v0  }
0x9c: {  	v3 =	vld [tilespmem:$0x490]  }
0x9d: {  	v0 =	vadd.f32 v1, v0  }
0x9e: {  	v1 =	vld [tilespmem:$0x4A0]  }
0x9f: {  	v0 =	vadd.f32 v2, v0  }
0xa0: {  	v2 =	vld [tilespmem:$0x4B0]  }
0xa1: {  	v0 =	vadd.f32 v3, v0  }
0xa2: {  	v3 =	vld [tilespmem:$0x4C0]  }
0xa3: {  	v0 =	vadd.f32 v1, v0  }
0xa4: {  	v1 =	vld [tilespmem:$0x4D0]  }
0xa5: {  	v0 =	vadd.f32 v2, v0  }
0xa6: {  	v2 =	vld [tilespmem:$0x4E0]  }
0xa7: {  	v0 =	vadd.f32 v3, v0  }
0xa8: {  	v3 =	vld [tilespmem:$0x4F0]  }
0xa9: {  	v0 =	vadd.f32 v1, v0  }
0xaa: {  	v1 =	vld [tilespmem:$0x880]  }
0xab: {  	v0 =	vadd.f32 v2, v0  }
0xac: {  	v2 =	vld [tilespmem:$0x890]  }
0xad: {  	v0 =	vadd.f32 v3, v0  }
0xae: {  	v3 =	vld [tilespmem:$0x8A0]  }
0xaf: {  	v0 =	vadd.f32 v1, v0  }
0xb0: {  	v1 =	vld [tilespmem:$0x8B0]  }
0xb1: {  	v0 =	vadd.f32 v2, v0  }
0xb2: {  	v2 =	vld [tilespmem:$0x8C0]  }
0xb3: {  	v0 =	vadd.f32 v3, v0  }
0xb4: {  	v3 =	vld [tilespmem:$0x8D0]  }
0xb5: {  	v0 =	vadd.f32 v1, v0  }
0xb6: {  	v1 =	vld [tilespmem:$0x8E0]  }
0xb7: {  	v0 =	vadd.f32 v2, v0  }
0xb8: {  	v2 =	vld [tilespmem:$0x8F0]  }
0xb9: {  	v0 =	vadd.f32 v3, v0  }
0xba: {  	v3 =	vld [tilespmem:$0xC80]  }
0xbb: {  	v0 =	vadd.f32 v1, v0  }
0xbc: {  	v1 =	vld [tilespmem:$0xC90]  }
0xbd: {  	v0 =	vadd.f32 v2, v0  }
0xbe: {  	v2 =	vld [tilespmem:$0xCA0]  }
0xbf: {  	v0 =	vadd.f32 v3, v0  }
0xc0: {  	v3 =	vld [tilespmem:$0xCB0]  }
0xc1: {  	v0 =	vadd.f32 v1, v0  }
0xc2: {  	v1 =	vld [tilespmem:$0xCC0]  }
0xc3: {  	v0 =	vadd.f32 v2, v0  }
0xc4: {  	v2 =	vld [tilespmem:$0xCD0]  }
0xc5: {  	v0 =	vadd.f32 v3, v0  }
0xc6: {  	v3 =	vld [tilespmem:$0xCE0]  }
0xc7: {  	v0 =	vadd.f32 v1, v0  }
0xc8: {  	v1 =	vld [tilespmem:$0xCF0]  }
0xc9: {  	v0 =	vadd.f32 v2, v0  }
0xca: {  	v2 =	vld [tilespmem:$0x1080]  }
0xcb: {  	v0 =	vadd.f32 v3, v0  }
0xcc: {  	v3 =	vld [tilespmem:$0x1090]  }
0xcd: {  	v0 =	vadd.f32 v1, v0  }
0xce: {  	v1 =	vld [tilespmem:$0x10A0]  }
0xcf: {  	v0 =	vadd.f32 v2, v0  }
0xd0: {  	v2 =	vld [tilespmem:$0x10B0]  }
0xd1: {  	v0 =	vadd.f32 v3, v0  }
0xd2: {  	v3 =	vld [tilespmem:$0x10C0]  }
0xd3: {  	v0 =	vadd.f32 v1, v0  }
0xd4: {  	v1 =	vld [tilespmem:$0x10D0]  }
0xd5: {  	v0 =	vadd.f32 v2, v0  }
0xd6: {  	v2 =	vld [tilespmem:$0x10E0]  }
0xd7: {  	v0 =	vadd.f32 v3, v0  }
0xd8: {  	v3 =	vld [tilespmem:$0x10F0]  }
0xd9: {  	v0 =	vadd.f32 v1, v0  }
0xda: {  	v1 =	vld [tilespmem:$0x1480]  }
0xdb: {  	v0 =	vadd.f32 v2, v0  }
0xdc: {  	v2 =	vld [tilespmem:$0x1490]  }
0xdd: {  	v0 =	vadd.f32 v3, v0  }
0xde: {  	v3 =	vld [tilespmem:$0x14A0]  }
0xdf: {  	v0 =	vadd.f32 v1, v0  }
0xe0: {  	v1 =	vld [tilespmem:$0x14B0]  }
0xe1: {  	v0 =	vadd.f32 v2, v0  }
0xe2: {  	v2 =	vld [tilespmem:$0x14C0]  }
0xe3: {  	v0 =	vadd.f32 v3, v0  }
0xe4: {  	v3 =	vld [tilespmem:$0x14D0]  }
0xe5: {  	v0 =	vadd.f32 v1, v0  }
0xe6: {  	v1 =	vld [tilespmem:$0x14E0]  }
0xe7: {  	v0 =	vadd.f32 v2, v0  }
0xe8: {  	v2 =	vld [tilespmem:$0x14F0]  }
0xe9: {  	v0 =	vadd.f32 v3, v0  }
0xea: {  	v3 =	vld [tilespmem:$0x1880]  }
0xeb: {  	v0 =	vadd.f32 v1, v0  }
0xec: {  	v1 =	vld [tilespmem:$0x1890]  }
0xed: {  	v0 =	vadd.f32 v2, v0  }
0xee: {  	v2 =	vld [tilespmem:$0x18A0]  }
0xef: {  	v0 =	vadd.f32 v3, v0  }
0xf0: {  	v3 =	vld [tilespmem:$0x18B0]  }
0xf1: {  	v0 =	vadd.f32 v1, v0  }
0xf2: {  	v1 =	vld [tilespmem:$0x18C0]  }
0xf3: {  	v0 =	vadd.f32 v2, v0  }
0xf4: {  	v2 =	vld [tilespmem:$0x18D0]  }
0xf5: {  	v0 =	vadd.f32 v3, v0  }
0xf6: {  	v3 =	vld [tilespmem:$0x18E0]  }
0xf7: {  	v0 =	vadd.f32 v1, v0  }
0xf8: {  	v1 =	vld [tilespmem:$0x18F0]  }
0xf9: {  	v0 =	vadd.f32 v2, v0  }
0xfa: {  	v2 =	vld [tilespmem:$0x1C80]  }
0xfb: {  	v0 =	vadd.f32 v3, v0  }
0xfc: {  	v3 =	vld [tilespmem:$0x1C90]  }
0xfd: {  	v0 =	vadd.f32 v1, v0  }
0xfe: {  	v1 =	vld [tilespmem:$0x1CA0]  }
0xff: {  	v0 =	vadd.f32 v2, v0  }
0x100: {  	v2 =	vld [tilespmem:$0x1CB0]  }
0x101: {  	v0 =	vadd.f32 v3, v0  }
0x102: {  	v3 =	vld [tilespmem:$0x1CC0]  }
0x103: {  	v0 =	vadd.f32 v1, v0  }
0x104: {  	v1 =	vld [tilespmem:$0x1CD0]  }
0x105: {  	v0 =	vadd.f32 v2, v0  }
0x106: {  	v2 =	vld [tilespmem:$0x100]  }
0x107: {  	v0 =	vadd.f32 v3, v0  }
0x108: {  	v3 =	vld [tilespmem:$0x110]  }
0x109: {  	v0 =	vadd.f32 v1, v0  }
0x10a: {  	v1 =	vld [tilespmem:$0x120]  }
0x10b: {  	v0 =	vadd.f32 v2, v0  }
0x10c: {  	v2 =	vld [tilespmem:$0x130]  }
0x10d: {  	v0 =	vadd.f32 v3, v0  }
0x10e: {  	v3 =	vld [tilespmem:$0x140]  }
0x10f: {  	v0 =	vadd.f32 v1, v0  }
0x110: {  	v1 =	vld [tilespmem:$0x150]  }
0x111: {  	v0 =	vadd.f32 v2, v0  }
0x112: {  	v2 =	vld [tilespmem:$0x160]  }
0x113: {  	v0 =	vadd.f32 v3, v0  }
0x114: {  	v3 =	vld [tilespmem:$0x170]  }
0x115: {  	v0 =	vadd.f32 v1, v0  }
0x116: {  	v1 =	vld [tilespmem:$0x500]  }
0x117: {  	v0 =	vadd.f32 v2, v0  }
0x118: {  	v2 =	vld [tilespmem:$0x510]  }
0x119: {  	v0 =	vadd.f32 v3, v0  }
0x11a: {  	v3 =	vld [tilespmem:$0x520]  }
0x11b: {  	v0 =	vadd.f32 v1, v0  }
0x11c: {  	v1 =	vld [tilespmem:$0x530]  }
0x11d: {  	v0 =	vadd.f32 v2, v0  }
0x11e: {  	v2 =	vld [tilespmem:$0x540]  }
0x11f: {  	v0 =	vadd.f32 v3, v0  }
0x120: {  	v3 =	vld [tilespmem:$0x550]  }
0x121: {  	v0 =	vadd.f32 v1, v0  }
0x122: {  	v1 =	vld [tilespmem:$0x560]  }
0x123: {  	v0 =	vadd.f32 v2, v0  }
0x124: {  	v2 =	vld [tilespmem:$0x570]  }
0x125: {  	v0 =	vadd.f32 v3, v0  }
0x126: {  	v3 =	vld [tilespmem:$0x900]  }
0x127: {  	v0 =	vadd.f32 v1, v0  }
0x128: {  	v1 =	vld [tilespmem:$0x910]  }
0x129: {  	v0 =	vadd.f32 v2, v0  }
0x12a: {  	v2 =	vld [tilespmem:$0x920]  }
0x12b: {  	v0 =	vadd.f32 v3, v0  }
0x12c: {  	v3 =	vld [tilespmem:$0x930]  }
0x12d: {  	v0 =	vadd.f32 v1, v0  }
0x12e: {  	v1 =	vld [tilespmem:$0x940]  }
0x12f: {  	v0 =	vadd.f32 v2, v0  }
0x130: {  	v2 =	vld [tilespmem:$0x950]  }
0x131: {  	v0 =	vadd.f32 v3, v0  }
0x132: {  	v3 =	vld [tilespmem:$0x960]  }
0x133: {  	v0 =	vadd.f32 v1, v0  }
0x134: {  	v1 =	vld [tilespmem:$0x970]  }
0x135: {  	v0 =	vadd.f32 v2, v0  }
0x136: {  	v2 =	vld [tilespmem:$0xD00]  }
0x137: {  	v0 =	vadd.f32 v3, v0  }
0x138: {  	v3 =	vld [tilespmem:$0xD10]  }
0x139: {  	v0 =	vadd.f32 v1, v0  }
0x13a: {  	v1 =	vld [tilespmem:$0xD20]  }
0x13b: {  	v0 =	vadd.f32 v2, v0  }
0x13c: {  	v2 =	vld [tilespmem:$0xD30]  }
0x13d: {  	v0 =	vadd.f32 v3, v0  }
0x13e: {  	v3 =	vld [tilespmem:$0xD40]  }
0x13f: {  	v0 =	vadd.f32 v1, v0  }
0x140: {  	v1 =	vld [tilespmem:$0xD50]  }
0x141: {  	v0 =	vadd.f32 v2, v0  }
0x142: {  	v2 =	vld [tilespmem:$0xD60]  }
0x143: {  	v0 =	vadd.f32 v3, v0  }
0x144: {  	v3 =	vld [tilespmem:$0xD70]  }
0x145: {  	v0 =	vadd.f32 v1, v0  }
0x146: {  	v1 =	vld [tilespmem:$0x1100]  }
0x147: {  	v0 =	vadd.f32 v2, v0  }
0x148: {  	v2 =	vld [tilespmem:$0x1110]  }
0x149: {  	v0 =	vadd.f32 v3, v0  }
0x14a: {  	v3 =	vld [tilespmem:$0x1120]  }
0x14b: {  	v0 =	vadd.f32 v1, v0  }
0x14c: {  	v1 =	vld [tilespmem:$0x1130]  }
0x14d: {  	v0 =	vadd.f32 v2, v0  }
0x14e: {  	v2 =	vld [tilespmem:$0x1140]  }
0x14f: {  	v0 =	vadd.f32 v3, v0  }
0x150: {  	v3 =	vld [tilespmem:$0x1150]  }
0x151: {  	v0 =	vadd.f32 v1, v0  }
0x152: {  	v1 =	vld [tilespmem:$0x1160]  }
0x153: {  	v0 =	vadd.f32 v2, v0  }
0x154: {  	v2 =	vld [tilespmem:$0x1170]  }
0x155: {  	v0 =	vadd.f32 v3, v0  }
0x156: {  	v3 =	vld [tilespmem:$0x1500]  }
0x157: {  	v0 =	vadd.f32 v1, v0  }
0x158: {  	v1 =	vld [tilespmem:$0x1510]  }
0x159: {  	v0 =	vadd.f32 v2, v0  }
0x15a: {  	v2 =	vld [tilespmem:$0x1520]  }
0x15b: {  	v0 =	vadd.f32 v3, v0  }
0x15c: {  	v3 =	vld [tilespmem:$0x1530]  }
0x15d: {  	v0 =	vadd.f32 v1, v0  }
0x15e: {  	v1 =	vld [tilespmem:$0x1540]  }
0x15f: {  	v0 =	vadd.f32 v2, v0  }
0x160: {  	v2 =	vld [tilespmem:$0x1550]  }
0x161: {  	v0 =	vadd.f32 v3, v0  }
0x162: {  	v3 =	vld [tilespmem:$0x1560]  }
0x163: {  	v0 =	vadd.f32 v1, v0  }
0x164: {  	v1 =	vld [tilespmem:$0x1570]  }
0x165: {  	v0 =	vadd.f32 v2, v0  }
0x166: {  	v2 =	vld [tilespmem:$0x1900]  }
0x167: {  	v0 =	vadd.f32 v3, v0  }
0x168: {  	v3 =	vld [tilespmem:$0x1910]  }
0x169: {  	v0 =	vadd.f32 v1, v0  }
0x16a: {  	v1 =	vld [tilespmem:$0x1920]  }
0x16b: {  	v0 =	vadd.f32 v2, v0  }
0x16c: {  	v2 =	vld [tilespmem:$0x1930]  }
0x16d: {  	v0 =	vadd.f32 v3, v0  }
0x16e: {  	v3 =	vld [tilespmem:$0x1940]  }
0x16f: {  	v0 =	vadd.f32 v1, v0  }
0x170: {  	v1 =	vld [tilespmem:$0x1950]  }
0x171: {  	v0 =	vadd.f32 v2, v0  }
0x172: {  	v2 =	vld [tilespmem:$0x1960]  }
0x173: {  	v0 =	vadd.f32 v3, v0  }
0x174: {  	v3 =	vld [tilespmem:$0x1970]  }
0x175: {  	v0 =	vadd.f32 v1, v0  }
0x176: {  	v1 =	vld [tilespmem:$0x1D00]  }
0x177: {  	v0 =	vadd.f32 v2, v0  }
0x178: {  	v2 =	vld [tilespmem:$0x1D10]  }
0x179: {  	v0 =	vadd.f32 v3, v0  }
0x17a: {  	v3 =	vld [tilespmem:$0x1D20]  }
0x17b: {  	v0 =	vadd.f32 v1, v0  }
0x17c: {  	v1 =	vld [tilespmem:$0x1D30]  }
0x17d: {  	v0 =	vadd.f32 v2, v0  }
0x17e: {  	v2 =	vld [tilespmem:$0x1D40]  }
0x17f: {  	v0 =	vadd.f32 v3, v0  }
0x180: {  	v3 =	vld [tilespmem:$0x1D50]  }
0x181: {  	v0 =	vadd.f32 v1, v0  }
0x182: {  	v1 =	vld [tilespmem:$0x180]  }
0x183: {  	v0 =	vadd.f32 v2, v0  }
0x184: {  	v2 =	vld [tilespmem:$0x190]  }
0x185: {  	v0 =	vadd.f32 v3, v0  }
0x186: {  	v3 =	vld [tilespmem:$0x1A0]  }
0x187: {  	v0 =	vadd.f32 v1, v0  }
0x188: {  	v1 =	vld [tilespmem:$0x1B0]  }
0x189: {  	v0 =	vadd.f32 v2, v0  }
0x18a: {  	v2 =	vld [tilespmem:$0x1C0]  }
0x18b: {  	v0 =	vadd.f32 v3, v0  }
0x18c: {  	v3 =	vld [tilespmem:$0x1D0]  }
0x18d: {  	v0 =	vadd.f32 v1, v0  }
0x18e: {  	v1 =	vld [tilespmem:$0x1E0]  }
0x18f: {  	v0 =	vadd.f32 v2, v0  }
0x190: {  	v2 =	vld [tilespmem:$0x1F0]  }
0x191: {  	v0 =	vadd.f32 v3, v0  }
0x192: {  	v3 =	vld [tilespmem:$0x580]  }
0x193: {  	v0 =	vadd.f32 v1, v0  }
0x194: {  	v1 =	vld [tilespmem:$0x590]  }
0x195: {  	v0 =	vadd.f32 v2, v0  }
0x196: {  	v2 =	vld [tilespmem:$0x5A0]  }
0x197: {  	v0 =	vadd.f32 v3, v0  }
0x198: {  	v3 =	vld [tilespmem:$0x5B0]  }
0x199: {  	v0 =	vadd.f32 v1, v0  }
0x19a: {  	v1 =	vld [tilespmem:$0x5C0]  }
0x19b: {  	v0 =	vadd.f32 v2, v0  }
0x19c: {  	v2 =	vld [tilespmem:$0x5D0]  }
0x19d: {  	v0 =	vadd.f32 v3, v0  }
0x19e: {  	v3 =	vld [tilespmem:$0x5E0]  }
0x19f: {  	v0 =	vadd.f32 v1, v0  }
0x1a0: {  	v1 =	vld [tilespmem:$0x5F0]  }
0x1a1: {  	v0 =	vadd.f32 v2, v0  }
0x1a2: {  	v2 =	vld [tilespmem:$0x980]  }
0x1a3: {  	v0 =	vadd.f32 v3, v0  }
0x1a4: {  	v3 =	vld [tilespmem:$0x990]  }
0x1a5: {  	v0 =	vadd.f32 v1, v0  }
0x1a6: {  	v1 =	vld [tilespmem:$0x9A0]  }
0x1a7: {  	v0 =	vadd.f32 v2, v0  }
0x1a8: {  	v2 =	vld [tilespmem:$0x9B0]  }
0x1a9: {  	v0 =	vadd.f32 v3, v0  }
0x1aa: {  	v3 =	vld [tilespmem:$0x9C0]  }
0x1ab: {  	v0 =	vadd.f32 v1, v0  }
0x1ac: {  	v1 =	vld [tilespmem:$0x9D0]  }
0x1ad: {  	v0 =	vadd.f32 v2, v0  }
0x1ae: {  	v2 =	vld [tilespmem:$0x9E0]  }
0x1af: {  	v0 =	vadd.f32 v3, v0  }
0x1b0: {  	v3 =	vld [tilespmem:$0x9F0]  }
0x1b1: {  	v0 =	vadd.f32 v1, v0  }
0x1b2: {  	v1 =	vld [tilespmem:$0xD80]  }
0x1b3: {  	v0 =	vadd.f32 v2, v0  }
0x1b4: {  	v2 =	vld [tilespmem:$0xD90]  }
0x1b5: {  	v0 =	vadd.f32 v3, v0  }
0x1b6: {  	v3 =	vld [tilespmem:$0xDA0]  }
0x1b7: {  	v0 =	vadd.f32 v1, v0  }
0x1b8: {  	v1 =	vld [tilespmem:$0xDB0]  }
0x1b9: {  	v0 =	vadd.f32 v2, v0  }
0x1ba: {  	v2 =	vld [tilespmem:$0xDC0]  }
0x1bb: {  	v0 =	vadd.f32 v3, v0  }
0x1bc: {  	v3 =	vld [tilespmem:$0xDD0]  }
0x1bd: {  	v0 =	vadd.f32 v1, v0  }
0x1be: {  	v1 =	vld [tilespmem:$0xDE0]  }
0x1bf: {  	v0 =	vadd.f32 v2, v0  }
0x1c0: {  	v2 =	vld [tilespmem:$0xDF0]  }
0x1c1: {  	v0 =	vadd.f32 v3, v0  }
0x1c2: {  	v3 =	vld [tilespmem:$0x1180]  }
0x1c3: {  	v0 =	vadd.f32 v1, v0  }
0x1c4: {  	v1 =	vld [tilespmem:$0x1190]  }
0x1c5: {  	v0 =	vadd.f32 v2, v0  }
0x1c6: {  	v2 =	vld [tilespmem:$0x11A0]  }
0x1c7: {  	v0 =	vadd.f32 v3, v0  }
0x1c8: {  	v3 =	vld [tilespmem:$0x11B0]  }
0x1c9: {  	v0 =	vadd.f32 v1, v0  }
0x1ca: {  	v1 =	vld [tilespmem:$0x11C0]  }
0x1cb: {  	v0 =	vadd.f32 v2, v0  }
0x1cc: {  	v2 =	vld [tilespmem:$0x11D0]  }
0x1cd: {  	v0 =	vadd.f32 v3, v0  }
0x1ce: {  	v3 =	vld [tilespmem:$0x11E0]  }
0x1cf: {  	v0 =	vadd.f32 v1, v0  }
0x1d0: {  	v1 =	vld [tilespmem:$0x11F0]  }
0x1d1: {  	v0 =	vadd.f32 v2, v0  }
0x1d2: {  	v2 =	vld [tilespmem:$0x1580]  }
0x1d3: {  	v0 =	vadd.f32 v3, v0  }
0x1d4: {  	v3 =	vld [tilespmem:$0x1590]  }
0x1d5: {  	v0 =	vadd.f32 v1, v0  }
0x1d6: {  	v1 =	vld [tilespmem:$0x15A0]  }
0x1d7: {  	v0 =	vadd.f32 v2, v0  }
0x1d8: {  	v2 =	vld [tilespmem:$0x15B0]  }
0x1d9: {  	v0 =	vadd.f32 v3, v0  }
0x1da: {  	v3 =	vld [tilespmem:$0x15C0]  }
0x1db: {  	v0 =	vadd.f32 v1, v0  }
0x1dc: {  	v1 =	vld [tilespmem:$0x15D0]  }
0x1dd: {  	v0 =	vadd.f32 v2, v0  }
0x1de: {  	v2 =	vld [tilespmem:$0x15E0]  }
0x1df: {  	v0 =	vadd.f32 v3, v0  }
0x1e0: {  	v3 =	vld [tilespmem:$0x15F0]  }
0x1e1: {  	v0 =	vadd.f32 v1, v0  }
0x1e2: {  	v1 =	vld [tilespmem:$0x1980]  }
0x1e3: {  	v0 =	vadd.f32 v2, v0  }
0x1e4: {  	v2 =	vld [tilespmem:$0x1990]  }
0x1e5: {  	v0 =	vadd.f32 v3, v0  }
0x1e6: {  	v3 =	vld [tilespmem:$0x19A0]  }
0x1e7: {  	v0 =	vadd.f32 v1, v0  }
0x1e8: {  	v1 =	vld [tilespmem:$0x19B0]  }
0x1e9: {  	v0 =	vadd.f32 v2, v0  }
0x1ea: {  	v2 =	vld [tilespmem:$0x19C0]  }
0x1eb: {  	v0 =	vadd.f32 v3, v0  }
0x1ec: {  	v3 =	vld [tilespmem:$0x19D0]  }
0x1ed: {  	v0 =	vadd.f32 v1, v0  }
0x1ee: {  	v1 =	vld [tilespmem:$0x19E0]  }
0x1ef: {  	v0 =	vadd.f32 v2, v0  }
0x1f0: {  	v2 =	vld [tilespmem:$0x19F0]  }
0x1f1: {  	v0 =	vadd.f32 v3, v0  }
0x1f2: {  	v3 =	vld [tilespmem:$0x1D80]  }
0x1f3: {  	v0 =	vadd.f32 v1, v0  }
0x1f4: {  	v1 =	vld [tilespmem:$0x1D90]  }
0x1f5: {  	v0 =	vadd.f32 v2, v0  }
0x1f6: {  	v2 =	vld [tilespmem:$0x1DA0]  }
0x1f7: {  	v0 =	vadd.f32 v3, v0  }
0x1f8: {  	v3 =	vld [tilespmem:$0x1DB0]  }
0x1f9: {  	v0 =	vadd.f32 v1, v0  }
0x1fa: {  	v1 =	vld [tilespmem:$0x1DC0]  }
0x1fb: {  	v0 =	vadd.f32 v2, v0  }
0x1fc: {  	v2 =	vld [tilespmem:$0x1DD0]  }
0x1fd: {  	v0 =	vadd.f32 v3, v0  }
0x1fe: {  	v3 =	vld [tilespmem:$0x200]  }
0x1ff: {  	v0 =	vadd.f32 v1, v0  }
0x200: {  	v1 =	vld [tilespmem:$0x210]  }
0x201: {  	v0 =	vadd.f32 v2, v0  }
0x202: {  	v2 =	vld [tilespmem:$0x220]  }
0x203: {  	v0 =	vadd.f32 v3, v0  }
0x204: {  	v3 =	vld [tilespmem:$0x230]  }
0x205: {  	v0 =	vadd.f32 v1, v0  }
0x206: {  	v1 =	vld [tilespmem:$0x240]  }
0x207: {  	v0 =	vadd.f32 v2, v0  }
0x208: {  	v2 =	vld [tilespmem:$0x250]  }
0x209: {  	v0 =	vadd.f32 v3, v0  }
0x20a: {  	v3 =	vld [tilespmem:$0x260]  }
0x20b: {  	v0 =	vadd.f32 v1, v0  }
0x20c: {  	v1 =	vld [tilespmem:$0x270]  }
0x20d: {  	v0 =	vadd.f32 v2, v0  }
0x20e: {  	v2 =	vld [tilespmem:$0x600]  }
0x20f: {  	v0 =	vadd.f32 v3, v0  }
0x210: {  	v3 =	vld [tilespmem:$0x610]  }
0x211: {  	v0 =	vadd.f32 v1, v0  }
0x212: {  	v1 =	vld [tilespmem:$0x620]  }
0x213: {  	v0 =	vadd.f32 v2, v0  }
0x214: {  	v2 =	vld [tilespmem:$0x630]  }
0x215: {  	v0 =	vadd.f32 v3, v0  }
0x216: {  	v3 =	vld [tilespmem:$0x640]  }
0x217: {  	v0 =	vadd.f32 v1, v0  }
0x218: {  	v1 =	vld [tilespmem:$0x650]  }
0x219: {  	v0 =	vadd.f32 v2, v0  }
0x21a: {  	v2 =	vld [tilespmem:$0x660]  }
0x21b: {  	v0 =	vadd.f32 v3, v0  }
0x21c: {  	v3 =	vld [tilespmem:$0x670]  }
0x21d: {  	v0 =	vadd.f32 v1, v0  }
0x21e: {  	v1 =	vld [tilespmem:$0xA00]  }
0x21f: {  	v0 =	vadd.f32 v2, v0  }
0x220: {  	v2 =	vld [tilespmem:$0xA10]  }
0x221: {  	v0 =	vadd.f32 v3, v0  }
0x222: {  	v3 =	vld [tilespmem:$0xA20]  }
0x223: {  	v0 =	vadd.f32 v1, v0  }
0x224: {  	v1 =	vld [tilespmem:$0xA30]  }
0x225: {  	v0 =	vadd.f32 v2, v0  }
0x226: {  	v2 =	vld [tilespmem:$0xA40]  }
0x227: {  	v0 =	vadd.f32 v3, v0  }
0x228: {  	v3 =	vld [tilespmem:$0xA50]  }
0x229: {  	v0 =	vadd.f32 v1, v0  }
0x22a: {  	v1 =	vld [tilespmem:$0xA60]  }
0x22b: {  	v0 =	vadd.f32 v2, v0  }
0x22c: {  	v2 =	vld [tilespmem:$0xA70]  }
0x22d: {  	v0 =	vadd.f32 v3, v0  }
0x22e: {  	v3 =	vld [tilespmem:$0xE00]  }
0x22f: {  	v0 =	vadd.f32 v1, v0  }
0x230: {  	v1 =	vld [tilespmem:$0xE10]  }
0x231: {  	v0 =	vadd.f32 v2, v0  }
0x232: {  	v2 =	vld [tilespmem:$0xE20]  }
0x233: {  	v0 =	vadd.f32 v3, v0  }
0x234: {  	v3 =	vld [tilespmem:$0xE30]  }
0x235: {  	v0 =	vadd.f32 v1, v0  }
0x236: {  	v1 =	vld [tilespmem:$0xE40]  }
0x237: {  	v0 =	vadd.f32 v2, v0  }
0x238: {  	v2 =	vld [tilespmem:$0xE50]  }
0x239: {  	v0 =	vadd.f32 v3, v0  }
0x23a: {  	v3 =	vld [tilespmem:$0xE60]  }
0x23b: {  	v0 =	vadd.f32 v1, v0  }
0x23c: {  	v1 =	vld [tilespmem:$0xE70]  }
0x23d: {  	v0 =	vadd.f32 v2, v0  }
0x23e: {  	v2 =	vld [tilespmem:$0x1200]  }
0x23f: {  	v0 =	vadd.f32 v3, v0  }
0x240: {  	v3 =	vld [tilespmem:$0x1210]  }
0x241: {  	v0 =	vadd.f32 v1, v0  }
0x242: {  	v1 =	vld [tilespmem:$0x1220]  }
0x243: {  	v0 =	vadd.f32 v2, v0  }
0x244: {  	v2 =	vld [tilespmem:$0x1230]  }
0x245: {  	v0 =	vadd.f32 v3, v0  }
0x246: {  	v3 =	vld [tilespmem:$0x1240]  }
0x247: {  	v0 =	vadd.f32 v1, v0  }
0x248: {  	v1 =	vld [tilespmem:$0x1250]  }
0x249: {  	v0 =	vadd.f32 v2, v0  }
0x24a: {  	v2 =	vld [tilespmem:$0x1260]  }
0x24b: {  	v0 =	vadd.f32 v3, v0  }
0x24c: {  	v3 =	vld [tilespmem:$0x1270]  }
0x24d: {  	v0 =	vadd.f32 v1, v0  }
0x24e: {  	v1 =	vld [tilespmem:$0x1600]  }
0x24f: {  	v0 =	vadd.f32 v2, v0  }
0x250: {  	v2 =	vld [tilespmem:$0x1610]  }
0x251: {  	v0 =	vadd.f32 v3, v0  }
0x252: {  	v3 =	vld [tilespmem:$0x1620]  }
0x253: {  	v0 =	vadd.f32 v1, v0  }
0x254: {  	v1 =	vld [tilespmem:$0x1630]  }
0x255: {  	v0 =	vadd.f32 v2, v0  }
0x256: {  	v2 =	vld [tilespmem:$0x1640]  }
0x257: {  	v0 =	vadd.f32 v3, v0  }
0x258: {  	v3 =	vld [tilespmem:$0x1650]  }
0x259: {  	v0 =	vadd.f32 v1, v0  }
0x25a: {  	v1 =	vld [tilespmem:$0x1660]  }
0x25b: {  	v0 =	vadd.f32 v2, v0  }
0x25c: {  	v2 =	vld [tilespmem:$0x1670]  }
0x25d: {  	v0 =	vadd.f32 v3, v0  }
0x25e: {  	v3 =	vld [tilespmem:$0x1A00]  }
0x25f: {  	v0 =	vadd.f32 v1, v0  }
0x260: {  	v1 =	vld [tilespmem:$0x1A10]  }
0x261: {  	v0 =	vadd.f32 v2, v0  }
0x262: {  	v2 =	vld [tilespmem:$0x1A20]  }
0x263: {  	v0 =	vadd.f32 v3, v0  }
0x264: {  	v3 =	vld [tilespmem:$0x1A30]  }
0x265: {  	v0 =	vadd.f32 v1, v0  }
0x266: {  	v1 =	vld [tilespmem:$0x1A40]  }
0x267: {  	v0 =	vadd.f32 v2, v0  }
0x268: {  	v2 =	vld [tilespmem:$0x1A50]  }
0x269: {  	v0 =	vadd.f32 v3, v0  }
0x26a: {  	v3 =	vld [tilespmem:$0x1A60]  }
0x26b: {  	v0 =	vadd.f32 v1, v0  }
0x26c: {  	v1 =	vld [tilespmem:$0x1A70]  }
0x26d: {  	v0 =	vadd.f32 v2, v0  }
0x26e: {  	v2 =	vld [tilespmem:$0x1E00]  }
0x26f: {  	v0 =	vadd.f32 v3, v0  }
0x270: {  	v3 =	vld [tilespmem:$0x1E10]  }
0x271: {  	v0 =	vadd.f32 v1, v0  }
0x272: {  	v1 =	vld [tilespmem:$0x1E20]  }
0x273: {  	v0 =	vadd.f32 v2, v0  }
0x274: {  	v2 =	vld [tilespmem:$0x1E30]  }
0x275: {  	v0 =	vadd.f32 v3, v0  }
0x276: {  	v3 =	vld [tilespmem:$0x1E40]  }
0x277: {  	v0 =	vadd.f32 v1, v0  }
0x278: {  	v1 =	vld [tilespmem:$0x1E50]  }
0x279: {  	v0 =	vadd.f32 v2, v0  }
0x27a: {  	v2 =	vld [tilespmem:$0x280]  }
0x27b: {  	v0 =	vadd.f32 v3, v0  }
0x27c: {  	v3 =	vld [tilespmem:$0x290]  }
0x27d: {  	v0 =	vadd.f32 v1, v0  }
0x27e: {  	v1 =	vld [tilespmem:$0x2A0]  }
0x27f: {  	v0 =	vadd.f32 v2, v0  }
0x280: {  	v2 =	vld [tilespmem:$0x2B0]  }
0x281: {  	v0 =	vadd.f32 v3, v0  }
0x282: {  	v3 =	vld [tilespmem:$0x2C0]  }
0x283: {  	v0 =	vadd.f32 v1, v0  }
0x284: {  	v1 =	vld [tilespmem:$0x2D0]  }
0x285: {  	v0 =	vadd.f32 v2, v0  }
0x286: {  	v2 =	vld [tilespmem:$0x2E0]  }
0x287: {  	v0 =	vadd.f32 v3, v0  }
0x288: {  	v3 =	vld [tilespmem:$0x2F0]  }
0x289: {  	v0 =	vadd.f32 v1, v0  }
0x28a: {  	v1 =	vld [tilespmem:$0x680]  }
0x28b: {  	v0 =	vadd.f32 v2, v0  }
0x28c: {  	v2 =	vld [tilespmem:$0x690]  }
0x28d: {  	v0 =	vadd.f32 v3, v0  }
0x28e: {  	v3 =	vld [tilespmem:$0x6A0]  }
0x28f: {  	v0 =	vadd.f32 v1, v0  }
0x290: {  	v1 =	vld [tilespmem:$0x6B0]  }
0x291: {  	v0 =	vadd.f32 v2, v0  }
0x292: {  	v2 =	vld [tilespmem:$0x6C0]  }
0x293: {  	v0 =	vadd.f32 v3, v0  }
0x294: {  	v3 =	vld [tilespmem:$0x6D0]  }
0x295: {  	v0 =	vadd.f32 v1, v0  }
0x296: {  	v1 =	vld [tilespmem:$0x6E0]  }
0x297: {  	v0 =	vadd.f32 v2, v0  }
0x298: {  	v2 =	vld [tilespmem:$0x6F0]  }
0x299: {  	v0 =	vadd.f32 v3, v0  }
0x29a: {  	v3 =	vld [tilespmem:$0xA80]  }
0x29b: {  	v0 =	vadd.f32 v1, v0  }
0x29c: {  	v1 =	vld [tilespmem:$0xA90]  }
0x29d: {  	v0 =	vadd.f32 v2, v0  }
0x29e: {  	v2 =	vld [tilespmem:$0xAA0]  }
0x29f: {  	v0 =	vadd.f32 v3, v0  }
0x2a0: {  	v3 =	vld [tilespmem:$0xAB0]  }
0x2a1: {  	v0 =	vadd.f32 v1, v0  }
0x2a2: {  	v1 =	vld [tilespmem:$0xAC0]  }
0x2a3: {  	v0 =	vadd.f32 v2, v0  }
0x2a4: {  	v2 =	vld [tilespmem:$0xAD0]  }
0x2a5: {  	v0 =	vadd.f32 v3, v0  }
0x2a6: {  	v3 =	vld [tilespmem:$0xAE0]  }
0x2a7: {  	v0 =	vadd.f32 v1, v0  }
0x2a8: {  	v1 =	vld [tilespmem:$0xAF0]  }
0x2a9: {  	v0 =	vadd.f32 v2, v0  }
0x2aa: {  	v2 =	vld [tilespmem:$0xE80]  }
0x2ab: {  	v0 =	vadd.f32 v3, v0  }
0x2ac: {  	v3 =	vld [tilespmem:$0xE90]  }
0x2ad: {  	v0 =	vadd.f32 v1, v0  }
0x2ae: {  	v1 =	vld [tilespmem:$0xEA0]  }
0x2af: {  	v0 =	vadd.f32 v2, v0  }
0x2b0: {  	v2 =	vld [tilespmem:$0xEB0]  }
0x2b1: {  	v0 =	vadd.f32 v3, v0  }
0x2b2: {  	v3 =	vld [tilespmem:$0xEC0]  }
0x2b3: {  	v0 =	vadd.f32 v1, v0  }
0x2b4: {  	v1 =	vld [tilespmem:$0xED0]  }
0x2b5: {  	v0 =	vadd.f32 v2, v0  }
0x2b6: {  	v2 =	vld [tilespmem:$0xEE0]  }
0x2b7: {  	v0 =	vadd.f32 v3, v0  }
0x2b8: {  	v3 =	vld [tilespmem:$0xEF0]  }
0x2b9: {  	v0 =	vadd.f32 v1, v0  }
0x2ba: {  	v1 =	vld [tilespmem:$0x1280]  }
0x2bb: {  	v0 =	vadd.f32 v2, v0  }
0x2bc: {  	v2 =	vld [tilespmem:$0x1290]  }
0x2bd: {  	v0 =	vadd.f32 v3, v0  }
0x2be: {  	v3 =	vld [tilespmem:$0x12A0]  }
0x2bf: {  	v0 =	vadd.f32 v1, v0  }
0x2c0: {  	v1 =	vld [tilespmem:$0x12B0]  }
0x2c1: {  	v0 =	vadd.f32 v2, v0  }
0x2c2: {  	v2 =	vld [tilespmem:$0x12C0]  }
0x2c3: {  	v0 =	vadd.f32 v3, v0  }
0x2c4: {  	v3 =	vld [tilespmem:$0x12D0]  }
0x2c5: {  	v0 =	vadd.f32 v1, v0  }
0x2c6: {  	v1 =	vld [tilespmem:$0x12E0]  }
0x2c7: {  	v0 =	vadd.f32 v2, v0  }
0x2c8: {  	v2 =	vld [tilespmem:$0x12F0]  }
0x2c9: {  	v0 =	vadd.f32 v3, v0  }
0x2ca: {  	v3 =	vld [tilespmem:$0x1680]  }
0x2cb: {  	v0 =	vadd.f32 v1, v0  }
0x2cc: {  	v1 =	vld [tilespmem:$0x1690]  }
0x2cd: {  	v0 =	vadd.f32 v2, v0  }
0x2ce: {  	v2 =	vld [tilespmem:$0x16A0]  }
0x2cf: {  	v0 =	vadd.f32 v3, v0  }
0x2d0: {  	v3 =	vld [tilespmem:$0x16B0]  }
0x2d1: {  	v0 =	vadd.f32 v1, v0  }
0x2d2: {  	v1 =	vld [tilespmem:$0x16C0]  }
0x2d3: {  	v0 =	vadd.f32 v2, v0  }
0x2d4: {  	v2 =	vld [tilespmem:$0x16D0]  }
0x2d5: {  	v0 =	vadd.f32 v3, v0  }
0x2d6: {  	v3 =	vld [tilespmem:$0x16E0]  }
0x2d7: {  	v0 =	vadd.f32 v1, v0  }
0x2d8: {  	v1 =	vld [tilespmem:$0x16F0]  }
0x2d9: {  	v0 =	vadd.f32 v2, v0  }
0x2da: {  	v2 =	vld [tilespmem:$0x1A80]  }
0x2db: {  	v0 =	vadd.f32 v3, v0  }
0x2dc: {  	v3 =	vld [tilespmem:$0x1A90]  }
0x2dd: {  	v0 =	vadd.f32 v1, v0  }
0x2de: {  	v1 =	vld [tilespmem:$0x1AA0]  }
0x2df: {  	v0 =	vadd.f32 v2, v0  }
0x2e0: {  	v2 =	vld [tilespmem:$0x1AB0]  }
0x2e1: {  	v0 =	vadd.f32 v3, v0  }
0x2e2: {  	v3 =	vld [tilespmem:$0x1AC0]  }
0x2e3: {  	v0 =	vadd.f32 v1, v0  }
0x2e4: {  	v1 =	vld [tilespmem:$0x1AD0]  }
0x2e5: {  	v0 =	vadd.f32 v2, v0  }
0x2e6: {  	v2 =	vld [tilespmem:$0x1AE0]  }
0x2e7: {  	v0 =	vadd.f32 v3, v0  }
0x2e8: {  	v3 =	vld [tilespmem:$0x1AF0]  }
0x2e9: {  	v0 =	vadd.f32 v1, v0  }
0x2ea: {  	v1 =	vld [tilespmem:$0x1E80]  }
0x2eb: {  	v0 =	vadd.f32 v2, v0  }
0x2ec: {  	v2 =	vld [tilespmem:$0x1E90]  }
0x2ed: {  	v0 =	vadd.f32 v3, v0  }
0x2ee: {  	v3 =	vld [tilespmem:$0x1EA0]  }
0x2ef: {  	v0 =	vadd.f32 v1, v0  }
0x2f0: {  	v1 =	vld [tilespmem:$0x1EB0]  }
0x2f1: {  	v0 =	vadd.f32 v2, v0  }
0x2f2: {  	v2 =	vld [tilespmem:$0x1EC0]  }
0x2f3: {  	v0 =	vadd.f32 v3, v0  }
0x2f4: {  	v3 =	vld [tilespmem:$0x1ED0]  }
0x2f5: {  	v0 =	vadd.f32 v1, v0  }
0x2f6: {  	v1 =	vld [tilespmem:$0x300]  }
0x2f7: {  	v0 =	vadd.f32 v2, v0  }
0x2f8: {  	v2 =	vld [tilespmem:$0x310]  }
0x2f9: {  	v0 =	vadd.f32 v3, v0  }
0x2fa: {  	v3 =	vld [tilespmem:$0x320]  }
0x2fb: {  	v0 =	vadd.f32 v1, v0  }
0x2fc: {  	v1 =	vld [tilespmem:$0x330]  }
0x2fd: {  	v0 =	vadd.f32 v2, v0  }
0x2fe: {  	v2 =	vld [tilespmem:$0x340]  }
0x2ff: {  	v0 =	vadd.f32 v3, v0  }
0x300: {  	v3 =	vld [tilespmem:$0x350]  }
0x301: {  	v0 =	vadd.f32 v1, v0  }
0x302: {  	v1 =	vld [tilespmem:$0x360]  }
0x303: {  	v0 =	vadd.f32 v2, v0  }
0x304: {  	v2 =	vld [tilespmem:$0x370]  }
0x305: {  	v0 =	vadd.f32 v3, v0  }
0x306: {  	v3 =	vld [tilespmem:$0x700]  }
0x307: {  	v0 =	vadd.f32 v1, v0  }
0x308: {  	v1 =	vld [tilespmem:$0x710]  }
0x309: {  	v0 =	vadd.f32 v2, v0  }
0x30a: {  	v2 =	vld [tilespmem:$0x720]  }
0x30b: {  	v0 =	vadd.f32 v3, v0  }
0x30c: {  	v3 =	vld [tilespmem:$0x730]  }
0x30d: {  	v0 =	vadd.f32 v1, v0  }
0x30e: {  	v1 =	vld [tilespmem:$0x740]  }
0x30f: {  	v0 =	vadd.f32 v2, v0  }
0x310: {  	v2 =	vld [tilespmem:$0x750]  }
0x311: {  	v0 =	vadd.f32 v3, v0  }
0x312: {  	v3 =	vld [tilespmem:$0x760]  }
0x313: {  	v0 =	vadd.f32 v1, v0  }
0x314: {  	v1 =	vld [tilespmem:$0x770]  }
0x315: {  	v0 =	vadd.f32 v2, v0  }
0x316: {  	v2 =	vld [tilespmem:$0xB00]  }
0x317: {  	v0 =	vadd.f32 v3, v0  }
0x318: {  	v3 =	vld [tilespmem:$0xB10]  }
0x319: {  	v0 =	vadd.f32 v1, v0  }
0x31a: {  	v1 =	vld [tilespmem:$0xB20]  }
0x31b: {  	v0 =	vadd.f32 v2, v0  }
0x31c: {  	v2 =	vld [tilespmem:$0xB30]  }
0x31d: {  	v0 =	vadd.f32 v3, v0  }
0x31e: {  	v3 =	vld [tilespmem:$0xB40]  }
0x31f: {  	v0 =	vadd.f32 v1, v0  }
0x320: {  	v1 =	vld [tilespmem:$0xB50]  }
0x321: {  	v0 =	vadd.f32 v2, v0  }
0x322: {  	v2 =	vld [tilespmem:$0xB60]  }
0x323: {  	v0 =	vadd.f32 v3, v0  }
0x324: {  	v3 =	vld [tilespmem:$0xB70]  }
0x325: {  	v0 =	vadd.f32 v1, v0  }
0x326: {  	v1 =	vld [tilespmem:$0xF00]  }
0x327: {  	v0 =	vadd.f32 v2, v0  }
0x328: {  	v2 =	vld [tilespmem:$0xF10]  }
0x329: {  	v0 =	vadd.f32 v3, v0  }
0x32a: {  	v3 =	vld [tilespmem:$0xF20]  }
0x32b: {  	v0 =	vadd.f32 v1, v0  }
0x32c: {  	v1 =	vld [tilespmem:$0xF30]  }
0x32d: {  	v0 =	vadd.f32 v2, v0  }
0x32e: {  	v2 =	vld [tilespmem:$0xF40]  }
0x32f: {  	v0 =	vadd.f32 v3, v0  }
0x330: {  	v3 =	vld [tilespmem:$0xF50]  }
0x331: {  	v0 =	vadd.f32 v1, v0  }
0x332: {  	v1 =	vld [tilespmem:$0xF60]  }
0x333: {  	v0 =	vadd.f32 v2, v0  }
0x334: {  	v2 =	vld [tilespmem:$0xF70]  }
0x335: {  	v0 =	vadd.f32 v3, v0  }
0x336: {  	v3 =	vld [tilespmem:$0x1300]  }
0x337: {  	v0 =	vadd.f32 v1, v0  }
0x338: {  	v1 =	vld [tilespmem:$0x1310]  }
0x339: {  	v0 =	vadd.f32 v2, v0  }
0x33a: {  	v2 =	vld [tilespmem:$0x1320]  }
0x33b: {  	v0 =	vadd.f32 v3, v0  }
0x33c: {  	v3 =	vld [tilespmem:$0x1330]  }
0x33d: {  	v0 =	vadd.f32 v1, v0  }
0x33e: {  	v1 =	vld [tilespmem:$0x1340]  }
0x33f: {  	v0 =	vadd.f32 v2, v0  }
0x340: {  	v2 =	vld [tilespmem:$0x1350]  }
0x341: {  	v0 =	vadd.f32 v3, v0  }
0x342: {  	v3 =	vld [tilespmem:$0x1360]  }
0x343: {  	v0 =	vadd.f32 v1, v0  }
0x344: {  	v1 =	vld [tilespmem:$0x1370]  }
0x345: {  	v0 =	vadd.f32 v2, v0  }
0x346: {  	v2 =	vld [tilespmem:$0x1700]  }
0x347: {  	v0 =	vadd.f32 v3, v0  }
0x348: {  	v3 =	vld [tilespmem:$0x1710]  }
0x349: {  	v0 =	vadd.f32 v1, v0  }
0x34a: {  	v1 =	vld [tilespmem:$0x1720]  }
0x34b: {  	v0 =	vadd.f32 v2, v0  }
0x34c: {  	v2 =	vld [tilespmem:$0x1730]  }
0x34d: {  	v0 =	vadd.f32 v3, v0  }
0x34e: {  	v3 =	vld [tilespmem:$0x1740]  }
0x34f: {  	v0 =	vadd.f32 v1, v0  }
0x350: {  	v1 =	vld [tilespmem:$0x1750]  }
0x351: {  	v0 =	vadd.f32 v2, v0  }
0x352: {  	v2 =	vld [tilespmem:$0x1760]  }
0x353: {  	v0 =	vadd.f32 v3, v0  }
0x354: {  	v3 =	vld [tilespmem:$0x1770]  }
0x355: {  	v0 =	vadd.f32 v1, v0  }
0x356: {  	v1 =	vld [tilespmem:$0x1B00]  }
0x357: {  	v0 =	vadd.f32 v2, v0  }
0x358: {  	v2 =	vld [tilespmem:$0x1B10]  }
0x359: {  	v0 =	vadd.f32 v3, v0  }
0x35a: {  	v3 =	vld [tilespmem:$0x1B20]  }
0x35b: {  	v0 =	vadd.f32 v1, v0  }
0x35c: {  	v1 =	vld [tilespmem:$0x1B30]  }
0x35d: {  	v0 =	vadd.f32 v2, v0  }
0x35e: {  	v2 =	vld [tilespmem:$0x1B40]  }
0x35f: {  	v0 =	vadd.f32 v3, v0  }
0x360: {  	v3 =	vld [tilespmem:$0x1B50]  }
0x361: {  	v0 =	vadd.f32 v1, v0  }
0x362: {  	v1 =	vld [tilespmem:$0x1B60]  }
0x363: {  	v0 =	vadd.f32 v2, v0  }
0x364: {  	v2 =	vld [tilespmem:$0x1B70]  }
0x365: {  	v0 =	vadd.f32 v3, v0  }
0x366: {  	v3 =	vld [tilespmem:$0x1F00]  }
0x367: {  	v0 =	vadd.f32 v1, v0  }
0x368: {  	v1 =	vld [tilespmem:$0x1F10]  }
0x369: {  	v0 =	vadd.f32 v2, v0  }
0x36a: {  	v2 =	vld [tilespmem:$0x1F20]  }
0x36b: {  	v0 =	vadd.f32 v3, v0  }
0x36c: {  	v3 =	vld [tilespmem:$0x1F30]  }
0x36d: {  	v0 =	vadd.f32 v1, v0  }
0x36e: {  	v1 =	vld [tilespmem:$0x1F40]  }
0x36f: {  	v0 =	vadd.f32 v2, v0  }
0x370: {  	v2 =	vld [tilespmem:$0x1F50]  }
0x371: {  	v0 =	vadd.f32 v3, v0  }
0x372: {  	v3 =	vld [tilespmem:$0x380]  }
0x373: {  	v0 =	vadd.f32 v1, v0  }
0x374: {  	v1 =	vld [tilespmem:$0x390]  }
0x375: {  	v0 =	vadd.f32 v2, v0  }
0x376: {  	v2 =	vld [tilespmem:$0x3A0]  }
0x377: {  	v0 =	vadd.f32 v3, v0  }
0x378: {  	v3 =	vld [tilespmem:$0x3B0]  }
0x379: {  	v0 =	vadd.f32 v1, v0  }
0x37a: {  	v1 =	vld [tilespmem:$0x3C0]  }
0x37b: {  	v0 =	vadd.f32 v2, v0  }
0x37c: {  	v2 =	vld [tilespmem:$0x3D0]  }
0x37d: {  	v0 =	vadd.f32 v3, v0  }
0x37e: {  	v3 =	vld [tilespmem:$0x3E0]  }
0x37f: {  	v0 =	vadd.f32 v1, v0  }
0x380: {  	v1 =	vld [tilespmem:$0x3F0]  }
0x381: {  	v0 =	vadd.f32 v2, v0  }
0x382: {  	v2 =	vld [tilespmem:$0x780]  }
0x383: {  	v0 =	vadd.f32 v3, v0  }
0x384: {  	v3 =	vld [tilespmem:$0x790]  }
0x385: {  	v0 =	vadd.f32 v1, v0  }
0x386: {  	v1 =	vld [tilespmem:$0x7A0]  }
0x387: {  	v0 =	vadd.f32 v2, v0  }
0x388: {  	v2 =	vld [tilespmem:$0x7B0]  }
0x389: {  	v0 =	vadd.f32 v3, v0  }
0x38a: {  	v3 =	vld [tilespmem:$0x7C0]  }
0x38b: {  	v0 =	vadd.f32 v1, v0  }
0x38c: {  	v1 =	vld [tilespmem:$0x7D0]  }
0x38d: {  	v0 =	vadd.f32 v2, v0  }
0x38e: {  	v2 =	vld [tilespmem:$0x7E0]  }
0x38f: {  	v0 =	vadd.f32 v3, v0  }
0x390: {  	v3 =	vld [tilespmem:$0x7F0]  }
0x391: {  	v0 =	vadd.f32 v1, v0  }
0x392: {  	v1 =	vld [tilespmem:$0xB80]  }
0x393: {  	v0 =	vadd.f32 v2, v0  }
0x394: {  	v2 =	vld [tilespmem:$0xB90]  }
0x395: {  	v0 =	vadd.f32 v3, v0  }
0x396: {  	v3 =	vld [tilespmem:$0xBA0]  }
0x397: {  	v0 =	vadd.f32 v1, v0  }
0x398: {  	v1 =	vld [tilespmem:$0xBB0]  }
0x399: {  	v0 =	vadd.f32 v2, v0  }
0x39a: {  	v2 =	vld [tilespmem:$0xBC0]  }
0x39b: {  	v0 =	vadd.f32 v3, v0  }
0x39c: {  	v3 =	vld [tilespmem:$0xBD0]  }
0x39d: {  	v0 =	vadd.f32 v1, v0  }
0x39e: {  	v1 =	vld [tilespmem:$0xBE0]  }
0x39f: {  	v0 =	vadd.f32 v2, v0  }
0x3a0: {  	v2 =	vld [tilespmem:$0xBF0]  }
0x3a1: {  	v0 =	vadd.f32 v3, v0  }
0x3a2: {  	v3 =	vld [tilespmem:$0xF80]  }
0x3a3: {  	v0 =	vadd.f32 v1, v0  }
0x3a4: {  	v1 =	vld [tilespmem:$0xF90]  }
0x3a5: {  	v0 =	vadd.f32 v2, v0  }
0x3a6: {  	v2 =	vld [tilespmem:$0xFA0]  }
0x3a7: {  	v0 =	vadd.f32 v3, v0  }
0x3a8: {  	v3 =	vld [tilespmem:$0xFB0]  }
0x3a9: {  	v0 =	vadd.f32 v1, v0  }
0x3aa: {  	v1 =	vld [tilespmem:$0xFC0]  }
0x3ab: {  	v0 =	vadd.f32 v2, v0  }
0x3ac: {  	v2 =	vld [tilespmem:$0xFD0]  }
0x3ad: {  	v0 =	vadd.f32 v3, v0  }
0x3ae: {  	v3 =	vld [tilespmem:$0xFE0]  }
0x3af: {  	v0 =	vadd.f32 v1, v0  }
0x3b0: {  	v1 =	vld [tilespmem:$0xFF0]  }
0x3b1: {  	v0 =	vadd.f32 v2, v0  }
0x3b2: {  	v2 =	vld [tilespmem:$0x1380]  }
0x3b3: {  	v0 =	vadd.f32 v3, v0  }
0x3b4: {  	v3 =	vld [tilespmem:$0x1390]  }
0x3b5: {  	v0 =	vadd.f32 v1, v0  }
0x3b6: {  	v1 =	vld [tilespmem:$0x13A0]  }
0x3b7: {  	v0 =	vadd.f32 v2, v0  }
0x3b8: {  	v2 =	vld [tilespmem:$0x13B0]  }
0x3b9: {  	v0 =	vadd.f32 v3, v0  }
0x3ba: {  	v3 =	vld [tilespmem:$0x13C0]  }
0x3bb: {  	v0 =	vadd.f32 v1, v0  }
0x3bc: {  	v1 =	vld [tilespmem:$0x13D0]  }
0x3bd: {  	v0 =	vadd.f32 v2, v0  }
0x3be: {  	v2 =	vld [tilespmem:$0x13E0]  }
0x3bf: {  	v0 =	vadd.f32 v3, v0  }
0x3c0: {  	v3 =	vld [tilespmem:$0x13F0]  }
0x3c1: {  	v0 =	vadd.f32 v1, v0  }
0x3c2: {  	v1 =	vld [tilespmem:$0x1780]  }
0x3c3: {  	v0 =	vadd.f32 v2, v0  }
0x3c4: {  	v2 =	vld [tilespmem:$0x1790]  }
0x3c5: {  	v0 =	vadd.f32 v3, v0  }
0x3c6: {  	v3 =	vld [tilespmem:$0x17A0]  }
0x3c7: {  	v0 =	vadd.f32 v1, v0  }
0x3c8: {  	v1 =	vld [tilespmem:$0x17B0]  }
0x3c9: {  	v0 =	vadd.f32 v2, v0  }
0x3ca: {  	v2 =	vld [tilespmem:$0x17C0]  }
0x3cb: {  	v0 =	vadd.f32 v3, v0  }
0x3cc: {  	v3 =	vld [tilespmem:$0x17D0]  }
0x3cd: {  	v0 =	vadd.f32 v1, v0  }
0x3ce: {  	v1 =	vld [tilespmem:$0x17E0]  }
0x3cf: {  	v0 =	vadd.f32 v2, v0  }
0x3d0: {  	v2 =	vld [tilespmem:$0x17F0]  }
0x3d1: {  	v0 =	vadd.f32 v3, v0  }
0x3d2: {  	v3 =	vld [tilespmem:$0x1B80]  }
0x3d3: {  	v0 =	vadd.f32 v1, v0  }
0x3d4: {  	v1 =	vld [tilespmem:$0x1B90]  }
0x3d5: {  	v0 =	vadd.f32 v2, v0  }
0x3d6: {  	v2 =	vld [tilespmem:$0x1BA0]  }
0x3d7: {  	v0 =	vadd.f32 v3, v0  }
0x3d8: {  	v3 =	vld [tilespmem:$0x1BB0]  }
0x3d9: {  	v0 =	vadd.f32 v1, v0  }
0x3da: {  	v1 =	vld [tilespmem:$0x1BC0]  }
0x3db: {  	v0 =	vadd.f32 v2, v0  }
0x3dc: {  	v2 =	vld [tilespmem:$0x1BD0]  }
0x3dd: {  	v0 =	vadd.f32 v3, v0  }
0x3de: {  	v3 =	vld [tilespmem:$0x1BE0]  }
0x3df: {  	v0 =	vadd.f32 v1, v0  }
0x3e0: {  	v1 =	vld [tilespmem:$0x1BF0]  }
0x3e1: {  	v0 =	vadd.f32 v2, v0  }
0x3e2: {  	v2 =	vld [tilespmem:$0x1F80]  }
0x3e3: {  	v0 =	vadd.f32 v3, v0  }
0x3e4: {  	v3 =	vld [tilespmem:$0x1F90]  }
0x3e5: {  	v0 =	vadd.f32 v1, v0  }
0x3e6: {  	v1 =	vld [tilespmem:$0x1FA0]  }
0x3e7: {  	v0 =	vadd.f32 v2, v0  }
0x3e8: {  	v2 =	vld [tilespmem:$0x1FB0]  }
0x3e9: {  	v0 =	vadd.f32 v3, v0  }
0x3ea: {  	v3 =	vld [tilespmem:$0x1FC0]  }
0x3eb: {  	v0 =	vadd.f32 v1, v0  }
0x3ec: {  	p0 =	sne.s32 s9, $0x1C00;
	v1 =	vld [tilespmem:$0x1FD0]  }
.Ltmp0:
0x3ed: {  	v0 =	vadd.f32 v2, v0;
	(pc) =	sbr.rel @p0 .LBB2_2-.Ltmp0, $3  }
0x3ee: {  	_ = 	snop  }
0x3ef: {  	v0 =	vadd.f32 v3, v0;
	_ =	sdelay $0x1  }
0x3f0: {  	s9 =	sadd.s32 $0x400, s9;
	v0 =	vadd.f32 v1, v0  }
0x3f1: {  	s8 =	sadd.s32 $0x1, s8  }
0x3f2: {  	p0 =	sne.s32 s8, s4  }
.Ltmp1:
0x3f3: {  	[tilespmem:$0x2000] =	vst v0;
	(pc) =	sbr.rel @p0 .LBB2_1-.Ltmp1, $4  }
0x3f4: {  	[hbm4b:s3+s2] =	stream.linear.scatter [tilespmem:s7], [sflag:$0x1], $0x80, $0x38;
	[tilespmem:$0x2080] =	vst v63  }
0x3f5: {  	_ =	swait.ge [sflag:s6], $0x80  }
0x3f6: {  	[sflag:s6] =	ssyncset.done $0x0  }
0x3f7: {  	[sflag:s6] =	ssyncadd.s32 $0xFFFFFF80  }
0x3f8: {  	_ =	sfence.sel $0x180000  }
0x3f9: {  	[bflag:$0x0] =	sbarrier.arrive $0xFFFF  }
0x3fa: {  	p0 =	sne.s32 s1, $0x0;
	_ =	strace $0x90000047  }
0x3fb: {  	s0 =	sadd.s32 @!p0 $0x100000, s0;
	[bflag:$0x2] =	sbarrier.arrive $0xFFFF  }
0x3fc: {  	[sflag:s0] =	ssyncadd.tile.s32 @!p0 $0x1;
	_ =	shalt  }
.Lfunc_end2:
_tile_overlayer_lowered:
.L_overlay_start_2:
0x3fd: {  	(tag) =	ssettag $0x2  }
0x3fe: {  	s0 =	rddreg [dreg:$0x0];
	s2 =	stileid.u32  }
0x3ff: {  	s1 =	rddreg [dreg:$0x1];
	p0 =	sne.s32 s2, $0x0  }
0x400: {  	s3 =	rddreg [dreg:$0x2];
	[bflag:$0x3] =	sbarrier.arrive $0xFFFF;
	s2 =	simm.s32 @!p0 $0x1C01  }
0x401: {  	[timem:s3], [sflag:s2] =	dma.local @!p0 [hbm:s0], s1  }
0x402: {  	s0 =	simm.s32 @!p0 $0x1  }
0x403: {  	_ =	swait.ge @!p0 [sflag:s0], s1  }
0x404: {  	s1 =	ssub.s32 @!p0 $0x0, s1;
	[sflag:s0] =	ssyncset.done @!p0 $0x0  }
0x405: {  	[sflag:s0] =	ssyncadd.s32 @!p0 s1  }
0x406: {  	[bflag:$0x3] =	sbarrier.arrive $0xFFFF  }
0x407: {  	_ =	shalt  }

</sc_bundles>
